<compile_context>
chip_gen: v7x
topology: tpu7x:2x2x1
jax: 0.10.2.dev20260603
libtpu: 0.0.44.dev20260713+nightly
codegen_flags: <defaults>
</compile_context>

<pallas_src>
import functools

import jax
import jax.numpy as jnp
from jax import lax
from jax.experimental import pallas as pl
from jax.experimental.pallas import tpu as pltpu
from jax.experimental.pallas import tpu_sc as plsc

NUM_FIXED = 1000000
NUM_TO_LEARN = 1000
EMBED_DIM = 64
PAD_DIM = 128
BATCH = 16384
HIST_LEN = 50
HIST_PAD = 56

NUM_WORKERS = 32
B_PER_WORKER = BATCH // NUM_WORKERS
B_CHUNK = 8
ROWS = B_CHUNK * HIST_LEN
NCHUNKS = B_PER_WORKER // B_CHUNK
LANES = 16


def _embed_kernel(fixed_hbm, train_hbm, idx_hbm, out_hbm,
                  train_v, idx_raw0, idx_raw1, idx_fix0, idx_fix1,
                  gbuf0, gbuf1, gsem0, gsem1, ssem0, ssem1, tsem):
    wid = lax.axis_index("s") * 2 + lax.axis_index("c")
    b_base = wid * B_PER_WORKER
    bufs = ((idx_raw0, idx_fix0, gbuf0, gsem0, ssem0),
            (idx_raw1, idx_fix1, gbuf1, gsem1, ssem1))

    pltpu.async_copy(train_hbm, train_v, tsem).wait()

    def out_slice(k):
        return out_hbm.at[pl.ds(b_base + k * B_CHUNK, B_CHUNK),
                          pl.ds(0, HIST_LEN), pl.ds(0, EMBED_DIM)]

    def gather_copies(idx_fix, gbuf, gsem):
        return [pltpu.make_async_copy(
                    fixed_hbm.at[idx_fix.at[bb]],
                    gbuf.at[bb], gsem)
                for bb in range(B_CHUNK)]

    def prep(k, buf):
        idx_raw, idx_fix, gbuf, gsem, _ = buf
        pltpu.sync_copy(
            idx_hbm.at[pl.ds((b_base + k * B_CHUNK) * HIST_LEN, ROWS)],
            idx_raw)

        def clamp_body(i, gmax):
            flat = i * LANES + lax.iota(jnp.int32, LANES)
            g = idx_raw[pl.ds(i * LANES, LANES)]
            plsc.store_scatter(idx_fix, [flat // HIST_LEN, flat % HIST_LEN],
                               2 * jnp.minimum(g, NUM_FIXED - 1))
            return jnp.maximum(gmax, jnp.max(g))
        gmax = lax.fori_loop(0, ROWS // LANES, clamp_body, 0)
        for c in gather_copies(idx_fix, gbuf, gsem):
            c.start()
        return gmax

    def drain_store(k, buf):
        _, _, gbuf, _, ssem = buf
        pltpu.make_async_copy(gbuf, out_slice(k), ssem).wait()

    def work(k, buf, gmax):
        idx_raw, idx_fix, gbuf, gsem, ssem = buf
        for c in gather_copies(idx_fix, gbuf, gsem):
            c.wait()

        @pl.when(gmax >= NUM_FIXED)
        def _():
            def fix_body(i, _):
                g = idx_raw[pl.ds(i * LANES, LANES)]
                @pl.when(jnp.max(g) >= NUM_FIXED)
                def _():
                    m = g >= NUM_FIXED
                    trow = jnp.maximum(g - NUM_FIXED, 0)
                    flat = i * LANES + lax.iota(jnp.int32, LANES)
                    brow = flat // HIST_LEN
                    hrow = flat % HIST_LEN
                    for c in range(EMBED_DIM):
                        col = jnp.full((LANES,), c, jnp.int32)
                        v = plsc.load_gather(train_v, [trow, col], mask=m)
                        plsc.store_scatter(gbuf, [brow, hrow, col], v,
                                           mask=m)
                return 0
            lax.fori_loop(0, ROWS // LANES, fix_body, 0)

        pltpu.make_async_copy(gbuf, out_slice(k), ssem).start()

    gmax0_init = prep(0, bufs[0])

    def body(i, gmax0):
        k = 2 * i
        @pl.when(i > 0)
        def _():
            drain_store(k - 1, bufs[1])
        gmax1 = prep(k + 1, bufs[1])
        work(k, bufs[0], gmax0)

        def refill():
            drain_store(k, bufs[0])
            return prep(k + 2, bufs[0])
        next_gmax0 = lax.cond(i < NCHUNKS // 2 - 1, refill, lambda: 0)
        work(k + 1, bufs[1], gmax1)
        return next_gmax0

    lax.fori_loop(0, NCHUNKS // 2, body, gmax0_init)
    drain_store(NCHUNKS - 2, bufs[0])
    drain_store(NCHUNKS - 1, bufs[1])


@jax.jit
def kernel(fixed_weights, trainable_weight, inp):
    idx = inp.reshape(BATCH * HIST_LEN).astype(jnp.int32)
    fixed_p = jnp.pad(fixed_weights, ((0, 0), (0, PAD_DIM - EMBED_DIM)))
    fixed_2x = fixed_p.reshape(2 * NUM_FIXED, EMBED_DIM)
    mesh = plsc.VectorSubcoreMesh(core_axis_name="c", subcore_axis_name="s")
    run = functools.partial(
        pl.kernel, mesh=mesh,
        compiler_params=pltpu.CompilerParams(
            use_tc_tiling_on_sc=False, needs_layout_passes=False),
        out_type=jax.ShapeDtypeStruct((BATCH, HIST_PAD, PAD_DIM),
                                      jnp.float32),
        scratch_types=[
            pltpu.VMEM((NUM_TO_LEARN, EMBED_DIM), jnp.float32),
            pltpu.VMEM((ROWS,), jnp.int32),
            pltpu.VMEM((ROWS,), jnp.int32),
            pltpu.VMEM((B_CHUNK, HIST_LEN), jnp.int32),
            pltpu.VMEM((B_CHUNK, HIST_LEN), jnp.int32),
            pltpu.VMEM((B_CHUNK, HIST_LEN, EMBED_DIM), jnp.float32),
            pltpu.VMEM((B_CHUNK, HIST_LEN, EMBED_DIM), jnp.float32),
            pltpu.SemaphoreType.DMA,
            pltpu.SemaphoreType.DMA,
            pltpu.SemaphoreType.DMA,
            pltpu.SemaphoreType.DMA,
            pltpu.SemaphoreType.DMA,
        ],
    )(_embed_kernel)
    out_p = run(fixed_2x, trainable_weight, idx)
    return out_p[:, :HIST_LEN, :EMBED_DIM]

# --- scband reference (transcript-rebuilt; emitter-appended) ---
"""Pipeline reference for scband-partially-fixed-embedding-35253091565933 (READ-ONLY COPY).

The authoritative reference and input builder live on the scoring server;
editing this copy changes nothing except your own understanding.
"""

import jax, jax.numpy as jnp
import numpy as np

NUM_FIXED = 1000000
NUM_TO_LEARN = 1000
EMBED_DIM = 64
BATCH = 16384
HIST_LEN = 50


def setup_inputs(seed: int = 0) -> dict:
    key = jax.random.key(seed)
    k1, k2, k3 = jax.random.split(key, 3)
    fixed_weights = jax.random.normal(k1, (NUM_FIXED, EMBED_DIM), dtype=jnp.float32)
    # nn.init.kaiming_uniform_ (a=0, fan_in=EMBED_DIM): bound = sqrt(6 / fan_in)
    bound = float(np.sqrt(6.0 / EMBED_DIM))
    trainable_weight = jax.random.uniform(k2, (NUM_TO_LEARN, EMBED_DIM), minval=-bound, maxval=bound, dtype=jnp.float32)
    inp = jax.random.randint(k3, (BATCH, HIST_LEN), 0, NUM_FIXED + NUM_TO_LEARN, dtype=jnp.int64)
    return {"fixed_weights": fixed_weights, "trainable_weight": trainable_weight, "inp": inp}


def reference(fixed_weights, trainable_weight, inp):
    # forward: weight buffer = [fixed ; trainable], then embedding gather
    weight = jnp.concatenate([fixed_weights, trainable_weight], axis=0)
    return jnp.take(weight, inp, axis=0)

if __name__ == "__main__":
    import jax
    _d = setup_inputs()
    print(jax.jit(kernel)(*tuple(_d.values())))

</pallas_src>

<mosaic_0001>
#map = affine_map<(d0, d1) -> (0, 0)>
#map1 = affine_map<(d0, d1) -> (0)>
#map2 = affine_map<(d0, d1) -> (0, 0, 0)>
module attributes {stable_mosaic.version = 14 : i64} {
  func.func @_embed_kernel(%arg0: i32, %arg1: i32, %arg2: memref<2000000x64xf32, #tpu.memory_space<hbm>>, %arg3: memref<1000x64xf32, #tpu.memory_space<hbm>>, %arg4: memref<819200xi32, #tpu.memory_space<hbm>>, %arg5: memref<16384x56x128xf32, #tpu.memory_space<hbm>>, %arg6: memref<1000x64xf32, #tpu.memory_space<vmem>>, %arg7: memref<400xi32, #tpu.memory_space<vmem>>, %arg8: memref<400xi32, #tpu.memory_space<vmem>>, %arg9: memref<8x50xi32, #tpu.memory_space<vmem>>, %arg10: memref<8x50xi32, #tpu.memory_space<vmem>>, %arg11: memref<8x50x64xf32, #tpu.memory_space<vmem>>, %arg12: memref<8x50x64xf32, #tpu.memory_space<vmem>>, %arg13: memref<!tpu.dma_semaphore, #tpu.memory_space<semaphore_mem>>, %arg14: memref<!tpu.dma_semaphore, #tpu.memory_space<semaphore_mem>>, %arg15: memref<!tpu.dma_semaphore, #tpu.memory_space<semaphore_mem>>, %arg16: memref<!tpu.dma_semaphore, #tpu.memory_space<semaphore_mem>>, %arg17: memref<!tpu.dma_semaphore, #tpu.memory_space<semaphore_mem>>) attributes {dimension_semantics = [#tpu.dimension_semantics<core_parallel>, #tpu.dimension_semantics<subcore_parallel>], iteration_bounds = array<i64: 2, 16>, scalar_prefetch = 0 : i64, scratch_operands = 12 : i64, tpu.core_type = #tpu.core_type<sc_vector_subcore>, window_params = [{transform_indices = #map}, {transform_indices = #map}, {transform_indices = #map1}, {transform_indices = #map2}]} {
    %mul3A = arith.constant 2 : i32
    %mul3A_0 = arith.muli %arg1, %mul3A : i32
    %add3A = arith.addi %mul3A_0, %arg0 : i32
    %mul3A_1 = arith.constant 512 : i32
    %mul3A_2 = arith.muli %add3A, %mul3A_1 : i32
    tpu.enqueue_dma source(%arg3 : memref<1000x64xf32, #tpu.memory_space<hbm>>) target(%arg6 : memref<1000x64xf32, #tpu.memory_space<vmem>>) target_semaphore(%arg17 : memref<!tpu.dma_semaphore, #tpu.memory_space<semaphore_mem>>)
    tpu.wait_dma2 semaphore(%arg17 : memref<!tpu.dma_semaphore, #tpu.memory_space<semaphore_mem>>) src(%arg3 : memref<1000x64xf32, #tpu.memory_space<hbm>>) dst(%arg6 : memref<1000x64xf32, #tpu.memory_space<vmem>>)
    %add3A_3 = arith.constant 0 : i32
    %add3A_4 = arith.addi %mul3A_2, %add3A_3 : i32
    %mul3A_5 = arith.constant 50 : i32
    %mul3A_6 = arith.muli %add3A_4, %mul3A_5 : i32
    "tpu.region"() ({
      %run_scoped3A = tpu.sem_alloc : memref<!tpu.dma_semaphore, #tpu.memory_space<semaphore_mem>>
      %dma_start3A_129 = tpu.memref_slice %arg4[%mul3A_6] : memref<819200xi32, #tpu.memory_space<hbm>> -> memref<400xi32, #tpu.memory_space<hbm>>
      %dma_start3A_130 = tpu.memref_slice %arg4[%mul3A_6] : memref<819200xi32, #tpu.memory_space<hbm>> -> memref<400xi32, #tpu.memory_space<hbm>>
      tpu.enqueue_dma source(%dma_start3A_130 : memref<400xi32, #tpu.memory_space<hbm>>) target(%arg7 : memref<400xi32, #tpu.memory_space<vmem>>) target_semaphore(%run_scoped3A : memref<!tpu.dma_semaphore, #tpu.memory_space<semaphore_mem>>)
      %dma_wait3A_131 = tpu.memref_slice %arg4[%mul3A_6] : memref<819200xi32, #tpu.memory_space<hbm>> -> memref<400xi32, #tpu.memory_space<hbm>>
      %dma_wait3A_132 = tpu.memref_slice %arg4[%mul3A_6] : memref<819200xi32, #tpu.memory_space<hbm>> -> memref<400xi32, #tpu.memory_space<hbm>>
      tpu.wait_dma2 semaphore(%run_scoped3A : memref<!tpu.dma_semaphore, #tpu.memory_space<semaphore_mem>>) src(%dma_wait3A_132 : memref<400xi32, #tpu.memory_space<hbm>>) dst(%arg7 : memref<400xi32, #tpu.memory_space<vmem>>)
      tpu.yield
    }) : () -> ()
    %scan3A = arith.constant 0 : i32
    %scan3A_7 = arith.constant 0 : i32
    %scan3A_8 = arith.constant 25 : i32
    %scan3A_9 = arith.addi %scan3A_7, %scan3A_8 : i32
    %scan3A_10 = arith.constant 1 : i32
    %scan3A_11 = scf.for %scan3A_129 = %scan3A_7 to %scan3A_9 step %scan3A_10 iter_args(%scan3A_130 = %scan3A) -> (i32)  : i32 {
      %mul3A_131 = arith.constant 16 : i32
      %mul3A_132 = arith.muli %scan3A_129, %mul3A_131 : i32
      %iota3A = tpu.iota {dimensions = array<i32: 0>} : vector<16xi32>
      %add3A_133 = vector.broadcast %mul3A_132 : i32 to vector<16xi32>
      %add3A_134 = arith.addi %add3A_133, %iota3A : vector<16xi32>
      %mul3A_135 = arith.constant 16 : i32
      %mul3A_136 = arith.muli %scan3A_129, %mul3A_135 : i32
      %get3A = arith.index_cast %mul3A_136 : i32 to index
      %get3A_137 = tpu.vector_load %arg7[%get3A] {strides = array<i32>} : memref<400xi32, #tpu.memory_space<vmem>>, vector<16xi32>,
      %jit3A = arith.constant 50 : i32
      %div3A = vector.broadcast %jit3A : i32 to vector<16xi32>
      %div3A_138 = arith.divsi %add3A_134, %div3A : vector<16xi32>
      %sign3A = arith.constant 0 : i32
      %sign3A_139 = vector.broadcast %sign3A : i32 to vector<16xi32>
      %sign3A_140 = arith.cmpi sgt, %add3A_134, %sign3A_139 : vector<16xi32>
      %sign3A_141 = arith.extui %sign3A_140 : vector<16xi1> to vector<16xi32>
      %sign3A_142 = arith.constant 0 : i32
      %sign3A_143 = vector.broadcast %sign3A_142 : i32 to vector<16xi32>
      %sign3A_144 = arith.cmpi slt, %add3A_134, %sign3A_143 : vector<16xi32>
      %sign3A_145 = arith.extui %sign3A_144 : vector<16xi1> to vector<16xi32>
      %sign3A_146 = arith.subi %sign3A_141, %sign3A_145 : vector<16xi32>
      %sign3A_147 = arith.constant 0 : i32
      %sign3A_148 = arith.cmpi sgt, %jit3A, %sign3A_147 : i32
      %sign3A_149 = arith.extui %sign3A_148 : i1 to i32
      %sign3A_150 = arith.constant 0 : i32
      %sign3A_151 = arith.cmpi slt, %jit3A, %sign3A_150 : i32
      %sign3A_152 = arith.extui %sign3A_151 : i1 to i32
      %sign3A_153 = arith.subi %sign3A_149, %sign3A_152 : i32
      %ne3A = vector.broadcast %sign3A_153 : i32 to vector<16xi32>
      %ne3A_154 = arith.cmpi ne, %sign3A_146, %ne3A : vector<16xi32>
      %rem3A = vector.broadcast %jit3A : i32 to vector<16xi32>
      %rem3A_155 = arith.remsi %add3A_134, %rem3A : vector<16xi32>
      %ne3A_156 = arith.constant 0 : i32
      %ne3A_157 = vector.broadcast %ne3A_156 : i32 to vector<16xi32>
      %ne3A_158 = arith.cmpi ne, %rem3A_155, %ne3A_157 : vector<16xi32>
      %and3A = arith.andi %ne3A_154, %ne3A_158 : vector<16xi1>
      %sub3A = arith.constant 1 : i32
      %sub3A_159 = vector.broadcast %sub3A : i32 to vector<16xi32>
      %sub3A_160 = arith.subi %div3A_138, %sub3A_159 : vector<16xi32>
      %select_n3A = arith.select %and3A, %sub3A_160, %div3A_138 : vector<16xi1>, vector<16xi32>
      %jit3A_161 = arith.constant 50 : i32
      %eq3A = arith.constant 0 : i32
      %eq3A_162 = arith.cmpi eq, %jit3A_161, %eq3A : i32
      %jit3A_163 = arith.constant 1 : i32
      %select_n3A_164 = arith.select %eq3A_162, %jit3A_163, %jit3A_161 : i32
      %rem3A_165 = vector.broadcast %select_n3A_164 : i32 to vector<16xi32>
      %rem3A_166 = arith.remsi %add3A_134, %rem3A_165 : vector<16xi32>
      %ne3A_167 = arith.constant 0 : i32
      %ne3A_168 = vector.broadcast %ne3A_167 : i32 to vector<16xi32>
      %ne3A_169 = arith.cmpi ne, %rem3A_166, %ne3A_168 : vector<16xi32>
      %lt3A = arith.constant 0 : i32
      %lt3A_170 = vector.broadcast %lt3A : i32 to vector<16xi32>
      %lt3A_171 = arith.cmpi slt, %rem3A_166, %lt3A_170 : vector<16xi32>
      %lt3A_172 = arith.constant 0 : i32
      %lt3A_173 = arith.cmpi slt, %select_n3A_164, %lt3A_172 : i32
      %ne3A_174 = vector.broadcast %lt3A_173 : i1 to vector<16xi1>
      %ne3A_175 = vector.broadcast %ne3A_174 : vector<16xi1> to vector<16xi1>
      %ne3A_176 = arith.xori %lt3A_171, %ne3A_175 : vector<16xi1>
      %and3A_177 = arith.andi %ne3A_176, %ne3A_169 : vector<16xi1>
      %add3A_178 = vector.broadcast %select_n3A_164 : i32 to vector<16xi32>
      %add3A_179 = arith.addi %rem3A_166, %add3A_178 : vector<16xi32>
      %select_n3A_180 = arith.select %and3A_177, %add3A_179, %rem3A_166 : vector<16xi1>, vector<16xi32>
      %min3A = arith.constant 999999 : i32
      %min3A_181 = vector.broadcast %min3A : i32 to vector<16xi32>
      %min3A_182 = arith.minsi %get3A_137, %min3A_181 : vector<16xi32>
      %mul3A_183 = arith.constant 2 : i32
      %mul3A_184 = vector.broadcast %mul3A_183 : i32 to vector<16xi32>
      %mul3A_185 = arith.muli %mul3A_184, %min3A_182 : vector<16xi32>
      tpu.vector_store_idx %arg9[%select_n3A, %select_n3A_180], %mul3A_185 : memref<8x50xi32, #tpu.memory_space<vmem>>[vector<16xi32>, vector<16xi32>], vector<16xi32>,
      %reduce_max3A = arith.constant true
      %reduce_max3A_186 = vector.broadcast %reduce_max3A : i1 to vector<16xi1>
      %reduce_max3A_187 = arith.constant -2147483648 : i32
      %reduce_max3A_188 = vector.broadcast %reduce_max3A_187 : i32 to vector<16xi32>
      %reduce_max3A_189 = arith.xori %get3A_137, %reduce_max3A_188 : vector<16xi32>
      %reduce_max3A_190 = tpu.scan <max>, %reduce_max3A_189 masked %reduce_max3A_186 : vector<16xi32>, vector<16xi1> -> vector<16xi32>
      %reduce_max3A_191 = arith.xori %reduce_max3A_190, %reduce_max3A_188 : vector<16xi32>
      %reduce_max3A_192 = vector.extract %reduce_max3A_191[15] : i32 from vector<16xi32>
      %max3A = arith.maxsi %scan3A_130, %reduce_max3A_192 : i32
      scf.yield %max3A : i32
    }
    %scan3A_12 = arith.constant 25 : i32
    %dma_start3A = arith.constant 0 : i32
    %dma_start3A_13 = arith.constant 0 : i32
    %dma_start3A_14 = arith.constant 0 : i32
    %dma_start3A_15 = arith.constant 0 : i32
    %dma_start3A_16 = tpu.memref_slice %arg11[%dma_start3A_13, %dma_start3A_14, %dma_start3A_15] : memref<8x50x64xf32, #tpu.memory_space<vmem>> -> memref<1x50x64xf32, #tpu.memory_space<vmem>>
    %dma_start3A_17 = tpu.memref_squeeze %dma_start3A_16 : memref<1x50x64xf32, #tpu.memory_space<vmem>> -> memref<50x64xf32, #tpu.memory_space<vmem>>
    %dma_start3A_18 = arith.constant 0 : i32
    %dma_start3A_19 = tpu.memref_slice %arg9[%dma_start3A, %dma_start3A_18] : memref<8x50xi32, #tpu.memory_space<vmem>> -> memref<1x50xi32, #tpu.memory_space<vmem>>
    %dma_start3A_20 = tpu.memref_squeeze %dma_start3A_19 : memref<1x50xi32, #tpu.memory_space<vmem>> -> memref<50xi32, #tpu.memory_space<vmem>>
    %dma_start3A_21 = arith.constant 0 : i32
    %dma_start3A_22 = arith.constant 0 : i32
    %dma_start3A_23 = tpu.memref_slice %arg2[%dma_start3A_21, %dma_start3A_22] : memref<2000000x64xf32, #tpu.memory_space<hbm>> -> memref<2000000x64xf32, #tpu.memory_space<hbm>>
    tpu.enqueue_indirect_dma source(%dma_start3A_23 : memref<2000000x64xf32, #tpu.memory_space<hbm>>) target(%dma_start3A_17 : memref<50x64xf32, #tpu.memory_space<vmem>>) offsets(%dma_start3A_20 : memref<50xi32, #tpu.memory_space<vmem>>) semaphore(%arg13 : memref<!tpu.dma_semaphore, #tpu.memory_space<semaphore_mem>>)
    %dma_start3A_24 = arith.constant 1 : i32
    %dma_start3A_25 = arith.constant 1 : i32
    %dma_start3A_26 = arith.constant 0 : i32
    %dma_start3A_27 = arith.constant 0 : i32
    %dma_start3A_28 = tpu.memref_slice %arg11[%dma_start3A_25, %dma_start3A_26, %dma_start3A_27] : memref<8x50x64xf32, #tpu.memory_space<vmem>> -> memref<1x50x64xf32, #tpu.memory_space<vmem>>
    %dma_start3A_29 = tpu.memref_squeeze %dma_start3A_28 : memref<1x50x64xf32, #tpu.memory_space<vmem>> -> memref<50x64xf32, #tpu.memory_space<vmem>>
    %dma_start3A_30 = arith.constant 0 : i32
    %dma_start3A_31 = tpu.memref_slice %arg9[%dma_start3A_24, %dma_start3A_30] : memref<8x50xi32, #tpu.memory_space<vmem>> -> memref<1x50xi32, #tpu.memory_space<vmem>>
    %dma_start3A_32 = tpu.memref_squeeze %dma_start3A_31 : memref<1x50xi32, #tpu.memory_space<vmem>> -> memref<50xi32, #tpu.memory_space<vmem>>
    %dma_start3A_33 = arith.constant 0 : i32
    %dma_start3A_34 = arith.constant 0 : i32
    %dma_start3A_35 = tpu.memref_slice %arg2[%dma_start3A_33, %dma_start3A_34] : memref<2000000x64xf32, #tpu.memory_space<hbm>> -> memref<2000000x64xf32, #tpu.memory_space<hbm>>
    tpu.enqueue_indirect_dma source(%dma_start3A_35 : memref<2000000x64xf32, #tpu.memory_space<hbm>>) target(%dma_start3A_29 : memref<50x64xf32, #tpu.memory_space<vmem>>) offsets(%dma_start3A_32 : memref<50xi32, #tpu.memory_space<vmem>>) semaphore(%arg13 : memref<!tpu.dma_semaphore, #tpu.memory_space<semaphore_mem>>)
    %dma_start3A_36 = arith.constant 2 : i32
    %dma_start3A_37 = arith.constant 2 : i32
    %dma_start3A_38 = arith.constant 0 : i32
    %dma_start3A_39 = arith.constant 0 : i32
    %dma_start3A_40 = tpu.memref_slice %arg11[%dma_start3A_37, %dma_start3A_38, %dma_start3A_39] : memref<8x50x64xf32, #tpu.memory_space<vmem>> -> memref<1x50x64xf32, #tpu.memory_space<vmem>>
    %dma_start3A_41 = tpu.memref_squeeze %dma_start3A_40 : memref<1x50x64xf32, #tpu.memory_space<vmem>> -> memref<50x64xf32, #tpu.memory_space<vmem>>
    %dma_start3A_42 = arith.constant 0 : i32
    %dma_start3A_43 = tpu.memref_slice %arg9[%dma_start3A_36, %dma_start3A_42] : memref<8x50xi32, #tpu.memory_space<vmem>> -> memref<1x50xi32, #tpu.memory_space<vmem>>
    %dma_start3A_44 = tpu.memref_squeeze %dma_start3A_43 : memref<1x50xi32, #tpu.memory_space<vmem>> -> memref<50xi32, #tpu.memory_space<vmem>>
    %dma_start3A_45 = arith.constant 0 : i32
    %dma_start3A_46 = arith.constant 0 : i32
    %dma_start3A_47 = tpu.memref_slice %arg2[%dma_start3A_45, %dma_start3A_46] : memref<2000000x64xf32, #tpu.memory_space<hbm>> -> memref<2000000x64xf32, #tpu.memory_space<hbm>>
    tpu.enqueue_indirect_dma source(%dma_start3A_47 : memref<2000000x64xf32, #tpu.memory_space<hbm>>) target(%dma_start3A_41 : memref<50x64xf32, #tpu.memory_space<vmem>>) offsets(%dma_start3A_44 : memref<50xi32, #tpu.memory_space<vmem>>) semaphore(%arg13 : memref<!tpu.dma_semaphore, #tpu.memory_space<semaphore_mem>>)
    %dma_start3A_48 = arith.constant 3 : i32
    %dma_start3A_49 = arith.constant 3 : i32
    %dma_start3A_50 = arith.constant 0 : i32
    %dma_start3A_51 = arith.constant 0 : i32
    %dma_start3A_52 = tpu.memref_slice %arg11[%dma_start3A_49, %dma_start3A_50, %dma_start3A_51] : memref<8x50x64xf32, #tpu.memory_space<vmem>> -> memref<1x50x64xf32, #tpu.memory_space<vmem>>
    %dma_start3A_53 = tpu.memref_squeeze %dma_start3A_52 : memref<1x50x64xf32, #tpu.memory_space<vmem>> -> memref<50x64xf32, #tpu.memory_space<vmem>>
    %dma_start3A_54 = arith.constant 0 : i32
    %dma_start3A_55 = tpu.memref_slice %arg9[%dma_start3A_48, %dma_start3A_54] : memref<8x50xi32, #tpu.memory_space<vmem>> -> memref<1x50xi32, #tpu.memory_space<vmem>>
    %dma_start3A_56 = tpu.memref_squeeze %dma_start3A_55 : memref<1x50xi32, #tpu.memory_space<vmem>> -> memref<50xi32, #tpu.memory_space<vmem>>
    %dma_start3A_57 = arith.constant 0 : i32
    %dma_start3A_58 = arith.constant 0 : i32
    %dma_start3A_59 = tpu.memref_slice %arg2[%dma_start3A_57, %dma_start3A_58] : memref<2000000x64xf32, #tpu.memory_space<hbm>> -> memref<2000000x64xf32, #tpu.memory_space<hbm>>
    tpu.enqueue_indirect_dma source(%dma_start3A_59 : memref<2000000x64xf32, #tpu.memory_space<hbm>>) target(%dma_start3A_53 : memref<50x64xf32, #tpu.memory_space<vmem>>) offsets(%dma_start3A_56 : memref<50xi32, #tpu.memory_space<vmem>>) semaphore(%arg13 : memref<!tpu.dma_semaphore, #tpu.memory_space<semaphore_mem>>)
    %dma_start3A_60 = arith.constant 4 : i32
    %dma_start3A_61 = arith.constant 4 : i32
    %dma_start3A_62 = arith.constant 0 : i32
    %dma_start3A_63 = arith.constant 0 : i32
    %dma_start3A_64 = tpu.memref_slice %arg11[%dma_start3A_61, %dma_start3A_62, %dma_start3A_63] : memref<8x50x64xf32, #tpu.memory_space<vmem>> -> memref<1x50x64xf32, #tpu.memory_space<vmem>>
    %dma_start3A_65 = tpu.memref_squeeze %dma_start3A_64 : memref<1x50x64xf32, #tpu.memory_space<vmem>> -> memref<50x64xf32, #tpu.memory_space<vmem>>
    %dma_start3A_66 = arith.constant 0 : i32
    %dma_start3A_67 = tpu.memref_slice %arg9[%dma_start3A_60, %dma_start3A_66] : memref<8x50xi32, #tpu.memory_space<vmem>> -> memref<1x50xi32, #tpu.memory_space<vmem>>
    %dma_start3A_68 = tpu.memref_squeeze %dma_start3A_67 : memref<1x50xi32, #tpu.memory_space<vmem>> -> memref<50xi32, #tpu.memory_space<vmem>>
    %dma_start3A_69 = arith.constant 0 : i32
    %dma_start3A_70 = arith.constant 0 : i32
    %dma_start3A_71 = tpu.memref_slice %arg2[%dma_start3A_69, %dma_start3A_70] : memref<2000000x64xf32, #tpu.memory_space<hbm>> -> memref<2000000x64xf32, #tpu.memory_space<hbm>>
    tpu.enqueue_indirect_dma source(%dma_start3A_71 : memref<2000000x64xf32, #tpu.memory_space<hbm>>) target(%dma_start3A_65 : memref<50x64xf32, #tpu.memory_space<vmem>>) offsets(%dma_start3A_68 : memref<50xi32, #tpu.memory_space<vmem>>) semaphore(%arg13 : memref<!tpu.dma_semaphore, #tpu.memory_space<semaphore_mem>>)
    %dma_start3A_72 = arith.constant 5 : i32
    %dma_start3A_73 = arith.constant 5 : i32
    %dma_start3A_74 = arith.constant 0 : i32
    %dma_start3A_75 = arith.constant 0 : i32
    %dma_start3A_76 = tpu.memref_slice %arg11[%dma_start3A_73, %dma_start3A_74, %dma_start3A_75] : memref<8x50x64xf32, #tpu.memory_space<vmem>> -> memref<1x50x64xf32, #tpu.memory_space<vmem>>
    %dma_start3A_77 = tpu.memref_squeeze %dma_start3A_76 : memref<1x50x64xf32, #tpu.memory_space<vmem>> -> memref<50x64xf32, #tpu.memory_space<vmem>>
    %dma_start3A_78 = arith.constant 0 : i32
    %dma_start3A_79 = tpu.memref_slice %arg9[%dma_start3A_72, %dma_start3A_78] : memref<8x50xi32, #tpu.memory_space<vmem>> -> memref<1x50xi32, #tpu.memory_space<vmem>>
    %dma_start3A_80 = tpu.memref_squeeze %dma_start3A_79 : memref<1x50xi32, #tpu.memory_space<vmem>> -> memref<50xi32, #tpu.memory_space<vmem>>
    %dma_start3A_81 = arith.constant 0 : i32
    %dma_start3A_82 = arith.constant 0 : i32
    %dma_start3A_83 = tpu.memref_slice %arg2[%dma_start3A_81, %dma_start3A_82] : memref<2000000x64xf32, #tpu.memory_space<hbm>> -> memref<2000000x64xf32, #tpu.memory_space<hbm>>
    tpu.enqueue_indirect_dma source(%dma_start3A_83 : memref<2000000x64xf32, #tpu.memory_space<hbm>>) target(%dma_start3A_77 : memref<50x64xf32, #tpu.memory_space<vmem>>) offsets(%dma_start3A_80 : memref<50xi32, #tpu.memory_space<vmem>>) semaphore(%arg13 : memref<!tpu.dma_semaphore, #tpu.memory_space<semaphore_mem>>)
    %dma_start3A_84 = arith.constant 6 : i32
    %dma_start3A_85 = arith.constant 6 : i32
    %dma_start3A_86 = arith.constant 0 : i32
    %dma_start3A_87 = arith.constant 0 : i32
    %dma_start3A_88 = tpu.memref_slice %arg11[%dma_start3A_85, %dma_start3A_86, %dma_start3A_87] : memref<8x50x64xf32, #tpu.memory_space<vmem>> -> memref<1x50x64xf32, #tpu.memory_space<vmem>>
    %dma_start3A_89 = tpu.memref_squeeze %dma_start3A_88 : memref<1x50x64xf32, #tpu.memory_space<vmem>> -> memref<50x64xf32, #tpu.memory_space<vmem>>
    %dma_start3A_90 = arith.constant 0 : i32
    %dma_start3A_91 = tpu.memref_slice %arg9[%dma_start3A_84, %dma_start3A_90] : memref<8x50xi32, #tpu.memory_space<vmem>> -> memref<1x50xi32, #tpu.memory_space<vmem>>
    %dma_start3A_92 = tpu.memref_squeeze %dma_start3A_91 : memref<1x50xi32, #tpu.memory_space<vmem>> -> memref<50xi32, #tpu.memory_space<vmem>>
    %dma_start3A_93 = arith.constant 0 : i32
    %dma_start3A_94 = arith.constant 0 : i32
    %dma_start3A_95 = tpu.memref_slice %arg2[%dma_start3A_93, %dma_start3A_94] : memref<2000000x64xf32, #tpu.memory_space<hbm>> -> memref<2000000x64xf32, #tpu.memory_space<hbm>>
    tpu.enqueue_indirect_dma source(%dma_start3A_95 : memref<2000000x64xf32, #tpu.memory_space<hbm>>) target(%dma_start3A_89 : memref<50x64xf32, #tpu.memory_space<vmem>>) offsets(%dma_start3A_92 : memref<50xi32, #tpu.memory_space<vmem>>) semaphore(%arg13 : memref<!tpu.dma_semaphore, #tpu.memory_space<semaphore_mem>>)
    %dma_start3A_96 = arith.constant 7 : i32
    %dma_start3A_97 = arith.constant 7 : i32
    %dma_start3A_98 = arith.constant 0 : i32
    %dma_start3A_99 = arith.constant 0 : i32
    %dma_start3A_100 = tpu.memref_slice %arg11[%dma_start3A_97, %dma_start3A_98, %dma_start3A_99] : memref<8x50x64xf32, #tpu.memory_space<vmem>> -> memref<1x50x64xf32, #tpu.memory_space<vmem>>
    %dma_start3A_101 = tpu.memref_squeeze %dma_start3A_100 : memref<1x50x64xf32, #tpu.memory_space<vmem>> -> memref<50x64xf32, #tpu.memory_space<vmem>>
    %dma_start3A_102 = arith.constant 0 : i32
    %dma_start3A_103 = tpu.memref_slice %arg9[%dma_start3A_96, %dma_start3A_102] : memref<8x50xi32, #tpu.memory_space<vmem>> -> memref<1x50xi32, #tpu.memory_space<vmem>>
    %dma_start3A_104 = tpu.memref_squeeze %dma_start3A_103 : memref<1x50xi32, #tpu.memory_space<vmem>> -> memref<50xi32, #tpu.memory_space<vmem>>
    %dma_start3A_105 = arith.constant 0 : i32
    %dma_start3A_106 = arith.constant 0 : i32
    %dma_start3A_107 = tpu.memref_slice %arg2[%dma_start3A_105, %dma_start3A_106] : memref<2000000x64xf32, #tpu.memory_space<hbm>> -> memref<2000000x64xf32, #tpu.memory_space<hbm>>
    tpu.enqueue_indirect_dma source(%dma_start3A_107 : memref<2000000x64xf32, #tpu.memory_space<hbm>>) target(%dma_start3A_101 : memref<50x64xf32, #tpu.memory_space<vmem>>) offsets(%dma_start3A_104 : memref<50xi32, #tpu.memory_space<vmem>>) semaphore(%arg13 : memref<!tpu.dma_semaphore, #tpu.memory_space<semaphore_mem>>)
    %scan3A_108 = arith.constant 0 : i32
    %scan3A_109 = arith.constant 32 : i32
    %scan3A_110 = arith.addi %scan3A_108, %scan3A_109 : i32
    %scan3A_111 = arith.constant 1 : i32
    %scan3A_112 = scf.for %scan3A_129 = %scan3A_108 to %scan3A_110 step %scan3A_111 iter_args(%scan3A_130 = %scan3A_11) -> (i32)  : i32 {
      %mul3A_131 = arith.constant 2 : i32
      %mul3A_132 = arith.muli %mul3A_131, %scan3A_129 : i32
      %gt3A = arith.constant 0 : i32
      %gt3A_133 = arith.cmpi sgt, %scan3A_129, %gt3A : i32
      %convert_element_type3A = arith.extui %gt3A_133 : i1 to i32
      %cond3A = arith.constant 0 : i32
      %cond3A_134 = arith.cmpi ne, %convert_element_type3A, %cond3A : i32
      scf.if %cond3A_134 {
        %sub3A = arith.constant 1 : i32
        %sub3A_471 = arith.subi %mul3A_132, %sub3A : i32
        %mul3A_472 = arith.constant 8 : i32
        %mul3A_473 = arith.muli %sub3A_471, %mul3A_472 : i32
        %add3A_474 = arith.addi %mul3A_2, %mul3A_473 : i32
        %dma_wait3A_475 = arith.constant 0 : i32
        %dma_wait3A_476 = arith.constant 0 : i32
        %dma_wait3A_477 = tpu.memref_slice %arg5[%add3A_474, %dma_wait3A_475, %dma_wait3A_476] : memref<16384x56x128xf32, #tpu.memory_space<hbm>> -> memref<8x50x64xf32, #tpu.memory_space<hbm>>
        %dma_wait3A_478 = arith.constant 0 : i32
        %dma_wait3A_479 = arith.constant 0 : i32
        %dma_wait3A_480 = tpu.memref_slice %arg5[%add3A_474, %dma_wait3A_478, %dma_wait3A_479] : memref<16384x56x128xf32, #tpu.memory_space<hbm>> -> memref<8x50x64xf32, #tpu.memory_space<hbm>>
        tpu.wait_dma2 semaphore(%arg16 : memref<!tpu.dma_semaphore, #tpu.memory_space<semaphore_mem>>) src(%arg12 : memref<8x50x64xf32, #tpu.memory_space<vmem>>) dst(%dma_wait3A_480 : memref<8x50x64xf32, #tpu.memory_space<hbm>>)
      } else {
      }
      %add3A_135 = arith.constant 1 : i32
      %add3A_136 = arith.addi %mul3A_132, %add3A_135 : i32
      %mul3A_137 = arith.constant 8 : i32
      %mul3A_138 = arith.muli %add3A_136, %mul3A_137 : i32
      %add3A_139 = arith.addi %mul3A_2, %mul3A_138 : i32
      %mul3A_140 = arith.constant 50 : i32
      %mul3A_141 = arith.muli %add3A_139, %mul3A_140 : i32
      "tpu.region"() ({
        %run_scoped3A = tpu.sem_alloc : memref<!tpu.dma_semaphore, #tpu.memory_space<semaphore_mem>>
        %dma_start3A_471 = tpu.memref_slice %arg4[%mul3A_141] : memref<819200xi32, #tpu.memory_space<hbm>> -> memref<400xi32, #tpu.memory_space<hbm>>
        %dma_start3A_472 = tpu.memref_slice %arg4[%mul3A_141] : memref<819200xi32, #tpu.memory_space<hbm>> -> memref<400xi32, #tpu.memory_space<hbm>>
        tpu.enqueue_dma source(%dma_start3A_472 : memref<400xi32, #tpu.memory_space<hbm>>) target(%arg8 : memref<400xi32, #tpu.memory_space<vmem>>) target_semaphore(%run_scoped3A : memref<!tpu.dma_semaphore, #tpu.memory_space<semaphore_mem>>)
        %dma_wait3A_473 = tpu.memref_slice %arg4[%mul3A_141] : memref<819200xi32, #tpu.memory_space<hbm>> -> memref<400xi32, #tpu.memory_space<hbm>>
        %dma_wait3A_474 = tpu.memref_slice %arg4[%mul3A_141] : memref<819200xi32, #tpu.memory_space<hbm>> -> memref<400xi32, #tpu.memory_space<hbm>>
        tpu.wait_dma2 semaphore(%run_scoped3A : memref<!tpu.dma_semaphore, #tpu.memory_space<semaphore_mem>>) src(%dma_wait3A_474 : memref<400xi32, #tpu.memory_space<hbm>>) dst(%arg8 : memref<400xi32, #tpu.memory_space<vmem>>)
        tpu.yield
      }) : () -> ()
      %scan3A_142 = arith.constant 0 : i32
      %scan3A_143 = arith.constant 0 : i32
      %scan3A_144 = arith.constant 25 : i32
      %scan3A_145 = arith.addi %scan3A_143, %scan3A_144 : i32
      %scan3A_146 = arith.constant 1 : i32
      %scan3A_147 = scf.for %scan3A_471 = %scan3A_143 to %scan3A_145 step %scan3A_146 iter_args(%scan3A_472 = %scan3A_142) -> (i32)  : i32 {
        %mul3A_473 = arith.constant 16 : i32
        %mul3A_474 = arith.muli %scan3A_471, %mul3A_473 : i32
        %iota3A = tpu.iota {dimensions = array<i32: 0>} : vector<16xi32>
        %add3A_475 = vector.broadcast %mul3A_474 : i32 to vector<16xi32>
        %add3A_476 = arith.addi %add3A_475, %iota3A : vector<16xi32>
        %mul3A_477 = arith.constant 16 : i32
        %mul3A_478 = arith.muli %scan3A_471, %mul3A_477 : i32
        %get3A = arith.index_cast %mul3A_478 : i32 to index
        %get3A_479 = tpu.vector_load %arg8[%get3A] {strides = array<i32>} : memref<400xi32, #tpu.memory_space<vmem>>, vector<16xi32>,
        %jit3A = arith.constant 50 : i32
        %div3A = vector.broadcast %jit3A : i32 to vector<16xi32>
        %div3A_480 = arith.divsi %add3A_476, %div3A : vector<16xi32>
        %sign3A = arith.constant 0 : i32
        %sign3A_481 = vector.broadcast %sign3A : i32 to vector<16xi32>
        %sign3A_482 = arith.cmpi sgt, %add3A_476, %sign3A_481 : vector<16xi32>
        %sign3A_483 = arith.extui %sign3A_482 : vector<16xi1> to vector<16xi32>
        %sign3A_484 = arith.constant 0 : i32
        %sign3A_485 = vector.broadcast %sign3A_484 : i32 to vector<16xi32>
        %sign3A_486 = arith.cmpi slt, %add3A_476, %sign3A_485 : vector<16xi32>
        %sign3A_487 = arith.extui %sign3A_486 : vector<16xi1> to vector<16xi32>
        %sign3A_488 = arith.subi %sign3A_483, %sign3A_487 : vector<16xi32>
        %sign3A_489 = arith.constant 0 : i32
        %sign3A_490 = arith.cmpi sgt, %jit3A, %sign3A_489 : i32
        %sign3A_491 = arith.extui %sign3A_490 : i1 to i32
        %sign3A_492 = arith.constant 0 : i32
        %sign3A_493 = arith.cmpi slt, %jit3A, %sign3A_492 : i32
        %sign3A_494 = arith.extui %sign3A_493 : i1 to i32
        %sign3A_495 = arith.subi %sign3A_491, %sign3A_494 : i32
        %ne3A = vector.broadcast %sign3A_495 : i32 to vector<16xi32>
        %ne3A_496 = arith.cmpi ne, %sign3A_488, %ne3A : vector<16xi32>
        %rem3A = vector.broadcast %jit3A : i32 to vector<16xi32>
        %rem3A_497 = arith.remsi %add3A_476, %rem3A : vector<16xi32>
        %ne3A_498 = arith.constant 0 : i32
        %ne3A_499 = vector.broadcast %ne3A_498 : i32 to vector<16xi32>
        %ne3A_500 = arith.cmpi ne, %rem3A_497, %ne3A_499 : vector<16xi32>
        %and3A = arith.andi %ne3A_496, %ne3A_500 : vector<16xi1>
        %sub3A = arith.constant 1 : i32
        %sub3A_501 = vector.broadcast %sub3A : i32 to vector<16xi32>
        %sub3A_502 = arith.subi %div3A_480, %sub3A_501 : vector<16xi32>
        %select_n3A = arith.select %and3A, %sub3A_502, %div3A_480 : vector<16xi1>, vector<16xi32>
        %jit3A_503 = arith.constant 50 : i32
        %eq3A = arith.constant 0 : i32
        %eq3A_504 = arith.cmpi eq, %jit3A_503, %eq3A : i32
        %jit3A_505 = arith.constant 1 : i32
        %select_n3A_506 = arith.select %eq3A_504, %jit3A_505, %jit3A_503 : i32
        %rem3A_507 = vector.broadcast %select_n3A_506 : i32 to vector<16xi32>
        %rem3A_508 = arith.remsi %add3A_476, %rem3A_507 : vector<16xi32>
        %ne3A_509 = arith.constant 0 : i32
        %ne3A_510 = vector.broadcast %ne3A_509 : i32 to vector<16xi32>
        %ne3A_511 = arith.cmpi ne, %rem3A_508, %ne3A_510 : vector<16xi32>
        %lt3A_512 = arith.constant 0 : i32
        %lt3A_513 = vector.broadcast %lt3A_512 : i32 to vector<16xi32>
        %lt3A_514 = arith.cmpi slt, %rem3A_508, %lt3A_513 : vector<16xi32>
        %lt3A_515 = arith.constant 0 : i32
        %lt3A_516 = arith.cmpi slt, %select_n3A_506, %lt3A_515 : i32
        %ne3A_517 = vector.broadcast %lt3A_516 : i1 to vector<16xi1>
        %ne3A_518 = vector.broadcast %ne3A_517 : vector<16xi1> to vector<16xi1>
        %ne3A_519 = arith.xori %lt3A_514, %ne3A_518 : vector<16xi1>
        %and3A_520 = arith.andi %ne3A_519, %ne3A_511 : vector<16xi1>
        %add3A_521 = vector.broadcast %select_n3A_506 : i32 to vector<16xi32>
        %add3A_522 = arith.addi %rem3A_508, %add3A_521 : vector<16xi32>
        %select_n3A_523 = arith.select %and3A_520, %add3A_522, %rem3A_508 : vector<16xi1>, vector<16xi32>
        %min3A = arith.constant 999999 : i32
        %min3A_524 = vector.broadcast %min3A : i32 to vector<16xi32>
        %min3A_525 = arith.minsi %get3A_479, %min3A_524 : vector<16xi32>
        %mul3A_526 = arith.constant 2 : i32
        %mul3A_527 = vector.broadcast %mul3A_526 : i32 to vector<16xi32>
        %mul3A_528 = arith.muli %mul3A_527, %min3A_525 : vector<16xi32>
        tpu.vector_store_idx %arg10[%select_n3A, %select_n3A_523], %mul3A_528 : memref<8x50xi32, #tpu.memory_space<vmem>>[vector<16xi32>, vector<16xi32>], vector<16xi32>,
        %reduce_max3A = arith.constant true
        %reduce_max3A_529 = vector.broadcast %reduce_max3A : i1 to vector<16xi1>
        %reduce_max3A_530 = arith.constant -2147483648 : i32
        %reduce_max3A_531 = vector.broadcast %reduce_max3A_530 : i32 to vector<16xi32>
        %reduce_max3A_532 = arith.xori %get3A_479, %reduce_max3A_531 : vector<16xi32>
        %reduce_max3A_533 = tpu.scan <max>, %reduce_max3A_532 masked %reduce_max3A_529 : vector<16xi32>, vector<16xi1> -> vector<16xi32>
        %reduce_max3A_534 = arith.xori %reduce_max3A_533, %reduce_max3A_531 : vector<16xi32>
        %reduce_max3A_535 = vector.extract %reduce_max3A_534[15] : i32 from vector<16xi32>
        %max3A = arith.maxsi %scan3A_472, %reduce_max3A_535 : i32
        scf.yield %max3A : i32
      }
      %scan3A_148 = arith.constant 25 : i32
      %dma_start3A_149 = arith.constant 0 : i32
      %dma_start3A_150 = arith.constant 0 : i32
      %dma_start3A_151 = arith.constant 0 : i32
      %dma_start3A_152 = arith.constant 0 : i32
      %dma_start3A_153 = tpu.memref_slice %arg12[%dma_start3A_150, %dma_start3A_151, %dma_start3A_152] : memref<8x50x64xf32, #tpu.memory_space<vmem>> -> memref<1x50x64xf32, #tpu.memory_space<vmem>>
      %dma_start3A_154 = tpu.memref_squeeze %dma_start3A_153 : memref<1x50x64xf32, #tpu.memory_space<vmem>> -> memref<50x64xf32, #tpu.memory_space<vmem>>
      %dma_start3A_155 = arith.constant 0 : i32
      %dma_start3A_156 = tpu.memref_slice %arg10[%dma_start3A_149, %dma_start3A_155] : memref<8x50xi32, #tpu.memory_space<vmem>> -> memref<1x50xi32, #tpu.memory_space<vmem>>
      %dma_start3A_157 = tpu.memref_squeeze %dma_start3A_156 : memref<1x50xi32, #tpu.memory_space<vmem>> -> memref<50xi32, #tpu.memory_space<vmem>>
      %dma_start3A_158 = arith.constant 0 : i32
      %dma_start3A_159 = arith.constant 0 : i32
      %dma_start3A_160 = tpu.memref_slice %arg2[%dma_start3A_158, %dma_start3A_159] : memref<2000000x64xf32, #tpu.memory_space<hbm>> -> memref<2000000x64xf32, #tpu.memory_space<hbm>>
      tpu.enqueue_indirect_dma source(%dma_start3A_160 : memref<2000000x64xf32, #tpu.memory_space<hbm>>) target(%dma_start3A_154 : memref<50x64xf32, #tpu.memory_space<vmem>>) offsets(%dma_start3A_157 : memref<50xi32, #tpu.memory_space<vmem>>) semaphore(%arg14 : memref<!tpu.dma_semaphore, #tpu.memory_space<semaphore_mem>>)
      %dma_start3A_161 = arith.constant 1 : i32
      %dma_start3A_162 = arith.constant 1 : i32
      %dma_start3A_163 = arith.constant 0 : i32
      %dma_start3A_164 = arith.constant 0 : i32
      %dma_start3A_165 = tpu.memref_slice %arg12[%dma_start3A_162, %dma_start3A_163, %dma_start3A_164] : memref<8x50x64xf32, #tpu.memory_space<vmem>> -> memref<1x50x64xf32, #tpu.memory_space<vmem>>
      %dma_start3A_166 = tpu.memref_squeeze %dma_start3A_165 : memref<1x50x64xf32, #tpu.memory_space<vmem>> -> memref<50x64xf32, #tpu.memory_space<vmem>>
      %dma_start3A_167 = arith.constant 0 : i32
      %dma_start3A_168 = tpu.memref_slice %arg10[%dma_start3A_161, %dma_start3A_167] : memref<8x50xi32, #tpu.memory_space<vmem>> -> memref<1x50xi32, #tpu.memory_space<vmem>>
      %dma_start3A_169 = tpu.memref_squeeze %dma_start3A_168 : memref<1x50xi32, #tpu.memory_space<vmem>> -> memref<50xi32, #tpu.memory_space<vmem>>
      %dma_start3A_170 = arith.constant 0 : i32
      %dma_start3A_171 = arith.constant 0 : i32
      %dma_start3A_172 = tpu.memref_slice %arg2[%dma_start3A_170, %dma_start3A_171] : memref<2000000x64xf32, #tpu.memory_space<hbm>> -> memref<2000000x64xf32, #tpu.memory_space<hbm>>
      tpu.enqueue_indirect_dma source(%dma_start3A_172 : memref<2000000x64xf32, #tpu.memory_space<hbm>>) target(%dma_start3A_166 : memref<50x64xf32, #tpu.memory_space<vmem>>) offsets(%dma_start3A_169 : memref<50xi32, #tpu.memory_space<vmem>>) semaphore(%arg14 : memref<!tpu.dma_semaphore, #tpu.memory_space<semaphore_mem>>)
      %dma_start3A_173 = arith.constant 2 : i32
      %dma_start3A_174 = arith.constant 2 : i32
      %dma_start3A_175 = arith.constant 0 : i32
      %dma_start3A_176 = arith.constant 0 : i32
      %dma_start3A_177 = tpu.memref_slice %arg12[%dma_start3A_174, %dma_start3A_175, %dma_start3A_176] : memref<8x50x64xf32, #tpu.memory_space<vmem>> -> memref<1x50x64xf32, #tpu.memory_space<vmem>>
      %dma_start3A_178 = tpu.memref_squeeze %dma_start3A_177 : memref<1x50x64xf32, #tpu.memory_space<vmem>> -> memref<50x64xf32, #tpu.memory_space<vmem>>
      %dma_start3A_179 = arith.constant 0 : i32
      %dma_start3A_180 = tpu.memref_slice %arg10[%dma_start3A_173, %dma_start3A_179] : memref<8x50xi32, #tpu.memory_space<vmem>> -> memref<1x50xi32, #tpu.memory_space<vmem>>
      %dma_start3A_181 = tpu.memref_squeeze %dma_start3A_180 : memref<1x50xi32, #tpu.memory_space<vmem>> -> memref<50xi32, #tpu.memory_space<vmem>>
      %dma_start3A_182 = arith.constant 0 : i32
      %dma_start3A_183 = arith.constant 0 : i32
      %dma_start3A_184 = tpu.memref_slice %arg2[%dma_start3A_182, %dma_start3A_183] : memref<2000000x64xf32, #tpu.memory_space<hbm>> -> memref<2000000x64xf32, #tpu.memory_space<hbm>>
      tpu.enqueue_indirect_dma source(%dma_start3A_184 : memref<2000000x64xf32, #tpu.memory_space<hbm>>) target(%dma_start3A_178 : memref<50x64xf32, #tpu.memory_space<vmem>>) offsets(%dma_start3A_181 : memref<50xi32, #tpu.memory_space<vmem>>) semaphore(%arg14 : memref<!tpu.dma_semaphore, #tpu.memory_space<semaphore_mem>>)
      %dma_start3A_185 = arith.constant 3 : i32
      %dma_start3A_186 = arith.constant 3 : i32
      %dma_start3A_187 = arith.constant 0 : i32
      %dma_start3A_188 = arith.constant 0 : i32
      %dma_start3A_189 = tpu.memref_slice %arg12[%dma_start3A_186, %dma_start3A_187, %dma_start3A_188] : memref<8x50x64xf32, #tpu.memory_space<vmem>> -> memref<1x50x64xf32, #tpu.memory_space<vmem>>
      %dma_start3A_190 = tpu.memref_squeeze %dma_start3A_189 : memref<1x50x64xf32, #tpu.memory_space<vmem>> -> memref<50x64xf32, #tpu.memory_space<vmem>>
      %dma_start3A_191 = arith.constant 0 : i32
      %dma_start3A_192 = tpu.memref_slice %arg10[%dma_start3A_185, %dma_start3A_191] : memref<8x50xi32, #tpu.memory_space<vmem>> -> memref<1x50xi32, #tpu.memory_space<vmem>>
      %dma_start3A_193 = tpu.memref_squeeze %dma_start3A_192 : memref<1x50xi32, #tpu.memory_space<vmem>> -> memref<50xi32, #tpu.memory_space<vmem>>
      %dma_start3A_194 = arith.constant 0 : i32
      %dma_start3A_195 = arith.constant 0 : i32
      %dma_start3A_196 = tpu.memref_slice %arg2[%dma_start3A_194, %dma_start3A_195] : memref<2000000x64xf32, #tpu.memory_space<hbm>> -> memref<2000000x64xf32, #tpu.memory_space<hbm>>
      tpu.enqueue_indirect_dma source(%dma_start3A_196 : memref<2000000x64xf32, #tpu.memory_space<hbm>>) target(%dma_start3A_190 : memref<50x64xf32, #tpu.memory_space<vmem>>) offsets(%dma_start3A_193 : memref<50xi32, #tpu.memory_space<vmem>>) semaphore(%arg14 : memref<!tpu.dma_semaphore, #tpu.memory_space<semaphore_mem>>)
      %dma_start3A_197 = arith.constant 4 : i32
      %dma_start3A_198 = arith.constant 4 : i32
      %dma_start3A_199 = arith.constant 0 : i32
      %dma_start3A_200 = arith.constant 0 : i32
      %dma_start3A_201 = tpu.memref_slice %arg12[%dma_start3A_198, %dma_start3A_199, %dma_start3A_200] : memref<8x50x64xf32, #tpu.memory_space<vmem>> -> memref<1x50x64xf32, #tpu.memory_space<vmem>>
      %dma_start3A_202 = tpu.memref_squeeze %dma_start3A_201 : memref<1x50x64xf32, #tpu.memory_space<vmem>> -> memref<50x64xf32, #tpu.memory_space<vmem>>
      %dma_start3A_203 = arith.constant 0 : i32
      %dma_start3A_204 = tpu.memref_slice %arg10[%dma_start3A_197, %dma_start3A_203] : memref<8x50xi32, #tpu.memory_space<vmem>> -> memref<1x50xi32, #tpu.memory_space<vmem>>
      %dma_start3A_205 = tpu.memref_squeeze %dma_start3A_204 : memref<1x50xi32, #tpu.memory_space<vmem>> -> memref<50xi32, #tpu.memory_space<vmem>>
      %dma_start3A_206 = arith.constant 0 : i32
      %dma_start3A_207 = arith.constant 0 : i32
      %dma_start3A_208 = tpu.memref_slice %arg2[%dma_start3A_206, %dma_start3A_207] : memref<2000000x64xf32, #tpu.memory_space<hbm>> -> memref<2000000x64xf32, #tpu.memory_space<hbm>>
      tpu.enqueue_indirect_dma source(%dma_start3A_208 : memref<2000000x64xf32, #tpu.memory_space<hbm>>) target(%dma_start3A_202 : memref<50x64xf32, #tpu.memory_space<vmem>>) offsets(%dma_start3A_205 : memref<50xi32, #tpu.memory_space<vmem>>) semaphore(%arg14 : memref<!tpu.dma_semaphore, #tpu.memory_space<semaphore_mem>>)
      %dma_start3A_209 = arith.constant 5 : i32
      %dma_start3A_210 = arith.constant 5 : i32
      %dma_start3A_211 = arith.constant 0 : i32
      %dma_start3A_212 = arith.constant 0 : i32
      %dma_start3A_213 = tpu.memref_slice %arg12[%dma_start3A_210, %dma_start3A_211, %dma_start3A_212] : memref<8x50x64xf32, #tpu.memory_space<vmem>> -> memref<1x50x64xf32, #tpu.memory_space<vmem>>
      %dma_start3A_214 = tpu.memref_squeeze %dma_start3A_213 : memref<1x50x64xf32, #tpu.memory_space<vmem>> -> memref<50x64xf32, #tpu.memory_space<vmem>>
      %dma_start3A_215 = arith.constant 0 : i32
      %dma_start3A_216 = tpu.memref_slice %arg10[%dma_start3A_209, %dma_start3A_215] : memref<8x50xi32, #tpu.memory_space<vmem>> -> memref<1x50xi32, #tpu.memory_space<vmem>>
      %dma_start3A_217 = tpu.memref_squeeze %dma_start3A_216 : memref<1x50xi32, #tpu.memory_space<vmem>> -> memref<50xi32, #tpu.memory_space<vmem>>
      %dma_start3A_218 = arith.constant 0 : i32
      %dma_start3A_219 = arith.constant 0 : i32
      %dma_start3A_220 = tpu.memref_slice %arg2[%dma_start3A_218, %dma_start3A_219] : memref<2000000x64xf32, #tpu.memory_space<hbm>> -> memref<2000000x64xf32, #tpu.memory_space<hbm>>
      tpu.enqueue_indirect_dma source(%dma_start3A_220 : memref<2000000x64xf32, #tpu.memory_space<hbm>>) target(%dma_start3A_214 : memref<50x64xf32, #tpu.memory_space<vmem>>) offsets(%dma_start3A_217 : memref<50xi32, #tpu.memory_space<vmem>>) semaphore(%arg14 : memref<!tpu.dma_semaphore, #tpu.memory_space<semaphore_mem>>)
      %dma_start3A_221 = arith.constant 6 : i32
      %dma_start3A_222 = arith.constant 6 : i32
      %dma_start3A_223 = arith.constant 0 : i32
      %dma_start3A_224 = arith.constant 0 : i32
      %dma_start3A_225 = tpu.memref_slice %arg12[%dma_start3A_222, %dma_start3A_223, %dma_start3A_224] : memref<8x50x64xf32, #tpu.memory_space<vmem>> -> memref<1x50x64xf32, #tpu.memory_space<vmem>>
      %dma_start3A_226 = tpu.memref_squeeze %dma_start3A_225 : memref<1x50x64xf32, #tpu.memory_space<vmem>> -> memref<50x64xf32, #tpu.memory_space<vmem>>
      %dma_start3A_227 = arith.constant 0 : i32
      %dma_start3A_228 = tpu.memref_slice %arg10[%dma_start3A_221, %dma_start3A_227] : memref<8x50xi32, #tpu.memory_space<vmem>> -> memref<1x50xi32, #tpu.memory_space<vmem>>
      %dma_start3A_229 = tpu.memref_squeeze %dma_start3A_228 : memref<1x50xi32, #tpu.memory_space<vmem>> -> memref<50xi32, #tpu.memory_space<vmem>>
      %dma_start3A_230 = arith.constant 0 : i32
      %dma_start3A_231 = arith.constant 0 : i32
      %dma_start3A_232 = tpu.memref_slice %arg2[%dma_start3A_230, %dma_start3A_231] : memref<2000000x64xf32, #tpu.memory_space<hbm>> -> memref<2000000x64xf32, #tpu.memory_space<hbm>>
      tpu.enqueue_indirect_dma source(%dma_start3A_232 : memref<2000000x64xf32, #tpu.memory_space<hbm>>) target(%dma_start3A_226 : memref<50x64xf32, #tpu.memory_space<vmem>>) offsets(%dma_start3A_229 : memref<50xi32, #tpu.memory_space<vmem>>) semaphore(%arg14 : memref<!tpu.dma_semaphore, #tpu.memory_space<semaphore_mem>>)
      %dma_start3A_233 = arith.constant 7 : i32
      %dma_start3A_234 = arith.constant 7 : i32
      %dma_start3A_235 = arith.constant 0 : i32
      %dma_start3A_236 = arith.constant 0 : i32
      %dma_start3A_237 = tpu.memref_slice %arg12[%dma_start3A_234, %dma_start3A_235, %dma_start3A_236] : memref<8x50x64xf32, #tpu.memory_space<vmem>> -> memref<1x50x64xf32, #tpu.memory_space<vmem>>
      %dma_start3A_238 = tpu.memref_squeeze %dma_start3A_237 : memref<1x50x64xf32, #tpu.memory_space<vmem>> -> memref<50x64xf32, #tpu.memory_space<vmem>>
      %dma_start3A_239 = arith.constant 0 : i32
      %dma_start3A_240 = tpu.memref_slice %arg10[%dma_start3A_233, %dma_start3A_239] : memref<8x50xi32, #tpu.memory_space<vmem>> -> memref<1x50xi32, #tpu.memory_space<vmem>>
      %dma_start3A_241 = tpu.memref_squeeze %dma_start3A_240 : memref<1x50xi32, #tpu.memory_space<vmem>> -> memref<50xi32, #tpu.memory_space<vmem>>
      %dma_start3A_242 = arith.constant 0 : i32
      %dma_start3A_243 = arith.constant 0 : i32
      %dma_start3A_244 = tpu.memref_slice %arg2[%dma_start3A_242, %dma_start3A_243] : memref<2000000x64xf32, #tpu.memory_space<hbm>> -> memref<2000000x64xf32, #tpu.memory_space<hbm>>
      tpu.enqueue_indirect_dma source(%dma_start3A_244 : memref<2000000x64xf32, #tpu.memory_space<hbm>>) target(%dma_start3A_238 : memref<50x64xf32, #tpu.memory_space<vmem>>) offsets(%dma_start3A_241 : memref<50xi32, #tpu.memory_space<vmem>>) semaphore(%arg14 : memref<!tpu.dma_semaphore, #tpu.memory_space<semaphore_mem>>)
      %dma_wait3A_245 = arith.constant 0 : i32
      %dma_wait3A_246 = arith.constant 0 : i32
      %dma_wait3A_247 = arith.constant 0 : i32
      %dma_wait3A_248 = arith.constant 0 : i32
      %dma_wait3A_249 = tpu.memref_slice %arg11[%dma_wait3A_246, %dma_wait3A_247, %dma_wait3A_248] : memref<8x50x64xf32, #tpu.memory_space<vmem>> -> memref<1x50x64xf32, #tpu.memory_space<vmem>>
      %dma_wait3A_250 = tpu.memref_squeeze %dma_wait3A_249 : memref<1x50x64xf32, #tpu.memory_space<vmem>> -> memref<50x64xf32, #tpu.memory_space<vmem>>
      %dma_wait3A_251 = arith.constant 0 : i32
      %dma_wait3A_252 = tpu.memref_slice %arg9[%dma_wait3A_245, %dma_wait3A_251] : memref<8x50xi32, #tpu.memory_space<vmem>> -> memref<1x50xi32, #tpu.memory_space<vmem>>
      %dma_wait3A_253 = tpu.memref_squeeze %dma_wait3A_252 : memref<1x50xi32, #tpu.memory_space<vmem>> -> memref<50xi32, #tpu.memory_space<vmem>>
      %dma_wait3A_254 = arith.constant 0 : i32
      %dma_wait3A_255 = arith.constant 0 : i32
      %dma_wait3A_256 = tpu.memref_slice %arg2[%dma_wait3A_254, %dma_wait3A_255] : memref<2000000x64xf32, #tpu.memory_space<hbm>> -> memref<2000000x64xf32, #tpu.memory_space<hbm>>
      tpu.wait_indirect_dma semaphore(%arg13 : memref<!tpu.dma_semaphore, #tpu.memory_space<semaphore_mem>>) src(%dma_wait3A_256 : memref<2000000x64xf32, #tpu.memory_space<hbm>>) dst(%dma_wait3A_250 : memref<50x64xf32, #tpu.memory_space<vmem>>)
      %dma_wait3A_257 = arith.constant 1 : i32
      %dma_wait3A_258 = arith.constant 1 : i32
      %dma_wait3A_259 = arith.constant 0 : i32
      %dma_wait3A_260 = arith.constant 0 : i32
      %dma_wait3A_261 = tpu.memref_slice %arg11[%dma_wait3A_258, %dma_wait3A_259, %dma_wait3A_260] : memref<8x50x64xf32, #tpu.memory_space<vmem>> -> memref<1x50x64xf32, #tpu.memory_space<vmem>>
      %dma_wait3A_262 = tpu.memref_squeeze %dma_wait3A_261 : memref<1x50x64xf32, #tpu.memory_space<vmem>> -> memref<50x64xf32, #tpu.memory_space<vmem>>
      %dma_wait3A_263 = arith.constant 0 : i32
      %dma_wait3A_264 = tpu.memref_slice %arg9[%dma_wait3A_257, %dma_wait3A_263] : memref<8x50xi32, #tpu.memory_space<vmem>> -> memref<1x50xi32, #tpu.memory_space<vmem>>
      %dma_wait3A_265 = tpu.memref_squeeze %dma_wait3A_264 : memref<1x50xi32, #tpu.memory_space<vmem>> -> memref<50xi32, #tpu.memory_space<vmem>>
      %dma_wait3A_266 = arith.constant 0 : i32
      %dma_wait3A_267 = arith.constant 0 : i32
      %dma_wait3A_268 = tpu.memref_slice %arg2[%dma_wait3A_266, %dma_wait3A_267] : memref<2000000x64xf32, #tpu.memory_space<hbm>> -> memref<2000000x64xf32, #tpu.memory_space<hbm>>
      tpu.wait_indirect_dma semaphore(%arg13 : memref<!tpu.dma_semaphore, #tpu.memory_space<semaphore_mem>>) src(%dma_wait3A_268 : memref<2000000x64xf32, #tpu.memory_space<hbm>>) dst(%dma_wait3A_262 : memref<50x64xf32, #tpu.memory_space<vmem>>)
      %dma_wait3A_269 = arith.constant 2 : i32
      %dma_wait3A_270 = arith.constant 2 : i32
      %dma_wait3A_271 = arith.constant 0 : i32
      %dma_wait3A_272 = arith.constant 0 : i32
      %dma_wait3A_273 = tpu.memref_slice %arg11[%dma_wait3A_270, %dma_wait3A_271, %dma_wait3A_272] : memref<8x50x64xf32, #tpu.memory_space<vmem>> -> memref<1x50x64xf32, #tpu.memory_space<vmem>>
      %dma_wait3A_274 = tpu.memref_squeeze %dma_wait3A_273 : memref<1x50x64xf32, #tpu.memory_space<vmem>> -> memref<50x64xf32, #tpu.memory_space<vmem>>
      %dma_wait3A_275 = arith.constant 0 : i32
      %dma_wait3A_276 = tpu.memref_slice %arg9[%dma_wait3A_269, %dma_wait3A_275] : memref<8x50xi32, #tpu.memory_space<vmem>> -> memref<1x50xi32, #tpu.memory_space<vmem>>
      %dma_wait3A_277 = tpu.memref_squeeze %dma_wait3A_276 : memref<1x50xi32, #tpu.memory_space<vmem>> -> memref<50xi32, #tpu.memory_space<vmem>>
      %dma_wait3A_278 = arith.constant 0 : i32
      %dma_wait3A_279 = arith.constant 0 : i32
      %dma_wait3A_280 = tpu.memref_slice %arg2[%dma_wait3A_278, %dma_wait3A_279] : memref<2000000x64xf32, #tpu.memory_space<hbm>> -> memref<2000000x64xf32, #tpu.memory_space<hbm>>
      tpu.wait_indirect_dma semaphore(%arg13 : memref<!tpu.dma_semaphore, #tpu.memory_space<semaphore_mem>>) src(%dma_wait3A_280 : memref<2000000x64xf32, #tpu.memory_space<hbm>>) dst(%dma_wait3A_274 : memref<50x64xf32, #tpu.memory_space<vmem>>)
      %dma_wait3A_281 = arith.constant 3 : i32
      %dma_wait3A_282 = arith.constant 3 : i32
      %dma_wait3A_283 = arith.constant 0 : i32
      %dma_wait3A_284 = arith.constant 0 : i32
      %dma_wait3A_285 = tpu.memref_slice %arg11[%dma_wait3A_282, %dma_wait3A_283, %dma_wait3A_284] : memref<8x50x64xf32, #tpu.memory_space<vmem>> -> memref<1x50x64xf32, #tpu.memory_space<vmem>>
      %dma_wait3A_286 = tpu.memref_squeeze %dma_wait3A_285 : memref<1x50x64xf32, #tpu.memory_space<vmem>> -> memref<50x64xf32, #tpu.memory_space<vmem>>
      %dma_wait3A_287 = arith.constant 0 : i32
      %dma_wait3A_288 = tpu.memref_slice %arg9[%dma_wait3A_281, %dma_wait3A_287] : memref<8x50xi32, #tpu.memory_space<vmem>> -> memref<1x50xi32, #tpu.memory_space<vmem>>
      %dma_wait3A_289 = tpu.memref_squeeze %dma_wait3A_288 : memref<1x50xi32, #tpu.memory_space<vmem>> -> memref<50xi32, #tpu.memory_space<vmem>>
      %dma_wait3A_290 = arith.constant 0 : i32
      %dma_wait3A_291 = arith.constant 0 : i32
      %dma_wait3A_292 = tpu.memref_slice %arg2[%dma_wait3A_290, %dma_wait3A_291] : memref<2000000x64xf32, #tpu.memory_space<hbm>> -> memref<2000000x64xf32, #tpu.memory_space<hbm>>
      tpu.wait_indirect_dma semaphore(%arg13 : memref<!tpu.dma_semaphore, #tpu.memory_space<semaphore_mem>>) src(%dma_wait3A_292 : memref<2000000x64xf32, #tpu.memory_space<hbm>>) dst(%dma_wait3A_286 : memref<50x64xf32, #tpu.memory_space<vmem>>)
      %dma_wait3A_293 = arith.constant 4 : i32
      %dma_wait3A_294 = arith.constant 4 : i32
      %dma_wait3A_295 = arith.constant 0 : i32
      %dma_wait3A_296 = arith.constant 0 : i32
      %dma_wait3A_297 = tpu.memref_slice %arg11[%dma_wait3A_294, %dma_wait3A_295, %dma_wait3A_296] : memref<8x50x64xf32, #tpu.memory_space<vmem>> -> memref<1x50x64xf32, #tpu.memory_space<vmem>>
      %dma_wait3A_298 = tpu.memref_squeeze %dma_wait3A_297 : memref<1x50x64xf32, #tpu.memory_space<vmem>> -> memref<50x64xf32, #tpu.memory_space<vmem>>
      %dma_wait3A_299 = arith.constant 0 : i32
      %dma_wait3A_300 = tpu.memref_slice %arg9[%dma_wait3A_293, %dma_wait3A_299] : memref<8x50xi32, #tpu.memory_space<vmem>> -> memref<1x50xi32, #tpu.memory_space<vmem>>
      %dma_wait3A_301 = tpu.memref_squeeze %dma_wait3A_300 : memref<1x50xi32, #tpu.memory_space<vmem>> -> memref<50xi32, #tpu.memory_space<vmem>>
      %dma_wait3A_302 = arith.constant 0 : i32
      %dma_wait3A_303 = arith.constant 0 : i32
      %dma_wait3A_304 = tpu.memref_slice %arg2[%dma_wait3A_302, %dma_wait3A_303] : memref<2000000x64xf32, #tpu.memory_space<hbm>> -> memref<2000000x64xf32, #tpu.memory_space<hbm>>
      tpu.wait_indirect_dma semaphore(%arg13 : memref<!tpu.dma_semaphore, #tpu.memory_space<semaphore_mem>>) src(%dma_wait3A_304 : memref<2000000x64xf32, #tpu.memory_space<hbm>>) dst(%dma_wait3A_298 : memref<50x64xf32, #tpu.memory_space<vmem>>)
      %dma_wait3A_305 = arith.constant 5 : i32
      %dma_wait3A_306 = arith.constant 5 : i32
      %dma_wait3A_307 = arith.constant 0 : i32
      %dma_wait3A_308 = arith.constant 0 : i32
      %dma_wait3A_309 = tpu.memref_slice %arg11[%dma_wait3A_306, %dma_wait3A_307, %dma_wait3A_308] : memref<8x50x64xf32, #tpu.memory_space<vmem>> -> memref<1x50x64xf32, #tpu.memory_space<vmem>>
      %dma_wait3A_310 = tpu.memref_squeeze %dma_wait3A_309 : memref<1x50x64xf32, #tpu.memory_space<vmem>> -> memref<50x64xf32, #tpu.memory_space<vmem>>
      %dma_wait3A_311 = arith.constant 0 : i32
      %dma_wait3A_312 = tpu.memref_slice %arg9[%dma_wait3A_305, %dma_wait3A_311] : memref<8x50xi32, #tpu.memory_space<vmem>> -> memref<1x50xi32, #tpu.memory_space<vmem>>
      %dma_wait3A_313 = tpu.memref_squeeze %dma_wait3A_312 : memref<1x50xi32, #tpu.memory_space<vmem>> -> memref<50xi32, #tpu.memory_space<vmem>>
      %dma_wait3A_314 = arith.constant 0 : i32
      %dma_wait3A_315 = arith.constant 0 : i32
      %dma_wait3A_316 = tpu.memref_slice %arg2[%dma_wait3A_314, %dma_wait3A_315] : memref<2000000x64xf32, #tpu.memory_space<hbm>> -> memref<2000000x64xf32, #tpu.memory_space<hbm>>
      tpu.wait_indirect_dma semaphore(%arg13 : memref<!tpu.dma_semaphore, #tpu.memory_space<semaphore_mem>>) src(%dma_wait3A_316 : memref<2000000x64xf32, #tpu.memory_space<hbm>>) dst(%dma_wait3A_310 : memref<50x64xf32, #tpu.memory_space<vmem>>)
      %dma_wait3A_317 = arith.constant 6 : i32
      %dma_wait3A_318 = arith.constant 6 : i32
      %dma_wait3A_319 = arith.constant 0 : i32
      %dma_wait3A_320 = arith.constant 0 : i32
      %dma_wait3A_321 = tpu.memref_slice %arg11[%dma_wait3A_318, %dma_wait3A_319, %dma_wait3A_320] : memref<8x50x64xf32, #tpu.memory_space<vmem>> -> memref<1x50x64xf32, #tpu.memory_space<vmem>>
      %dma_wait3A_322 = tpu.memref_squeeze %dma_wait3A_321 : memref<1x50x64xf32, #tpu.memory_space<vmem>> -> memref<50x64xf32, #tpu.memory_space<vmem>>
      %dma_wait3A_323 = arith.constant 0 : i32
      %dma_wait3A_324 = tpu.memref_slice %arg9[%dma_wait3A_317, %dma_wait3A_323] : memref<8x50xi32, #tpu.memory_space<vmem>> -> memref<1x50xi32, #tpu.memory_space<vmem>>
      %dma_wait3A_325 = tpu.memref_squeeze %dma_wait3A_324 : memref<1x50xi32, #tpu.memory_space<vmem>> -> memref<50xi32, #tpu.memory_space<vmem>>
      %dma_wait3A_326 = arith.constant 0 : i32
      %dma_wait3A_327 = arith.constant 0 : i32
      %dma_wait3A_328 = tpu.memref_slice %arg2[%dma_wait3A_326, %dma_wait3A_327] : memref<2000000x64xf32, #tpu.memory_space<hbm>> -> memref<2000000x64xf32, #tpu.memory_space<hbm>>
      tpu.wait_indirect_dma semaphore(%arg13 : memref<!tpu.dma_semaphore, #tpu.memory_space<semaphore_mem>>) src(%dma_wait3A_328 : memref<2000000x64xf32, #tpu.memory_space<hbm>>) dst(%dma_wait3A_322 : memref<50x64xf32, #tpu.memory_space<vmem>>)
      %dma_wait3A_329 = arith.constant 7 : i32
      %dma_wait3A_330 = arith.constant 7 : i32
      %dma_wait3A_331 = arith.constant 0 : i32
      %dma_wait3A_332 = arith.constant 0 : i32
      %dma_wait3A_333 = tpu.memref_slice %arg11[%dma_wait3A_330, %dma_wait3A_331, %dma_wait3A_332] : memref<8x50x64xf32, #tpu.memory_space<vmem>> -> memref<1x50x64xf32, #tpu.memory_space<vmem>>
      %dma_wait3A_334 = tpu.memref_squeeze %dma_wait3A_333 : memref<1x50x64xf32, #tpu.memory_space<vmem>> -> memref<50x64xf32, #tpu.memory_space<vmem>>
      %dma_wait3A_335 = arith.constant 0 : i32
      %dma_wait3A_336 = tpu.memref_slice %arg9[%dma_wait3A_329, %dma_wait3A_335] : memref<8x50xi32, #tpu.memory_space<vmem>> -> memref<1x50xi32, #tpu.memory_space<vmem>>
      %dma_wait3A_337 = tpu.memref_squeeze %dma_wait3A_336 : memref<1x50xi32, #tpu.memory_space<vmem>> -> memref<50xi32, #tpu.memory_space<vmem>>
      %dma_wait3A_338 = arith.constant 0 : i32
      %dma_wait3A_339 = arith.constant 0 : i32
      %dma_wait3A_340 = tpu.memref_slice %arg2[%dma_wait3A_338, %dma_wait3A_339] : memref<2000000x64xf32, #tpu.memory_space<hbm>> -> memref<2000000x64xf32, #tpu.memory_space<hbm>>
      tpu.wait_indirect_dma semaphore(%arg13 : memref<!tpu.dma_semaphore, #tpu.memory_space<semaphore_mem>>) src(%dma_wait3A_340 : memref<2000000x64xf32, #tpu.memory_space<hbm>>) dst(%dma_wait3A_334 : memref<50x64xf32, #tpu.memory_space<vmem>>)
      %ge3A = arith.constant 1000000 : i32
      %ge3A_341 = arith.cmpi sge, %scan3A_130, %ge3A : i32
      %convert_element_type3A_342 = arith.extui %ge3A_341 : i1 to i32
      %cond3A_343 = arith.constant 0 : i32
      %cond3A_344 = arith.cmpi ne, %convert_element_type3A_342, %cond3A_343 : i32
      scf.if %cond3A_344 {
        %scan3A_471 = arith.constant 0 : i32
        %scan3A_472 = arith.constant 0 : i32
        %scan3A_473 = arith.constant 25 : i32
        %scan3A_474 = arith.addi %scan3A_472, %scan3A_473 : i32
        %scan3A_475 = arith.constant 1 : i32
        %scan3A_476 = scf.for %scan3A_478 = %scan3A_472 to %scan3A_474 step %scan3A_475 iter_args(%scan3A_479 = %scan3A_471) -> (i32)  : i32 {
          %mul3A_480 = arith.constant 16 : i32
          %mul3A_481 = arith.muli %scan3A_478, %mul3A_480 : i32
          %get3A = arith.index_cast %mul3A_481 : i32 to index
          %get3A_482 = tpu.vector_load %arg7[%get3A] {strides = array<i32>} : memref<400xi32, #tpu.memory_space<vmem>>, vector<16xi32>,
          %reduce_max3A = arith.constant true
          %reduce_max3A_483 = vector.broadcast %reduce_max3A : i1 to vector<16xi1>
          %reduce_max3A_484 = arith.constant -2147483648 : i32
          %reduce_max3A_485 = vector.broadcast %reduce_max3A_484 : i32 to vector<16xi32>
          %reduce_max3A_486 = arith.xori %get3A_482, %reduce_max3A_485 : vector<16xi32>
          %reduce_max3A_487 = tpu.scan <max>, %reduce_max3A_486 masked %reduce_max3A_483 : vector<16xi32>, vector<16xi1> -> vector<16xi32>
          %reduce_max3A_488 = arith.xori %reduce_max3A_487, %reduce_max3A_485 : vector<16xi32>
          %reduce_max3A_489 = vector.extract %reduce_max3A_488[15] : i32 from vector<16xi32>
          %ge3A_490 = arith.constant 1000000 : i32
          %ge3A_491 = arith.cmpi sge, %reduce_max3A_489, %ge3A_490 : i32
          %convert_element_type3A_492 = arith.extui %ge3A_491 : i1 to i32
          %cond3A_493 = arith.constant 0 : i32
          %cond3A_494 = arith.cmpi ne, %convert_element_type3A_492, %cond3A_493 : i32
          scf.if %cond3A_494 {
            %ge3A_496 = arith.constant 1000000 : i32
            %ge3A_497 = vector.broadcast %ge3A_496 : i32 to vector<16xi32>
            %ge3A_498 = arith.cmpi sge, %get3A_482, %ge3A_497 : vector<16xi32>
            %sub3A = arith.constant 1000000 : i32
            %sub3A_499 = vector.broadcast %sub3A : i32 to vector<16xi32>
            %sub3A_500 = arith.subi %get3A_482, %sub3A_499 : vector<16xi32>
            %max3A = arith.constant 0 : i32
            %max3A_501 = vector.broadcast %max3A : i32 to vector<16xi32>
            %max3A_502 = arith.maxsi %sub3A_500, %max3A_501 : vector<16xi32>
            %mul3A_503 = arith.constant 16 : i32
            %mul3A_504 = arith.muli %scan3A_478, %mul3A_503 : i32
            %iota3A = tpu.iota {dimensions = array<i32: 0>} : vector<16xi32>
            %add3A_505 = vector.broadcast %mul3A_504 : i32 to vector<16xi32>
            %add3A_506 = arith.addi %add3A_505, %iota3A : vector<16xi32>
            %jit3A = arith.constant 50 : i32
            %div3A = vector.broadcast %jit3A : i32 to vector<16xi32>
            %div3A_507 = arith.divsi %add3A_506, %div3A : vector<16xi32>
            %sign3A = arith.constant 0 : i32
            %sign3A_508 = vector.broadcast %sign3A : i32 to vector<16xi32>
            %sign3A_509 = arith.cmpi sgt, %add3A_506, %sign3A_508 : vector<16xi32>
            %sign3A_510 = arith.extui %sign3A_509 : vector<16xi1> to vector<16xi32>
            %sign3A_511 = arith.constant 0 : i32
            %sign3A_512 = vector.broadcast %sign3A_511 : i32 to vector<16xi32>
            %sign3A_513 = arith.cmpi slt, %add3A_506, %sign3A_512 : vector<16xi32>
            %sign3A_514 = arith.extui %sign3A_513 : vector<16xi1> to vector<16xi32>
            %sign3A_515 = arith.subi %sign3A_510, %sign3A_514 : vector<16xi32>
            %sign3A_516 = arith.constant 0 : i32
            %sign3A_517 = arith.cmpi sgt, %jit3A, %sign3A_516 : i32
            %sign3A_518 = arith.extui %sign3A_517 : i1 to i32
            %sign3A_519 = arith.constant 0 : i32
            %sign3A_520 = arith.cmpi slt, %jit3A, %sign3A_519 : i32
            %sign3A_521 = arith.extui %sign3A_520 : i1 to i32
            %sign3A_522 = arith.subi %sign3A_518, %sign3A_521 : i32
            %ne3A = vector.broadcast %sign3A_522 : i32 to vector<16xi32>
            %ne3A_523 = arith.cmpi ne, %sign3A_515, %ne3A : vector<16xi32>
            %rem3A = vector.broadcast %jit3A : i32 to vector<16xi32>
            %rem3A_524 = arith.remsi %add3A_506, %rem3A : vector<16xi32>
            %ne3A_525 = arith.constant 0 : i32
            %ne3A_526 = vector.broadcast %ne3A_525 : i32 to vector<16xi32>
            %ne3A_527 = arith.cmpi ne, %rem3A_524, %ne3A_526 : vector<16xi32>
            %and3A = arith.andi %ne3A_523, %ne3A_527 : vector<16xi1>
            %sub3A_528 = arith.constant 1 : i32
            %sub3A_529 = vector.broadcast %sub3A_528 : i32 to vector<16xi32>
            %sub3A_530 = arith.subi %div3A_507, %sub3A_529 : vector<16xi32>
            %select_n3A = arith.select %and3A, %sub3A_530, %div3A_507 : vector<16xi1>, vector<16xi32>
            %jit3A_531 = arith.constant 50 : i32
            %eq3A = arith.constant 0 : i32
            %eq3A_532 = arith.cmpi eq, %jit3A_531, %eq3A : i32
            %jit3A_533 = arith.constant 1 : i32
            %select_n3A_534 = arith.select %eq3A_532, %jit3A_533, %jit3A_531 : i32
            %rem3A_535 = vector.broadcast %select_n3A_534 : i32 to vector<16xi32>
            %rem3A_536 = arith.remsi %add3A_506, %rem3A_535 : vector<16xi32>
            %ne3A_537 = arith.constant 0 : i32
            %ne3A_538 = vector.broadcast %ne3A_537 : i32 to vector<16xi32>
            %ne3A_539 = arith.cmpi ne, %rem3A_536, %ne3A_538 : vector<16xi32>
            %lt3A_540 = arith.constant 0 : i32
            %lt3A_541 = vector.broadcast %lt3A_540 : i32 to vector<16xi32>
            %lt3A_542 = arith.cmpi slt, %rem3A_536, %lt3A_541 : vector<16xi32>
            %lt3A_543 = arith.constant 0 : i32
            %lt3A_544 = arith.cmpi slt, %select_n3A_534, %lt3A_543 : i32
            %ne3A_545 = vector.broadcast %lt3A_544 : i1 to vector<16xi1>
            %ne3A_546 = vector.broadcast %ne3A_545 : vector<16xi1> to vector<16xi1>
            %ne3A_547 = arith.xori %lt3A_542, %ne3A_546 : vector<16xi1>
            %and3A_548 = arith.andi %ne3A_547, %ne3A_539 : vector<16xi1>
            %add3A_549 = vector.broadcast %select_n3A_534 : i32 to vector<16xi32>
            %add3A_550 = arith.addi %rem3A_536, %add3A_549 : vector<16xi32>
            %select_n3A_551 = arith.select %and3A_548, %add3A_550, %rem3A_536 : vector<16xi1>, vector<16xi32>
            %broadcast_in_dim3A = arith.constant 0 : i32
            %broadcast_in_dim3A_552 = vector.broadcast %broadcast_in_dim3A : i32 to vector<16xi32>
            %gather3A = tpu.vector_load_idx %arg6[%max3A_502, %broadcast_in_dim3A_552] masked %ge3A_498 : memref<1000x64xf32, #tpu.memory_space<vmem>>[vector<16xi32>, vector<16xi32>], vector<16xf32>, vector<16xi1>
            tpu.vector_store_idx %arg11[%select_n3A, %select_n3A_551, %broadcast_in_dim3A_552], %gather3A masked %ge3A_498 : memref<8x50x64xf32, #tpu.memory_space<vmem>>[vector<16xi32>, vector<16xi32>, vector<16xi32>], vector<16xf32>, vector<16xi1>
            %broadcast_in_dim3A_553 = arith.constant 1 : i32
            %broadcast_in_dim3A_554 = vector.broadcast %broadcast_in_dim3A_553 : i32 to vector<16xi32>
            %gather3A_555 = tpu.vector_load_idx %arg6[%max3A_502, %broadcast_in_dim3A_554] masked %ge3A_498 : memref<1000x64xf32, #tpu.memory_space<vmem>>[vector<16xi32>, vector<16xi32>], vector<16xf32>, vector<16xi1>
            tpu.vector_store_idx %arg11[%select_n3A, %select_n3A_551, %broadcast_in_dim3A_554], %gather3A_555 masked %ge3A_498 : memref<8x50x64xf32, #tpu.memory_space<vmem>>[vector<16xi32>, vector<16xi32>, vector<16xi32>], vector<16xf32>, vector<16xi1>
            %broadcast_in_dim3A_556 = arith.constant 2 : i32
            %broadcast_in_dim3A_557 = vector.broadcast %broadcast_in_dim3A_556 : i32 to vector<16xi32>
            %gather3A_558 = tpu.vector_load_idx %arg6[%max3A_502, %broadcast_in_dim3A_557] masked %ge3A_498 : memref<1000x64xf32, #tpu.memory_space<vmem>>[vector<16xi32>, vector<16xi32>], vector<16xf32>, vector<16xi1>
            tpu.vector_store_idx %arg11[%select_n3A, %select_n3A_551, %broadcast_in_dim3A_557], %gather3A_558 masked %ge3A_498 : memref<8x50x64xf32, #tpu.memory_space<vmem>>[vector<16xi32>, vector<16xi32>, vector<16xi32>], vector<16xf32>, vector<16xi1>
            %broadcast_in_dim3A_559 = arith.constant 3 : i32
            %broadcast_in_dim3A_560 = vector.broadcast %broadcast_in_dim3A_559 : i32 to vector<16xi32>
            %gather3A_561 = tpu.vector_load_idx %arg6[%max3A_502, %broadcast_in_dim3A_560] masked %ge3A_498 : memref<1000x64xf32, #tpu.memory_space<vmem>>[vector<16xi32>, vector<16xi32>], vector<16xf32>, vector<16xi1>
            tpu.vector_store_idx %arg11[%select_n3A, %select_n3A_551, %broadcast_in_dim3A_560], %gather3A_561 masked %ge3A_498 : memref<8x50x64xf32, #tpu.memory_space<vmem>>[vector<16xi32>, vector<16xi32>, vector<16xi32>], vector<16xf32>, vector<16xi1>
            %broadcast_in_dim3A_562 = arith.constant 4 : i32
            %broadcast_in_dim3A_563 = vector.broadcast %broadcast_in_dim3A_562 : i32 to vector<16xi32>
            %gather3A_564 = tpu.vector_load_idx %arg6[%max3A_502, %broadcast_in_dim3A_563] masked %ge3A_498 : memref<1000x64xf32, #tpu.memory_space<vmem>>[vector<16xi32>, vector<16xi32>], vector<16xf32>, vector<16xi1>
            tpu.vector_store_idx %arg11[%select_n3A, %select_n3A_551, %broadcast_in_dim3A_563], %gather3A_564 masked %ge3A_498 : memref<8x50x64xf32, #tpu.memory_space<vmem>>[vector<16xi32>, vector<16xi32>, vector<16xi32>], vector<16xf32>, vector<16xi1>
            %broadcast_in_dim3A_565 = arith.constant 5 : i32
            %broadcast_in_dim3A_566 = vector.broadcast %broadcast_in_dim3A_565 : i32 to vector<16xi32>
            %gather3A_567 = tpu.vector_load_idx %arg6[%max3A_502, %broadcast_in_dim3A_566] masked %ge3A_498 : memref<1000x64xf32, #tpu.memory_space<vmem>>[vector<16xi32>, vector<16xi32>], vector<16xf32>, vector<16xi1>
            tpu.vector_store_idx %arg11[%select_n3A, %select_n3A_551, %broadcast_in_dim3A_566], %gather3A_567 masked %ge3A_498 : memref<8x50x64xf32, #tpu.memory_space<vmem>>[vector<16xi32>, vector<16xi32>, vector<16xi32>], vector<16xf32>, vector<16xi1>
            %broadcast_in_dim3A_568 = arith.constant 6 : i32
            %broadcast_in_dim3A_569 = vector.broadcast %broadcast_in_dim3A_568 : i32 to vector<16xi32>
            %gather3A_570 = tpu.vector_load_idx %arg6[%max3A_502, %broadcast_in_dim3A_569] masked %ge3A_498 : memref<1000x64xf32, #tpu.memory_space<vmem>>[vector<16xi32>, vector<16xi32>], vector<16xf32>, vector<16xi1>
            tpu.vector_store_idx %arg11[%select_n3A, %select_n3A_551, %broadcast_in_dim3A_569], %gather3A_570 masked %ge3A_498 : memref<8x50x64xf32, #tpu.memory_space<vmem>>[vector<16xi32>, vector<16xi32>, vector<16xi32>], vector<16xf32>, vector<16xi1>
            %broadcast_in_dim3A_571 = arith.constant 7 : i32
            %broadcast_in_dim3A_572 = vector.broadcast %broadcast_in_dim3A_571 : i32 to vector<16xi32>
            %gather3A_573 = tpu.vector_load_idx %arg6[%max3A_502, %broadcast_in_dim3A_572] masked %ge3A_498 : memref<1000x64xf32, #tpu.memory_space<vmem>>[vector<16xi32>, vector<16xi32>], vector<16xf32>, vector<16xi1>
            tpu.vector_store_idx %arg11[%select_n3A, %select_n3A_551, %broadcast_in_dim3A_572], %gather3A_573 masked %ge3A_498 : memref<8x50x64xf32, #tpu.memory_space<vmem>>[vector<16xi32>, vector<16xi32>, vector<16xi32>], vector<16xf32>, vector<16xi1>
            %broadcast_in_dim3A_574 = arith.constant 8 : i32
            %broadcast_in_dim3A_575 = vector.broadcast %broadcast_in_dim3A_574 : i32 to vector<16xi32>
            %gather3A_576 = tpu.vector_load_idx %arg6[%max3A_502, %broadcast_in_dim3A_575] masked %ge3A_498 : memref<1000x64xf32, #tpu.memory_space<vmem>>[vector<16xi32>, vector<16xi32>], vector<16xf32>, vector<16xi1>
            tpu.vector_store_idx %arg11[%select_n3A, %select_n3A_551, %broadcast_in_dim3A_575], %gather3A_576 masked %ge3A_498 : memref<8x50x64xf32, #tpu.memory_space<vmem>>[vector<16xi32>, vector<16xi32>, vector<16xi32>], vector<16xf32>, vector<16xi1>
            %broadcast_in_dim3A_577 = arith.constant 9 : i32
            %broadcast_in_dim3A_578 = vector.broadcast %broadcast_in_dim3A_577 : i32 to vector<16xi32>
            %gather3A_579 = tpu.vector_load_idx %arg6[%max3A_502, %broadcast_in_dim3A_578] masked %ge3A_498 : memref<1000x64xf32, #tpu.memory_space<vmem>>[vector<16xi32>, vector<16xi32>], vector<16xf32>, vector<16xi1>
            tpu.vector_store_idx %arg11[%select_n3A, %select_n3A_551, %broadcast_in_dim3A_578], %gather3A_579 masked %ge3A_498 : memref<8x50x64xf32, #tpu.memory_space<vmem>>[vector<16xi32>, vector<16xi32>, vector<16xi32>], vector<16xf32>, vector<16xi1>
            %broadcast_in_dim3A_580 = arith.constant 10 : i32
            %broadcast_in_dim3A_581 = vector.broadcast %broadcast_in_dim3A_580 : i32 to vector<16xi32>
            %gather3A_582 = tpu.vector_load_idx %arg6[%max3A_502, %broadcast_in_dim3A_581] masked %ge3A_498 : memref<1000x64xf32, #tpu.memory_space<vmem>>[vector<16xi32>, vector<16xi32>], vector<16xf32>, vector<16xi1>
            tpu.vector_store_idx %arg11[%select_n3A, %select_n3A_551, %broadcast_in_dim3A_581], %gather3A_582 masked %ge3A_498 : memref<8x50x64xf32, #tpu.memory_space<vmem>>[vector<16xi32>, vector<16xi32>, vector<16xi32>], vector<16xf32>, vector<16xi1>
            %broadcast_in_dim3A_583 = arith.constant 11 : i32
            %broadcast_in_dim3A_584 = vector.broadcast %broadcast_in_dim3A_583 : i32 to vector<16xi32>
            %gather3A_585 = tpu.vector_load_idx %arg6[%max3A_502, %broadcast_in_dim3A_584] masked %ge3A_498 : memref<1000x64xf32, #tpu.memory_space<vmem>>[vector<16xi32>, vector<16xi32>], vector<16xf32>, vector<16xi1>
            tpu.vector_store_idx %arg11[%select_n3A, %select_n3A_551, %broadcast_in_dim3A_584], %gather3A_585 masked %ge3A_498 : memref<8x50x64xf32, #tpu.memory_space<vmem>>[vector<16xi32>, vector<16xi32>, vector<16xi32>], vector<16xf32>, vector<16xi1>
            %broadcast_in_dim3A_586 = arith.constant 12 : i32
            %broadcast_in_dim3A_587 = vector.broadcast %broadcast_in_dim3A_586 : i32 to vector<16xi32>
            %gather3A_588 = tpu.vector_load_idx %arg6[%max3A_502, %broadcast_in_dim3A_587] masked %ge3A_498 : memref<1000x64xf32, #tpu.memory_space<vmem>>[vector<16xi32>, vector<16xi32>], vector<16xf32>, vector<16xi1>
            tpu.vector_store_idx %arg11[%select_n3A, %select_n3A_551, %broadcast_in_dim3A_587], %gather3A_588 masked %ge3A_498 : memref<8x50x64xf32, #tpu.memory_space<vmem>>[vector<16xi32>, vector<16xi32>, vector<16xi32>], vector<16xf32>, vector<16xi1>
            %broadcast_in_dim3A_589 = arith.constant 13 : i32
            %broadcast_in_dim3A_590 = vector.broadcast %broadcast_in_dim3A_589 : i32 to vector<16xi32>
            %gather3A_591 = tpu.vector_load_idx %arg6[%max3A_502, %broadcast_in_dim3A_590] masked %ge3A_498 : memref<1000x64xf32, #tpu.memory_space<vmem>>[vector<16xi32>, vector<16xi32>], vector<16xf32>, vector<16xi1>
            tpu.vector_store_idx %arg11[%select_n3A, %select_n3A_551, %broadcast_in_dim3A_590], %gather3A_591 masked %ge3A_498 : memref<8x50x64xf32, #tpu.memory_space<vmem>>[vector<16xi32>, vector<16xi32>, vector<16xi32>], vector<16xf32>, vector<16xi1>
            %broadcast_in_dim3A_592 = arith.constant 14 : i32
            %broadcast_in_dim3A_593 = vector.broadcast %broadcast_in_dim3A_592 : i32 to vector<16xi32>
            %gather3A_594 = tpu.vector_load_idx %arg6[%max3A_502, %broadcast_in_dim3A_593] masked %ge3A_498 : memref<1000x64xf32, #tpu.memory_space<vmem>>[vector<16xi32>, vector<16xi32>], vector<16xf32>, vector<16xi1>
            tpu.vector_store_idx %arg11[%select_n3A, %select_n3A_551, %broadcast_in_dim3A_593], %gather3A_594 masked %ge3A_498 : memref<8x50x64xf32, #tpu.memory_space<vmem>>[vector<16xi32>, vector<16xi32>, vector<16xi32>], vector<16xf32>, vector<16xi1>
            %broadcast_in_dim3A_595 = arith.constant 15 : i32
            %broadcast_in_dim3A_596 = vector.broadcast %broadcast_in_dim3A_595 : i32 to vector<16xi32>
            %gather3A_597 = tpu.vector_load_idx %arg6[%max3A_502, %broadcast_in_dim3A_596] masked %ge3A_498 : memref<1000x64xf32, #tpu.memory_space<vmem>>[vector<16xi32>, vector<16xi32>], vector<16xf32>, vector<16xi1>
            tpu.vector_store_idx %arg11[%select_n3A, %select_n3A_551, %broadcast_in_dim3A_596], %gather3A_597 masked %ge3A_498 : memref<8x50x64xf32, #tpu.memory_space<vmem>>[vector<16xi32>, vector<16xi32>, vector<16xi32>], vector<16xf32>, vector<16xi1>
            %broadcast_in_dim3A_598 = arith.constant 16 : i32
            %broadcast_in_dim3A_599 = vector.broadcast %broadcast_in_dim3A_598 : i32 to vector<16xi32>
            %gather3A_600 = tpu.vector_load_idx %arg6[%max3A_502, %broadcast_in_dim3A_599] masked %ge3A_498 : memref<1000x64xf32, #tpu.memory_space<vmem>>[vector<16xi32>, vector<16xi32>], vector<16xf32>, vector<16xi1>
            tpu.vector_store_idx %arg11[%select_n3A, %select_n3A_551, %broadcast_in_dim3A_599], %gather3A_600 masked %ge3A_498 : memref<8x50x64xf32, #tpu.memory_space<vmem>>[vector<16xi32>, vector<16xi32>, vector<16xi32>], vector<16xf32>, vector<16xi1>
            %broadcast_in_dim3A_601 = arith.constant 17 : i32
            %broadcast_in_dim3A_602 = vector.broadcast %broadcast_in_dim3A_601 : i32 to vector<16xi32>
            %gather3A_603 = tpu.vector_load_idx %arg6[%max3A_502, %broadcast_in_dim3A_602] masked %ge3A_498 : memref<1000x64xf32, #tpu.memory_space<vmem>>[vector<16xi32>, vector<16xi32>], vector<16xf32>, vector<16xi1>
            tpu.vector_store_idx %arg11[%select_n3A, %select_n3A_551, %broadcast_in_dim3A_602], %gather3A_603 masked %ge3A_498 : memref<8x50x64xf32, #tpu.memory_space<vmem>>[vector<16xi32>, vector<16xi32>, vector<16xi32>], vector<16xf32>, vector<16xi1>
            %broadcast_in_dim3A_604 = arith.constant 18 : i32
            %broadcast_in_dim3A_605 = vector.broadcast %broadcast_in_dim3A_604 : i32 to vector<16xi32>
            %gather3A_606 = tpu.vector_load_idx %arg6[%max3A_502, %broadcast_in_dim3A_605] masked %ge3A_498 : memref<1000x64xf32, #tpu.memory_space<vmem>>[vector<16xi32>, vector<16xi32>], vector<16xf32>, vector<16xi1>
            tpu.vector_store_idx %arg11[%select_n3A, %select_n3A_551, %broadcast_in_dim3A_605], %gather3A_606 masked %ge3A_498 : memref<8x50x64xf32, #tpu.memory_space<vmem>>[vector<16xi32>, vector<16xi32>, vector<16xi32>], vector<16xf32>, vector<16xi1>
            %broadcast_in_dim3A_607 = arith.constant 19 : i32
            %broadcast_in_dim3A_608 = vector.broadcast %broadcast_in_dim3A_607 : i32 to vector<16xi32>
            %gather3A_609 = tpu.vector_load_idx %arg6[%max3A_502, %broadcast_in_dim3A_608] masked %ge3A_498 : memref<1000x64xf32, #tpu.memory_space<vmem>>[vector<16xi32>, vector<16xi32>], vector<16xf32>, vector<16xi1>
            tpu.vector_store_idx %arg11[%select_n3A, %select_n3A_551, %broadcast_in_dim3A_608], %gather3A_609 masked %ge3A_498 : memref<8x50x64xf32, #tpu.memory_space<vmem>>[vector<16xi32>, vector<16xi32>, vector<16xi32>], vector<16xf32>, vector<16xi1>
            %broadcast_in_dim3A_610 = arith.constant 20 : i32
            %broadcast_in_dim3A_611 = vector.broadcast %broadcast_in_dim3A_610 : i32 to vector<16xi32>
            %gather3A_612 = tpu.vector_load_idx %arg6[%max3A_502, %broadcast_in_dim3A_611] masked %ge3A_498 : memref<1000x64xf32, #tpu.memory_space<vmem>>[vector<16xi32>, vector<16xi32>], vector<16xf32>, vector<16xi1>
            tpu.vector_store_idx %arg11[%select_n3A, %select_n3A_551, %broadcast_in_dim3A_611], %gather3A_612 masked %ge3A_498 : memref<8x50x64xf32, #tpu.memory_space<vmem>>[vector<16xi32>, vector<16xi32>, vector<16xi32>], vector<16xf32>, vector<16xi1>
            %broadcast_in_dim3A_613 = arith.constant 21 : i32
            %broadcast_in_dim3A_614 = vector.broadcast %broadcast_in_dim3A_613 : i32 to vector<16xi32>
            %gather3A_615 = tpu.vector_load_idx %arg6[%max3A_502, %broadcast_in_dim3A_614] masked %ge3A_498 : memref<1000x64xf32, #tpu.memory_space<vmem>>[vector<16xi32>, vector<16xi32>], vector<16xf32>, vector<16xi1>
            tpu.vector_store_idx %arg11[%select_n3A, %select_n3A_551, %broadcast_in_dim3A_614], %gather3A_615 masked %ge3A_498 : memref<8x50x64xf32, #tpu.memory_space<vmem>>[vector<16xi32>, vector<16xi32>, vector<16xi32>], vector<16xf32>, vector<16xi1>
            %broadcast_in_dim3A_616 = arith.constant 22 : i32
            %broadcast_in_dim3A_617 = vector.broadcast %broadcast_in_dim3A_616 : i32 to vector<16xi32>
            %gather3A_618 = tpu.vector_load_idx %arg6[%max3A_502, %broadcast_in_dim3A_617] masked %ge3A_498 : memref<1000x64xf32, #tpu.memory_space<vmem>>[vector<16xi32>, vector<16xi32>], vector<16xf32>, vector<16xi1>
            tpu.vector_store_idx %arg11[%select_n3A, %select_n3A_551, %broadcast_in_dim3A_617], %gather3A_618 masked %ge3A_498 : memref<8x50x64xf32, #tpu.memory_space<vmem>>[vector<16xi32>, vector<16xi32>, vector<16xi32>], vector<16xf32>, vector<16xi1>
            %broadcast_in_dim3A_619 = arith.constant 23 : i32
            %broadcast_in_dim3A_620 = vector.broadcast %broadcast_in_dim3A_619 : i32 to vector<16xi32>
            %gather3A_621 = tpu.vector_load_idx %arg6[%max3A_502, %broadcast_in_dim3A_620] masked %ge3A_498 : memref<1000x64xf32, #tpu.memory_space<vmem>>[vector<16xi32>, vector<16xi32>], vector<16xf32>, vector<16xi1>
            tpu.vector_store_idx %arg11[%select_n3A, %select_n3A_551, %broadcast_in_dim3A_620], %gather3A_621 masked %ge3A_498 : memref<8x50x64xf32, #tpu.memory_space<vmem>>[vector<16xi32>, vector<16xi32>, vector<16xi32>], vector<16xf32>, vector<16xi1>
            %broadcast_in_dim3A_622 = arith.constant 24 : i32
            %broadcast_in_dim3A_623 = vector.broadcast %broadcast_in_dim3A_622 : i32 to vector<16xi32>
            %gather3A_624 = tpu.vector_load_idx %arg6[%max3A_502, %broadcast_in_dim3A_623] masked %ge3A_498 : memref<1000x64xf32, #tpu.memory_space<vmem>>[vector<16xi32>, vector<16xi32>], vector<16xf32>, vector<16xi1>
            tpu.vector_store_idx %arg11[%select_n3A, %select_n3A_551, %broadcast_in_dim3A_623], %gather3A_624 masked %ge3A_498 : memref<8x50x64xf32, #tpu.memory_space<vmem>>[vector<16xi32>, vector<16xi32>, vector<16xi32>], vector<16xf32>, vector<16xi1>
            %broadcast_in_dim3A_625 = arith.constant 25 : i32
            %broadcast_in_dim3A_626 = vector.broadcast %broadcast_in_dim3A_625 : i32 to vector<16xi32>
            %gather3A_627 = tpu.vector_load_idx %arg6[%max3A_502, %broadcast_in_dim3A_626] masked %ge3A_498 : memref<1000x64xf32, #tpu.memory_space<vmem>>[vector<16xi32>, vector<16xi32>], vector<16xf32>, vector<16xi1>
            tpu.vector_store_idx %arg11[%select_n3A, %select_n3A_551, %broadcast_in_dim3A_626], %gather3A_627 masked %ge3A_498 : memref<8x50x64xf32, #tpu.memory_space<vmem>>[vector<16xi32>, vector<16xi32>, vector<16xi32>], vector<16xf32>, vector<16xi1>
            %broadcast_in_dim3A_628 = arith.constant 26 : i32
            %broadcast_in_dim3A_629 = vector.broadcast %broadcast_in_dim3A_628 : i32 to vector<16xi32>
            %gather3A_630 = tpu.vector_load_idx %arg6[%max3A_502, %broadcast_in_dim3A_629] masked %ge3A_498 : memref<1000x64xf32, #tpu.memory_space<vmem>>[vector<16xi32>, vector<16xi32>], vector<16xf32>, vector<16xi1>
            tpu.vector_store_idx %arg11[%select_n3A, %select_n3A_551, %broadcast_in_dim3A_629], %gather3A_630 masked %ge3A_498 : memref<8x50x64xf32, #tpu.memory_space<vmem>>[vector<16xi32>, vector<16xi32>, vector<16xi32>], vector<16xf32>, vector<16xi1>
            %broadcast_in_dim3A_631 = arith.constant 27 : i32
            %broadcast_in_dim3A_632 = vector.broadcast %broadcast_in_dim3A_631 : i32 to vector<16xi32>
            %gather3A_633 = tpu.vector_load_idx %arg6[%max3A_502, %broadcast_in_dim3A_632] masked %ge3A_498 : memref<1000x64xf32, #tpu.memory_space<vmem>>[vector<16xi32>, vector<16xi32>], vector<16xf32>, vector<16xi1>
            tpu.vector_store_idx %arg11[%select_n3A, %select_n3A_551, %broadcast_in_dim3A_632], %gather3A_633 masked %ge3A_498 : memref<8x50x64xf32, #tpu.memory_space<vmem>>[vector<16xi32>, vector<16xi32>, vector<16xi32>], vector<16xf32>, vector<16xi1>
            %broadcast_in_dim3A_634 = arith.constant 28 : i32
            %broadcast_in_dim3A_635 = vector.broadcast %broadcast_in_dim3A_634 : i32 to vector<16xi32>
            %gather3A_636 = tpu.vector_load_idx %arg6[%max3A_502, %broadcast_in_dim3A_635] masked %ge3A_498 : memref<1000x64xf32, #tpu.memory_space<vmem>>[vector<16xi32>, vector<16xi32>], vector<16xf32>, vector<16xi1>
            tpu.vector_store_idx %arg11[%select_n3A, %select_n3A_551, %broadcast_in_dim3A_635], %gather3A_636 masked %ge3A_498 : memref<8x50x64xf32, #tpu.memory_space<vmem>>[vector<16xi32>, vector<16xi32>, vector<16xi32>], vector<16xf32>, vector<16xi1>
            %broadcast_in_dim3A_637 = arith.constant 29 : i32
            %broadcast_in_dim3A_638 = vector.broadcast %broadcast_in_dim3A_637 : i32 to vector<16xi32>
            %gather3A_639 = tpu.vector_load_idx %arg6[%max3A_502, %broadcast_in_dim3A_638] masked %ge3A_498 : memref<1000x64xf32, #tpu.memory_space<vmem>>[vector<16xi32>, vector<16xi32>], vector<16xf32>, vector<16xi1>
            tpu.vector_store_idx %arg11[%select_n3A, %select_n3A_551, %broadcast_in_dim3A_638], %gather3A_639 masked %ge3A_498 : memref<8x50x64xf32, #tpu.memory_space<vmem>>[vector<16xi32>, vector<16xi32>, vector<16xi32>], vector<16xf32>, vector<16xi1>
            %broadcast_in_dim3A_640 = arith.constant 30 : i32
            %broadcast_in_dim3A_641 = vector.broadcast %broadcast_in_dim3A_640 : i32 to vector<16xi32>
            %gather3A_642 = tpu.vector_load_idx %arg6[%max3A_502, %broadcast_in_dim3A_641] masked %ge3A_498 : memref<1000x64xf32, #tpu.memory_space<vmem>>[vector<16xi32>, vector<16xi32>], vector<16xf32>, vector<16xi1>
            tpu.vector_store_idx %arg11[%select_n3A, %select_n3A_551, %broadcast_in_dim3A_641], %gather3A_642 masked %ge3A_498 : memref<8x50x64xf32, #tpu.memory_space<vmem>>[vector<16xi32>, vector<16xi32>, vector<16xi32>], vector<16xf32>, vector<16xi1>
            %broadcast_in_dim3A_643 = arith.constant 31 : i32
            %broadcast_in_dim3A_644 = vector.broadcast %broadcast_in_dim3A_643 : i32 to vector<16xi32>
            %gather3A_645 = tpu.vector_load_idx %arg6[%max3A_502, %broadcast_in_dim3A_644] masked %ge3A_498 : memref<1000x64xf32, #tpu.memory_space<vmem>>[vector<16xi32>, vector<16xi32>], vector<16xf32>, vector<16xi1>
            tpu.vector_store_idx %arg11[%select_n3A, %select_n3A_551, %broadcast_in_dim3A_644], %gather3A_645 masked %ge3A_498 : memref<8x50x64xf32, #tpu.memory_space<vmem>>[vector<16xi32>, vector<16xi32>, vector<16xi32>], vector<16xf32>, vector<16xi1>
            %broadcast_in_dim3A_646 = arith.constant 32 : i32
            %broadcast_in_dim3A_647 = vector.broadcast %broadcast_in_dim3A_646 : i32 to vector<16xi32>
            %gather3A_648 = tpu.vector_load_idx %arg6[%max3A_502, %broadcast_in_dim3A_647] masked %ge3A_498 : memref<1000x64xf32, #tpu.memory_space<vmem>>[vector<16xi32>, vector<16xi32>], vector<16xf32>, vector<16xi1>
            tpu.vector_store_idx %arg11[%select_n3A, %select_n3A_551, %broadcast_in_dim3A_647], %gather3A_648 masked %ge3A_498 : memref<8x50x64xf32, #tpu.memory_space<vmem>>[vector<16xi32>, vector<16xi32>, vector<16xi32>], vector<16xf32>, vector<16xi1>
            %broadcast_in_dim3A_649 = arith.constant 33 : i32
            %broadcast_in_dim3A_650 = vector.broadcast %broadcast_in_dim3A_649 : i32 to vector<16xi32>
            %gather3A_651 = tpu.vector_load_idx %arg6[%max3A_502, %broadcast_in_dim3A_650] masked %ge3A_498 : memref<1000x64xf32, #tpu.memory_space<vmem>>[vector<16xi32>, vector<16xi32>], vector<16xf32>, vector<16xi1>
            tpu.vector_store_idx %arg11[%select_n3A, %select_n3A_551, %broadcast_in_dim3A_650], %gather3A_651 masked %ge3A_498 : memref<8x50x64xf32, #tpu.memory_space<vmem>>[vector<16xi32>, vector<16xi32>, vector<16xi32>], vector<16xf32>, vector<16xi1>
            %broadcast_in_dim3A_652 = arith.constant 34 : i32
            %broadcast_in_dim3A_653 = vector.broadcast %broadcast_in_dim3A_652 : i32 to vector<16xi32>
            %gather3A_654 = tpu.vector_load_idx %arg6[%max3A_502, %broadcast_in_dim3A_653] masked %ge3A_498 : memref<1000x64xf32, #tpu.memory_space<vmem>>[vector<16xi32>, vector<16xi32>], vector<16xf32>, vector<16xi1>
            tpu.vector_store_idx %arg11[%select_n3A, %select_n3A_551, %broadcast_in_dim3A_653], %gather3A_654 masked %ge3A_498 : memref<8x50x64xf32, #tpu.memory_space<vmem>>[vector<16xi32>, vector<16xi32>, vector<16xi32>], vector<16xf32>, vector<16xi1>
            %broadcast_in_dim3A_655 = arith.constant 35 : i32
            %broadcast_in_dim3A_656 = vector.broadcast %broadcast_in_dim3A_655 : i32 to vector<16xi32>
            %gather3A_657 = tpu.vector_load_idx %arg6[%max3A_502, %broadcast_in_dim3A_656] masked %ge3A_498 : memref<1000x64xf32, #tpu.memory_space<vmem>>[vector<16xi32>, vector<16xi32>], vector<16xf32>, vector<16xi1>
            tpu.vector_store_idx %arg11[%select_n3A, %select_n3A_551, %broadcast_in_dim3A_656], %gather3A_657 masked %ge3A_498 : memref<8x50x64xf32, #tpu.memory_space<vmem>>[vector<16xi32>, vector<16xi32>, vector<16xi32>], vector<16xf32>, vector<16xi1>
            %broadcast_in_dim3A_658 = arith.constant 36 : i32
            %broadcast_in_dim3A_659 = vector.broadcast %broadcast_in_dim3A_658 : i32 to vector<16xi32>
            %gather3A_660 = tpu.vector_load_idx %arg6[%max3A_502, %broadcast_in_dim3A_659] masked %ge3A_498 : memref<1000x64xf32, #tpu.memory_space<vmem>>[vector<16xi32>, vector<16xi32>], vector<16xf32>, vector<16xi1>
            tpu.vector_store_idx %arg11[%select_n3A, %select_n3A_551, %broadcast_in_dim3A_659], %gather3A_660 masked %ge3A_498 : memref<8x50x64xf32, #tpu.memory_space<vmem>>[vector<16xi32>, vector<16xi32>, vector<16xi32>], vector<16xf32>, vector<16xi1>
            %broadcast_in_dim3A_661 = arith.constant 37 : i32
            %broadcast_in_dim3A_662 = vector.broadcast %broadcast_in_dim3A_661 : i32 to vector<16xi32>
            %gather3A_663 = tpu.vector_load_idx %arg6[%max3A_502, %broadcast_in_dim3A_662] masked %ge3A_498 : memref<1000x64xf32, #tpu.memory_space<vmem>>[vector<16xi32>, vector<16xi32>], vector<16xf32>, vector<16xi1>
            tpu.vector_store_idx %arg11[%select_n3A, %select_n3A_551, %broadcast_in_dim3A_662], %gather3A_663 masked %ge3A_498 : memref<8x50x64xf32, #tpu.memory_space<vmem>>[vector<16xi32>, vector<16xi32>, vector<16xi32>], vector<16xf32>, vector<16xi1>
            %broadcast_in_dim3A_664 = arith.constant 38 : i32
            %broadcast_in_dim3A_665 = vector.broadcast %broadcast_in_dim3A_664 : i32 to vector<16xi32>
            %gather3A_666 = tpu.vector_load_idx %arg6[%max3A_502, %broadcast_in_dim3A_665] masked %ge3A_498 : memref<1000x64xf32, #tpu.memory_space<vmem>>[vector<16xi32>, vector<16xi32>], vector<16xf32>, vector<16xi1>
            tpu.vector_store_idx %arg11[%select_n3A, %select_n3A_551, %broadcast_in_dim3A_665], %gather3A_666 masked %ge3A_498 : memref<8x50x64xf32, #tpu.memory_space<vmem>>[vector<16xi32>, vector<16xi32>, vector<16xi32>], vector<16xf32>, vector<16xi1>
            %broadcast_in_dim3A_667 = arith.constant 39 : i32
            %broadcast_in_dim3A_668 = vector.broadcast %broadcast_in_dim3A_667 : i32 to vector<16xi32>
            %gather3A_669 = tpu.vector_load_idx %arg6[%max3A_502, %broadcast_in_dim3A_668] masked %ge3A_498 : memref<1000x64xf32, #tpu.memory_space<vmem>>[vector<16xi32>, vector<16xi32>], vector<16xf32>, vector<16xi1>
            tpu.vector_store_idx %arg11[%select_n3A, %select_n3A_551, %broadcast_in_dim3A_668], %gather3A_669 masked %ge3A_498 : memref<8x50x64xf32, #tpu.memory_space<vmem>>[vector<16xi32>, vector<16xi32>, vector<16xi32>], vector<16xf32>, vector<16xi1>
            %broadcast_in_dim3A_670 = arith.constant 40 : i32
            %broadcast_in_dim3A_671 = vector.broadcast %broadcast_in_dim3A_670 : i32 to vector<16xi32>
            %gather3A_672 = tpu.vector_load_idx %arg6[%max3A_502, %broadcast_in_dim3A_671] masked %ge3A_498 : memref<1000x64xf32, #tpu.memory_space<vmem>>[vector<16xi32>, vector<16xi32>], vector<16xf32>, vector<16xi1>
            tpu.vector_store_idx %arg11[%select_n3A, %select_n3A_551, %broadcast_in_dim3A_671], %gather3A_672 masked %ge3A_498 : memref<8x50x64xf32, #tpu.memory_space<vmem>>[vector<16xi32>, vector<16xi32>, vector<16xi32>], vector<16xf32>, vector<16xi1>
            %broadcast_in_dim3A_673 = arith.constant 41 : i32
            %broadcast_in_dim3A_674 = vector.broadcast %broadcast_in_dim3A_673 : i32 to vector<16xi32>
            %gather3A_675 = tpu.vector_load_idx %arg6[%max3A_502, %broadcast_in_dim3A_674] masked %ge3A_498 : memref<1000x64xf32, #tpu.memory_space<vmem>>[vector<16xi32>, vector<16xi32>], vector<16xf32>, vector<16xi1>
            tpu.vector_store_idx %arg11[%select_n3A, %select_n3A_551, %broadcast_in_dim3A_674], %gather3A_675 masked %ge3A_498 : memref<8x50x64xf32, #tpu.memory_space<vmem>>[vector<16xi32>, vector<16xi32>, vector<16xi32>], vector<16xf32>, vector<16xi1>
            %broadcast_in_dim3A_676 = arith.constant 42 : i32
            %broadcast_in_dim3A_677 = vector.broadcast %broadcast_in_dim3A_676 : i32 to vector<16xi32>
            %gather3A_678 = tpu.vector_load_idx %arg6[%max3A_502, %broadcast_in_dim3A_677] masked %ge3A_498 : memref<1000x64xf32, #tpu.memory_space<vmem>>[vector<16xi32>, vector<16xi32>], vector<16xf32>, vector<16xi1>
            tpu.vector_store_idx %arg11[%select_n3A, %select_n3A_551, %broadcast_in_dim3A_677], %gather3A_678 masked %ge3A_498 : memref<8x50x64xf32, #tpu.memory_space<vmem>>[vector<16xi32>, vector<16xi32>, vector<16xi32>], vector<16xf32>, vector<16xi1>
            %broadcast_in_dim3A_679 = arith.constant 43 : i32
            %broadcast_in_dim3A_680 = vector.broadcast %broadcast_in_dim3A_679 : i32 to vector<16xi32>
            %gather3A_681 = tpu.vector_load_idx %arg6[%max3A_502, %broadcast_in_dim3A_680] masked %ge3A_498 : memref<1000x64xf32, #tpu.memory_space<vmem>>[vector<16xi32>, vector<16xi32>], vector<16xf32>, vector<16xi1>
            tpu.vector_store_idx %arg11[%select_n3A, %select_n3A_551, %broadcast_in_dim3A_680], %gather3A_681 masked %ge3A_498 : memref<8x50x64xf32, #tpu.memory_space<vmem>>[vector<16xi32>, vector<16xi32>, vector<16xi32>], vector<16xf32>, vector<16xi1>
            %broadcast_in_dim3A_682 = arith.constant 44 : i32
            %broadcast_in_dim3A_683 = vector.broadcast %broadcast_in_dim3A_682 : i32 to vector<16xi32>
            %gather3A_684 = tpu.vector_load_idx %arg6[%max3A_502, %broadcast_in_dim3A_683] masked %ge3A_498 : memref<1000x64xf32, #tpu.memory_space<vmem>>[vector<16xi32>, vector<16xi32>], vector<16xf32>, vector<16xi1>
            tpu.vector_store_idx %arg11[%select_n3A, %select_n3A_551, %broadcast_in_dim3A_683], %gather3A_684 masked %ge3A_498 : memref<8x50x64xf32, #tpu.memory_space<vmem>>[vector<16xi32>, vector<16xi32>, vector<16xi32>], vector<16xf32>, vector<16xi1>
            %broadcast_in_dim3A_685 = arith.constant 45 : i32
            %broadcast_in_dim3A_686 = vector.broadcast %broadcast_in_dim3A_685 : i32 to vector<16xi32>
            %gather3A_687 = tpu.vector_load_idx %arg6[%max3A_502, %broadcast_in_dim3A_686] masked %ge3A_498 : memref<1000x64xf32, #tpu.memory_space<vmem>>[vector<16xi32>, vector<16xi32>], vector<16xf32>, vector<16xi1>
            tpu.vector_store_idx %arg11[%select_n3A, %select_n3A_551, %broadcast_in_dim3A_686], %gather3A_687 masked %ge3A_498 : memref<8x50x64xf32, #tpu.memory_space<vmem>>[vector<16xi32>, vector<16xi32>, vector<16xi32>], vector<16xf32>, vector<16xi1>
            %broadcast_in_dim3A_688 = arith.constant 46 : i32
            %broadcast_in_dim3A_689 = vector.broadcast %broadcast_in_dim3A_688 : i32 to vector<16xi32>
            %gather3A_690 = tpu.vector_load_idx %arg6[%max3A_502, %broadcast_in_dim3A_689] masked %ge3A_498 : memref<1000x64xf32, #tpu.memory_space<vmem>>[vector<16xi32>, vector<16xi32>], vector<16xf32>, vector<16xi1>
            tpu.vector_store_idx %arg11[%select_n3A, %select_n3A_551, %broadcast_in_dim3A_689], %gather3A_690 masked %ge3A_498 : memref<8x50x64xf32, #tpu.memory_space<vmem>>[vector<16xi32>, vector<16xi32>, vector<16xi32>], vector<16xf32>, vector<16xi1>
            %broadcast_in_dim3A_691 = arith.constant 47 : i32
            %broadcast_in_dim3A_692 = vector.broadcast %broadcast_in_dim3A_691 : i32 to vector<16xi32>
            %gather3A_693 = tpu.vector_load_idx %arg6[%max3A_502, %broadcast_in_dim3A_692] masked %ge3A_498 : memref<1000x64xf32, #tpu.memory_space<vmem>>[vector<16xi32>, vector<16xi32>], vector<16xf32>, vector<16xi1>
            tpu.vector_store_idx %arg11[%select_n3A, %select_n3A_551, %broadcast_in_dim3A_692], %gather3A_693 masked %ge3A_498 : memref<8x50x64xf32, #tpu.memory_space<vmem>>[vector<16xi32>, vector<16xi32>, vector<16xi32>], vector<16xf32>, vector<16xi1>
            %broadcast_in_dim3A_694 = arith.constant 48 : i32
            %broadcast_in_dim3A_695 = vector.broadcast %broadcast_in_dim3A_694 : i32 to vector<16xi32>
            %gather3A_696 = tpu.vector_load_idx %arg6[%max3A_502, %broadcast_in_dim3A_695] masked %ge3A_498 : memref<1000x64xf32, #tpu.memory_space<vmem>>[vector<16xi32>, vector<16xi32>], vector<16xf32>, vector<16xi1>
            tpu.vector_store_idx %arg11[%select_n3A, %select_n3A_551, %broadcast_in_dim3A_695], %gather3A_696 masked %ge3A_498 : memref<8x50x64xf32, #tpu.memory_space<vmem>>[vector<16xi32>, vector<16xi32>, vector<16xi32>], vector<16xf32>, vector<16xi1>
            %broadcast_in_dim3A_697 = arith.constant 49 : i32
            %broadcast_in_dim3A_698 = vector.broadcast %broadcast_in_dim3A_697 : i32 to vector<16xi32>
            %gather3A_699 = tpu.vector_load_idx %arg6[%max3A_502, %broadcast_in_dim3A_698] masked %ge3A_498 : memref<1000x64xf32, #tpu.memory_space<vmem>>[vector<16xi32>, vector<16xi32>], vector<16xf32>, vector<16xi1>
            tpu.vector_store_idx %arg11[%select_n3A, %select_n3A_551, %broadcast_in_dim3A_698], %gather3A_699 masked %ge3A_498 : memref<8x50x64xf32, #tpu.memory_space<vmem>>[vector<16xi32>, vector<16xi32>, vector<16xi32>], vector<16xf32>, vector<16xi1>
            %broadcast_in_dim3A_700 = arith.constant 50 : i32
            %broadcast_in_dim3A_701 = vector.broadcast %broadcast_in_dim3A_700 : i32 to vector<16xi32>
            %gather3A_702 = tpu.vector_load_idx %arg6[%max3A_502, %broadcast_in_dim3A_701] masked %ge3A_498 : memref<1000x64xf32, #tpu.memory_space<vmem>>[vector<16xi32>, vector<16xi32>], vector<16xf32>, vector<16xi1>
            tpu.vector_store_idx %arg11[%select_n3A, %select_n3A_551, %broadcast_in_dim3A_701], %gather3A_702 masked %ge3A_498 : memref<8x50x64xf32, #tpu.memory_space<vmem>>[vector<16xi32>, vector<16xi32>, vector<16xi32>], vector<16xf32>, vector<16xi1>
            %broadcast_in_dim3A_703 = arith.constant 51 : i32
            %broadcast_in_dim3A_704 = vector.broadcast %broadcast_in_dim3A_703 : i32 to vector<16xi32>
            %gather3A_705 = tpu.vector_load_idx %arg6[%max3A_502, %broadcast_in_dim3A_704] masked %ge3A_498 : memref<1000x64xf32, #tpu.memory_space<vmem>>[vector<16xi32>, vector<16xi32>], vector<16xf32>, vector<16xi1>
            tpu.vector_store_idx %arg11[%select_n3A, %select_n3A_551, %broadcast_in_dim3A_704], %gather3A_705 masked %ge3A_498 : memref<8x50x64xf32, #tpu.memory_space<vmem>>[vector<16xi32>, vector<16xi32>, vector<16xi32>], vector<16xf32>, vector<16xi1>
            %broadcast_in_dim3A_706 = arith.constant 52 : i32
            %broadcast_in_dim3A_707 = vector.broadcast %broadcast_in_dim3A_706 : i32 to vector<16xi32>
            %gather3A_708 = tpu.vector_load_idx %arg6[%max3A_502, %broadcast_in_dim3A_707] masked %ge3A_498 : memref<1000x64xf32, #tpu.memory_space<vmem>>[vector<16xi32>, vector<16xi32>], vector<16xf32>, vector<16xi1>
            tpu.vector_store_idx %arg11[%select_n3A, %select_n3A_551, %broadcast_in_dim3A_707], %gather3A_708 masked %ge3A_498 : memref<8x50x64xf32, #tpu.memory_space<vmem>>[vector<16xi32>, vector<16xi32>, vector<16xi32>], vector<16xf32>, vector<16xi1>
            %broadcast_in_dim3A_709 = arith.constant 53 : i32
            %broadcast_in_dim3A_710 = vector.broadcast %broadcast_in_dim3A_709 : i32 to vector<16xi32>
            %gather3A_711 = tpu.vector_load_idx %arg6[%max3A_502, %broadcast_in_dim3A_710] masked %ge3A_498 : memref<1000x64xf32, #tpu.memory_space<vmem>>[vector<16xi32>, vector<16xi32>], vector<16xf32>, vector<16xi1>
            tpu.vector_store_idx %arg11[%select_n3A, %select_n3A_551, %broadcast_in_dim3A_710], %gather3A_711 masked %ge3A_498 : memref<8x50x64xf32, #tpu.memory_space<vmem>>[vector<16xi32>, vector<16xi32>, vector<16xi32>], vector<16xf32>, vector<16xi1>
            %broadcast_in_dim3A_712 = arith.constant 54 : i32
            %broadcast_in_dim3A_713 = vector.broadcast %broadcast_in_dim3A_712 : i32 to vector<16xi32>
            %gather3A_714 = tpu.vector_load_idx %arg6[%max3A_502, %broadcast_in_dim3A_713] masked %ge3A_498 : memref<1000x64xf32, #tpu.memory_space<vmem>>[vector<16xi32>, vector<16xi32>], vector<16xf32>, vector<16xi1>
            tpu.vector_store_idx %arg11[%select_n3A, %select_n3A_551, %broadcast_in_dim3A_713], %gather3A_714 masked %ge3A_498 : memref<8x50x64xf32, #tpu.memory_space<vmem>>[vector<16xi32>, vector<16xi32>, vector<16xi32>], vector<16xf32>, vector<16xi1>
            %broadcast_in_dim3A_715 = arith.constant 55 : i32
            %broadcast_in_dim3A_716 = vector.broadcast %broadcast_in_dim3A_715 : i32 to vector<16xi32>
            %gather3A_717 = tpu.vector_load_idx %arg6[%max3A_502, %broadcast_in_dim3A_716] masked %ge3A_498 : memref<1000x64xf32, #tpu.memory_space<vmem>>[vector<16xi32>, vector<16xi32>], vector<16xf32>, vector<16xi1>
            tpu.vector_store_idx %arg11[%select_n3A, %select_n3A_551, %broadcast_in_dim3A_716], %gather3A_717 masked %ge3A_498 : memref<8x50x64xf32, #tpu.memory_space<vmem>>[vector<16xi32>, vector<16xi32>, vector<16xi32>], vector<16xf32>, vector<16xi1>
            %broadcast_in_dim3A_718 = arith.constant 56 : i32
            %broadcast_in_dim3A_719 = vector.broadcast %broadcast_in_dim3A_718 : i32 to vector<16xi32>
            %gather3A_720 = tpu.vector_load_idx %arg6[%max3A_502, %broadcast_in_dim3A_719] masked %ge3A_498 : memref<1000x64xf32, #tpu.memory_space<vmem>>[vector<16xi32>, vector<16xi32>], vector<16xf32>, vector<16xi1>
            tpu.vector_store_idx %arg11[%select_n3A, %select_n3A_551, %broadcast_in_dim3A_719], %gather3A_720 masked %ge3A_498 : memref<8x50x64xf32, #tpu.memory_space<vmem>>[vector<16xi32>, vector<16xi32>, vector<16xi32>], vector<16xf32>, vector<16xi1>
            %broadcast_in_dim3A_721 = arith.constant 57 : i32
            %broadcast_in_dim3A_722 = vector.broadcast %broadcast_in_dim3A_721 : i32 to vector<16xi32>
            %gather3A_723 = tpu.vector_load_idx %arg6[%max3A_502, %broadcast_in_dim3A_722] masked %ge3A_498 : memref<1000x64xf32, #tpu.memory_space<vmem>>[vector<16xi32>, vector<16xi32>], vector<16xf32>, vector<16xi1>
            tpu.vector_store_idx %arg11[%select_n3A, %select_n3A_551, %broadcast_in_dim3A_722], %gather3A_723 masked %ge3A_498 : memref<8x50x64xf32, #tpu.memory_space<vmem>>[vector<16xi32>, vector<16xi32>, vector<16xi32>], vector<16xf32>, vector<16xi1>
            %broadcast_in_dim3A_724 = arith.constant 58 : i32
            %broadcast_in_dim3A_725 = vector.broadcast %broadcast_in_dim3A_724 : i32 to vector<16xi32>
            %gather3A_726 = tpu.vector_load_idx %arg6[%max3A_502, %broadcast_in_dim3A_725] masked %ge3A_498 : memref<1000x64xf32, #tpu.memory_space<vmem>>[vector<16xi32>, vector<16xi32>], vector<16xf32>, vector<16xi1>
            tpu.vector_store_idx %arg11[%select_n3A, %select_n3A_551, %broadcast_in_dim3A_725], %gather3A_726 masked %ge3A_498 : memref<8x50x64xf32, #tpu.memory_space<vmem>>[vector<16xi32>, vector<16xi32>, vector<16xi32>], vector<16xf32>, vector<16xi1>
            %broadcast_in_dim3A_727 = arith.constant 59 : i32
            %broadcast_in_dim3A_728 = vector.broadcast %broadcast_in_dim3A_727 : i32 to vector<16xi32>
            %gather3A_729 = tpu.vector_load_idx %arg6[%max3A_502, %broadcast_in_dim3A_728] masked %ge3A_498 : memref<1000x64xf32, #tpu.memory_space<vmem>>[vector<16xi32>, vector<16xi32>], vector<16xf32>, vector<16xi1>
            tpu.vector_store_idx %arg11[%select_n3A, %select_n3A_551, %broadcast_in_dim3A_728], %gather3A_729 masked %ge3A_498 : memref<8x50x64xf32, #tpu.memory_space<vmem>>[vector<16xi32>, vector<16xi32>, vector<16xi32>], vector<16xf32>, vector<16xi1>
            %broadcast_in_dim3A_730 = arith.constant 60 : i32
            %broadcast_in_dim3A_731 = vector.broadcast %broadcast_in_dim3A_730 : i32 to vector<16xi32>
            %gather3A_732 = tpu.vector_load_idx %arg6[%max3A_502, %broadcast_in_dim3A_731] masked %ge3A_498 : memref<1000x64xf32, #tpu.memory_space<vmem>>[vector<16xi32>, vector<16xi32>], vector<16xf32>, vector<16xi1>
            tpu.vector_store_idx %arg11[%select_n3A, %select_n3A_551, %broadcast_in_dim3A_731], %gather3A_732 masked %ge3A_498 : memref<8x50x64xf32, #tpu.memory_space<vmem>>[vector<16xi32>, vector<16xi32>, vector<16xi32>], vector<16xf32>, vector<16xi1>
            %broadcast_in_dim3A_733 = arith.constant 61 : i32
            %broadcast_in_dim3A_734 = vector.broadcast %broadcast_in_dim3A_733 : i32 to vector<16xi32>
            %gather3A_735 = tpu.vector_load_idx %arg6[%max3A_502, %broadcast_in_dim3A_734] masked %ge3A_498 : memref<1000x64xf32, #tpu.memory_space<vmem>>[vector<16xi32>, vector<16xi32>], vector<16xf32>, vector<16xi1>
            tpu.vector_store_idx %arg11[%select_n3A, %select_n3A_551, %broadcast_in_dim3A_734], %gather3A_735 masked %ge3A_498 : memref<8x50x64xf32, #tpu.memory_space<vmem>>[vector<16xi32>, vector<16xi32>, vector<16xi32>], vector<16xf32>, vector<16xi1>
            %broadcast_in_dim3A_736 = arith.constant 62 : i32
            %broadcast_in_dim3A_737 = vector.broadcast %broadcast_in_dim3A_736 : i32 to vector<16xi32>
            %gather3A_738 = tpu.vector_load_idx %arg6[%max3A_502, %broadcast_in_dim3A_737] masked %ge3A_498 : memref<1000x64xf32, #tpu.memory_space<vmem>>[vector<16xi32>, vector<16xi32>], vector<16xf32>, vector<16xi1>
            tpu.vector_store_idx %arg11[%select_n3A, %select_n3A_551, %broadcast_in_dim3A_737], %gather3A_738 masked %ge3A_498 : memref<8x50x64xf32, #tpu.memory_space<vmem>>[vector<16xi32>, vector<16xi32>, vector<16xi32>], vector<16xf32>, vector<16xi1>
            %broadcast_in_dim3A_739 = arith.constant 63 : i32
            %broadcast_in_dim3A_740 = vector.broadcast %broadcast_in_dim3A_739 : i32 to vector<16xi32>
            %gather3A_741 = tpu.vector_load_idx %arg6[%max3A_502, %broadcast_in_dim3A_740] masked %ge3A_498 : memref<1000x64xf32, #tpu.memory_space<vmem>>[vector<16xi32>, vector<16xi32>], vector<16xf32>, vector<16xi1>
            tpu.vector_store_idx %arg11[%select_n3A, %select_n3A_551, %broadcast_in_dim3A_740], %gather3A_741 masked %ge3A_498 : memref<8x50x64xf32, #tpu.memory_space<vmem>>[vector<16xi32>, vector<16xi32>, vector<16xi32>], vector<16xf32>, vector<16xi1>
          } else {
          }
          %scan3A_495 = arith.constant 0 : i32
          scf.yield %scan3A_495 : i32
        }
        %scan3A_477 = arith.constant 25 : i32
      } else {
      }
      %mul3A_345 = arith.constant 8 : i32
      %mul3A_346 = arith.muli %mul3A_132, %mul3A_345 : i32
      %add3A_347 = arith.addi %mul3A_2, %mul3A_346 : i32
      %dma_start3A_348 = arith.constant 0 : i32
      %dma_start3A_349 = arith.constant 0 : i32
      %dma_start3A_350 = tpu.memref_slice %arg5[%add3A_347, %dma_start3A_348, %dma_start3A_349] : memref<16384x56x128xf32, #tpu.memory_space<hbm>> -> memref<8x50x64xf32, #tpu.memory_space<hbm>>
      %dma_start3A_351 = arith.constant 0 : i32
      %dma_start3A_352 = arith.constant 0 : i32
      %dma_start3A_353 = tpu.memref_slice %arg5[%add3A_347, %dma_start3A_351, %dma_start3A_352] : memref<16384x56x128xf32, #tpu.memory_space<hbm>> -> memref<8x50x64xf32, #tpu.memory_space<hbm>>
      tpu.enqueue_dma source(%arg11 : memref<8x50x64xf32, #tpu.memory_space<vmem>>) target(%dma_start3A_353 : memref<8x50x64xf32, #tpu.memory_space<hbm>>) target_semaphore(%arg15 : memref<!tpu.dma_semaphore, #tpu.memory_space<semaphore_mem>>)
      %lt3A = arith.constant 31 : i32
      %lt3A_354 = arith.cmpi slt, %scan3A_129, %lt3A : i32
      %convert_element_type3A_355 = arith.extui %lt3A_354 : i1 to i32
      %cond3A_356 = arith.constant 0 : i32
      %cond3A_357 = arith.cmpi ne, %convert_element_type3A_355, %cond3A_356 : i32
      %cond3A_358 = scf.if %cond3A_357 -> (i32) {
        %mul3A_471 = arith.constant 8 : i32
        %mul3A_472 = arith.muli %mul3A_132, %mul3A_471 : i32
        %add3A_473 = arith.addi %mul3A_2, %mul3A_472 : i32
        %dma_wait3A_474 = arith.constant 0 : i32
        %dma_wait3A_475 = arith.constant 0 : i32
        %dma_wait3A_476 = tpu.memref_slice %arg5[%add3A_473, %dma_wait3A_474, %dma_wait3A_475] : memref<16384x56x128xf32, #tpu.memory_space<hbm>> -> memref<8x50x64xf32, #tpu.memory_space<hbm>>
        %dma_wait3A_477 = arith.constant 0 : i32
        %dma_wait3A_478 = arith.constant 0 : i32
        %dma_wait3A_479 = tpu.memref_slice %arg5[%add3A_473, %dma_wait3A_477, %dma_wait3A_478] : memref<16384x56x128xf32, #tpu.memory_space<hbm>> -> memref<8x50x64xf32, #tpu.memory_space<hbm>>
        tpu.wait_dma2 semaphore(%arg15 : memref<!tpu.dma_semaphore, #tpu.memory_space<semaphore_mem>>) src(%arg11 : memref<8x50x64xf32, #tpu.memory_space<vmem>>) dst(%dma_wait3A_479 : memref<8x50x64xf32, #tpu.memory_space<hbm>>)
        %add3A_480 = arith.constant 2 : i32
        %add3A_481 = arith.addi %mul3A_132, %add3A_480 : i32
        %mul3A_482 = arith.constant 8 : i32
        %mul3A_483 = arith.muli %add3A_481, %mul3A_482 : i32
        %add3A_484 = arith.addi %mul3A_2, %mul3A_483 : i32
        %mul3A_485 = arith.constant 50 : i32
        %mul3A_486 = arith.muli %add3A_484, %mul3A_485 : i32
        "tpu.region"() ({
          %run_scoped3A = tpu.sem_alloc : memref<!tpu.dma_semaphore, #tpu.memory_space<semaphore_mem>>
          %dma_start3A_590 = tpu.memref_slice %arg4[%mul3A_486] : memref<819200xi32, #tpu.memory_space<hbm>> -> memref<400xi32, #tpu.memory_space<hbm>>
          %dma_start3A_591 = tpu.memref_slice %arg4[%mul3A_486] : memref<819200xi32, #tpu.memory_space<hbm>> -> memref<400xi32, #tpu.memory_space<hbm>>
          tpu.enqueue_dma source(%dma_start3A_591 : memref<400xi32, #tpu.memory_space<hbm>>) target(%arg7 : memref<400xi32, #tpu.memory_space<vmem>>) target_semaphore(%run_scoped3A : memref<!tpu.dma_semaphore, #tpu.memory_space<semaphore_mem>>)
          %dma_wait3A_592 = tpu.memref_slice %arg4[%mul3A_486] : memref<819200xi32, #tpu.memory_space<hbm>> -> memref<400xi32, #tpu.memory_space<hbm>>
          %dma_wait3A_593 = tpu.memref_slice %arg4[%mul3A_486] : memref<819200xi32, #tpu.memory_space<hbm>> -> memref<400xi32, #tpu.memory_space<hbm>>
          tpu.wait_dma2 semaphore(%run_scoped3A : memref<!tpu.dma_semaphore, #tpu.memory_space<semaphore_mem>>) src(%dma_wait3A_593 : memref<400xi32, #tpu.memory_space<hbm>>) dst(%arg7 : memref<400xi32, #tpu.memory_space<vmem>>)
          tpu.yield
        }) : () -> ()
        %scan3A_487 = arith.constant 0 : i32
        %scan3A_488 = arith.constant 0 : i32
        %scan3A_489 = arith.constant 25 : i32
        %scan3A_490 = arith.addi %scan3A_488, %scan3A_489 : i32
        %scan3A_491 = arith.constant 1 : i32
        %scan3A_492 = scf.for %scan3A_590 = %scan3A_488 to %scan3A_490 step %scan3A_491 iter_args(%scan3A_591 = %scan3A_487) -> (i32)  : i32 {
          %mul3A_592 = arith.constant 16 : i32
          %mul3A_593 = arith.muli %scan3A_590, %mul3A_592 : i32
          %iota3A = tpu.iota {dimensions = array<i32: 0>} : vector<16xi32>
          %add3A_594 = vector.broadcast %mul3A_593 : i32 to vector<16xi32>
          %add3A_595 = arith.addi %add3A_594, %iota3A : vector<16xi32>
          %mul3A_596 = arith.constant 16 : i32
          %mul3A_597 = arith.muli %scan3A_590, %mul3A_596 : i32
          %get3A = arith.index_cast %mul3A_597 : i32 to index
          %get3A_598 = tpu.vector_load %arg7[%get3A] {strides = array<i32>} : memref<400xi32, #tpu.memory_space<vmem>>, vector<16xi32>,
          %jit3A = arith.constant 50 : i32
          %div3A = vector.broadcast %jit3A : i32 to vector<16xi32>
          %div3A_599 = arith.divsi %add3A_595, %div3A : vector<16xi32>
          %sign3A = arith.constant 0 : i32
          %sign3A_600 = vector.broadcast %sign3A : i32 to vector<16xi32>
          %sign3A_601 = arith.cmpi sgt, %add3A_595, %sign3A_600 : vector<16xi32>
          %sign3A_602 = arith.extui %sign3A_601 : vector<16xi1> to vector<16xi32>
          %sign3A_603 = arith.constant 0 : i32
          %sign3A_604 = vector.broadcast %sign3A_603 : i32 to vector<16xi32>
          %sign3A_605 = arith.cmpi slt, %add3A_595, %sign3A_604 : vector<16xi32>
          %sign3A_606 = arith.extui %sign3A_605 : vector<16xi1> to vector<16xi32>
          %sign3A_607 = arith.subi %sign3A_602, %sign3A_606 : vector<16xi32>
          %sign3A_608 = arith.constant 0 : i32
          %sign3A_609 = arith.cmpi sgt, %jit3A, %sign3A_608 : i32
          %sign3A_610 = arith.extui %sign3A_609 : i1 to i32
          %sign3A_611 = arith.constant 0 : i32
          %sign3A_612 = arith.cmpi slt, %jit3A, %sign3A_611 : i32
          %sign3A_613 = arith.extui %sign3A_612 : i1 to i32
          %sign3A_614 = arith.subi %sign3A_610, %sign3A_613 : i32
          %ne3A = vector.broadcast %sign3A_614 : i32 to vector<16xi32>
          %ne3A_615 = arith.cmpi ne, %sign3A_607, %ne3A : vector<16xi32>
          %rem3A = vector.broadcast %jit3A : i32 to vector<16xi32>
          %rem3A_616 = arith.remsi %add3A_595, %rem3A : vector<16xi32>
          %ne3A_617 = arith.constant 0 : i32
          %ne3A_618 = vector.broadcast %ne3A_617 : i32 to vector<16xi32>
          %ne3A_619 = arith.cmpi ne, %rem3A_616, %ne3A_618 : vector<16xi32>
          %and3A = arith.andi %ne3A_615, %ne3A_619 : vector<16xi1>
          %sub3A = arith.constant 1 : i32
          %sub3A_620 = vector.broadcast %sub3A : i32 to vector<16xi32>
          %sub3A_621 = arith.subi %div3A_599, %sub3A_620 : vector<16xi32>
          %select_n3A = arith.select %and3A, %sub3A_621, %div3A_599 : vector<16xi1>, vector<16xi32>
          %jit3A_622 = arith.constant 50 : i32
          %eq3A = arith.constant 0 : i32
          %eq3A_623 = arith.cmpi eq, %jit3A_622, %eq3A : i32
          %jit3A_624 = arith.constant 1 : i32
          %select_n3A_625 = arith.select %eq3A_623, %jit3A_624, %jit3A_622 : i32
          %rem3A_626 = vector.broadcast %select_n3A_625 : i32 to vector<16xi32>
          %rem3A_627 = arith.remsi %add3A_595, %rem3A_626 : vector<16xi32>
          %ne3A_628 = arith.constant 0 : i32
          %ne3A_629 = vector.broadcast %ne3A_628 : i32 to vector<16xi32>
          %ne3A_630 = arith.cmpi ne, %rem3A_627, %ne3A_629 : vector<16xi32>
          %lt3A_631 = arith.constant 0 : i32
          %lt3A_632 = vector.broadcast %lt3A_631 : i32 to vector<16xi32>
          %lt3A_633 = arith.cmpi slt, %rem3A_627, %lt3A_632 : vector<16xi32>
          %lt3A_634 = arith.constant 0 : i32
          %lt3A_635 = arith.cmpi slt, %select_n3A_625, %lt3A_634 : i32
          %ne3A_636 = vector.broadcast %lt3A_635 : i1 to vector<16xi1>
          %ne3A_637 = vector.broadcast %ne3A_636 : vector<16xi1> to vector<16xi1>
          %ne3A_638 = arith.xori %lt3A_633, %ne3A_637 : vector<16xi1>
          %and3A_639 = arith.andi %ne3A_638, %ne3A_630 : vector<16xi1>
          %add3A_640 = vector.broadcast %select_n3A_625 : i32 to vector<16xi32>
          %add3A_641 = arith.addi %rem3A_627, %add3A_640 : vector<16xi32>
          %select_n3A_642 = arith.select %and3A_639, %add3A_641, %rem3A_627 : vector<16xi1>, vector<16xi32>
          %min3A = arith.constant 999999 : i32
          %min3A_643 = vector.broadcast %min3A : i32 to vector<16xi32>
          %min3A_644 = arith.minsi %get3A_598, %min3A_643 : vector<16xi32>
          %mul3A_645 = arith.constant 2 : i32
          %mul3A_646 = vector.broadcast %mul3A_645 : i32 to vector<16xi32>
          %mul3A_647 = arith.muli %mul3A_646, %min3A_644 : vector<16xi32>
          tpu.vector_store_idx %arg9[%select_n3A, %select_n3A_642], %mul3A_647 : memref<8x50xi32, #tpu.memory_space<vmem>>[vector<16xi32>, vector<16xi32>], vector<16xi32>,
          %reduce_max3A = arith.constant true
          %reduce_max3A_648 = vector.broadcast %reduce_max3A : i1 to vector<16xi1>
          %reduce_max3A_649 = arith.constant -2147483648 : i32
          %reduce_max3A_650 = vector.broadcast %reduce_max3A_649 : i32 to vector<16xi32>
          %reduce_max3A_651 = arith.xori %get3A_598, %reduce_max3A_650 : vector<16xi32>
          %reduce_max3A_652 = tpu.scan <max>, %reduce_max3A_651 masked %reduce_max3A_648 : vector<16xi32>, vector<16xi1> -> vector<16xi32>
          %reduce_max3A_653 = arith.xori %reduce_max3A_652, %reduce_max3A_650 : vector<16xi32>
          %reduce_max3A_654 = vector.extract %reduce_max3A_653[15] : i32 from vector<16xi32>
          %max3A = arith.maxsi %scan3A_591, %reduce_max3A_654 : i32
          scf.yield %max3A : i32
        }
        %scan3A_493 = arith.constant 25 : i32
        %dma_start3A_494 = arith.constant 0 : i32
        %dma_start3A_495 = arith.constant 0 : i32
        %dma_start3A_496 = arith.constant 0 : i32
        %dma_start3A_497 = arith.constant 0 : i32
        %dma_start3A_498 = tpu.memref_slice %arg11[%dma_start3A_495, %dma_start3A_496, %dma_start3A_497] : memref<8x50x64xf32, #tpu.memory_space<vmem>> -> memref<1x50x64xf32, #tpu.memory_space<vmem>>
        %dma_start3A_499 = tpu.memref_squeeze %dma_start3A_498 : memref<1x50x64xf32, #tpu.memory_space<vmem>> -> memref<50x64xf32, #tpu.memory_space<vmem>>
        %dma_start3A_500 = arith.constant 0 : i32
        %dma_start3A_501 = tpu.memref_slice %arg9[%dma_start3A_494, %dma_start3A_500] : memref<8x50xi32, #tpu.memory_space<vmem>> -> memref<1x50xi32, #tpu.memory_space<vmem>>
        %dma_start3A_502 = tpu.memref_squeeze %dma_start3A_501 : memref<1x50xi32, #tpu.memory_space<vmem>> -> memref<50xi32, #tpu.memory_space<vmem>>
        %dma_start3A_503 = arith.constant 0 : i32
        %dma_start3A_504 = arith.constant 0 : i32
        %dma_start3A_505 = tpu.memref_slice %arg2[%dma_start3A_503, %dma_start3A_504] : memref<2000000x64xf32, #tpu.memory_space<hbm>> -> memref<2000000x64xf32, #tpu.memory_space<hbm>>
        tpu.enqueue_indirect_dma source(%dma_start3A_505 : memref<2000000x64xf32, #tpu.memory_space<hbm>>) target(%dma_start3A_499 : memref<50x64xf32, #tpu.memory_space<vmem>>) offsets(%dma_start3A_502 : memref<50xi32, #tpu.memory_space<vmem>>) semaphore(%arg13 : memref<!tpu.dma_semaphore, #tpu.memory_space<semaphore_mem>>)
        %dma_start3A_506 = arith.constant 1 : i32
        %dma_start3A_507 = arith.constant 1 : i32
        %dma_start3A_508 = arith.constant 0 : i32
        %dma_start3A_509 = arith.constant 0 : i32
        %dma_start3A_510 = tpu.memref_slice %arg11[%dma_start3A_507, %dma_start3A_508, %dma_start3A_509] : memref<8x50x64xf32, #tpu.memory_space<vmem>> -> memref<1x50x64xf32, #tpu.memory_space<vmem>>
        %dma_start3A_511 = tpu.memref_squeeze %dma_start3A_510 : memref<1x50x64xf32, #tpu.memory_space<vmem>> -> memref<50x64xf32, #tpu.memory_space<vmem>>
        %dma_start3A_512 = arith.constant 0 : i32
        %dma_start3A_513 = tpu.memref_slice %arg9[%dma_start3A_506, %dma_start3A_512] : memref<8x50xi32, #tpu.memory_space<vmem>> -> memref<1x50xi32, #tpu.memory_space<vmem>>
        %dma_start3A_514 = tpu.memref_squeeze %dma_start3A_513 : memref<1x50xi32, #tpu.memory_space<vmem>> -> memref<50xi32, #tpu.memory_space<vmem>>
        %dma_start3A_515 = arith.constant 0 : i32
        %dma_start3A_516 = arith.constant 0 : i32
        %dma_start3A_517 = tpu.memref_slice %arg2[%dma_start3A_515, %dma_start3A_516] : memref<2000000x64xf32, #tpu.memory_space<hbm>> -> memref<2000000x64xf32, #tpu.memory_space<hbm>>
        tpu.enqueue_indirect_dma source(%dma_start3A_517 : memref<2000000x64xf32, #tpu.memory_space<hbm>>) target(%dma_start3A_511 : memref<50x64xf32, #tpu.memory_space<vmem>>) offsets(%dma_start3A_514 : memref<50xi32, #tpu.memory_space<vmem>>) semaphore(%arg13 : memref<!tpu.dma_semaphore, #tpu.memory_space<semaphore_mem>>)
        %dma_start3A_518 = arith.constant 2 : i32
        %dma_start3A_519 = arith.constant 2 : i32
        %dma_start3A_520 = arith.constant 0 : i32
        %dma_start3A_521 = arith.constant 0 : i32
        %dma_start3A_522 = tpu.memref_slice %arg11[%dma_start3A_519, %dma_start3A_520, %dma_start3A_521] : memref<8x50x64xf32, #tpu.memory_space<vmem>> -> memref<1x50x64xf32, #tpu.memory_space<vmem>>
        %dma_start3A_523 = tpu.memref_squeeze %dma_start3A_522 : memref<1x50x64xf32, #tpu.memory_space<vmem>> -> memref<50x64xf32, #tpu.memory_space<vmem>>
        %dma_start3A_524 = arith.constant 0 : i32
        %dma_start3A_525 = tpu.memref_slice %arg9[%dma_start3A_518, %dma_start3A_524] : memref<8x50xi32, #tpu.memory_space<vmem>> -> memref<1x50xi32, #tpu.memory_space<vmem>>
        %dma_start3A_526 = tpu.memref_squeeze %dma_start3A_525 : memref<1x50xi32, #tpu.memory_space<vmem>> -> memref<50xi32, #tpu.memory_space<vmem>>
        %dma_start3A_527 = arith.constant 0 : i32
        %dma_start3A_528 = arith.constant 0 : i32
        %dma_start3A_529 = tpu.memref_slice %arg2[%dma_start3A_527, %dma_start3A_528] : memref<2000000x64xf32, #tpu.memory_space<hbm>> -> memref<2000000x64xf32, #tpu.memory_space<hbm>>
        tpu.enqueue_indirect_dma source(%dma_start3A_529 : memref<2000000x64xf32, #tpu.memory_space<hbm>>) target(%dma_start3A_523 : memref<50x64xf32, #tpu.memory_space<vmem>>) offsets(%dma_start3A_526 : memref<50xi32, #tpu.memory_space<vmem>>) semaphore(%arg13 : memref<!tpu.dma_semaphore, #tpu.memory_space<semaphore_mem>>)
        %dma_start3A_530 = arith.constant 3 : i32
        %dma_start3A_531 = arith.constant 3 : i32
        %dma_start3A_532 = arith.constant 0 : i32
        %dma_start3A_533 = arith.constant 0 : i32
        %dma_start3A_534 = tpu.memref_slice %arg11[%dma_start3A_531, %dma_start3A_532, %dma_start3A_533] : memref<8x50x64xf32, #tpu.memory_space<vmem>> -> memref<1x50x64xf32, #tpu.memory_space<vmem>>
        %dma_start3A_535 = tpu.memref_squeeze %dma_start3A_534 : memref<1x50x64xf32, #tpu.memory_space<vmem>> -> memref<50x64xf32, #tpu.memory_space<vmem>>
        %dma_start3A_536 = arith.constant 0 : i32
        %dma_start3A_537 = tpu.memref_slice %arg9[%dma_start3A_530, %dma_start3A_536] : memref<8x50xi32, #tpu.memory_space<vmem>> -> memref<1x50xi32, #tpu.memory_space<vmem>>
        %dma_start3A_538 = tpu.memref_squeeze %dma_start3A_537 : memref<1x50xi32, #tpu.memory_space<vmem>> -> memref<50xi32, #tpu.memory_space<vmem>>
        %dma_start3A_539 = arith.constant 0 : i32
        %dma_start3A_540 = arith.constant 0 : i32
        %dma_start3A_541 = tpu.memref_slice %arg2[%dma_start3A_539, %dma_start3A_540] : memref<2000000x64xf32, #tpu.memory_space<hbm>> -> memref<2000000x64xf32, #tpu.memory_space<hbm>>
        tpu.enqueue_indirect_dma source(%dma_start3A_541 : memref<2000000x64xf32, #tpu.memory_space<hbm>>) target(%dma_start3A_535 : memref<50x64xf32, #tpu.memory_space<vmem>>) offsets(%dma_start3A_538 : memref<50xi32, #tpu.memory_space<vmem>>) semaphore(%arg13 : memref<!tpu.dma_semaphore, #tpu.memory_space<semaphore_mem>>)
        %dma_start3A_542 = arith.constant 4 : i32
        %dma_start3A_543 = arith.constant 4 : i32
        %dma_start3A_544 = arith.constant 0 : i32
        %dma_start3A_545 = arith.constant 0 : i32
        %dma_start3A_546 = tpu.memref_slice %arg11[%dma_start3A_543, %dma_start3A_544, %dma_start3A_545] : memref<8x50x64xf32, #tpu.memory_space<vmem>> -> memref<1x50x64xf32, #tpu.memory_space<vmem>>
        %dma_start3A_547 = tpu.memref_squeeze %dma_start3A_546 : memref<1x50x64xf32, #tpu.memory_space<vmem>> -> memref<50x64xf32, #tpu.memory_space<vmem>>
        %dma_start3A_548 = arith.constant 0 : i32
        %dma_start3A_549 = tpu.memref_slice %arg9[%dma_start3A_542, %dma_start3A_548] : memref<8x50xi32, #tpu.memory_space<vmem>> -> memref<1x50xi32, #tpu.memory_space<vmem>>
        %dma_start3A_550 = tpu.memref_squeeze %dma_start3A_549 : memref<1x50xi32, #tpu.memory_space<vmem>> -> memref<50xi32, #tpu.memory_space<vmem>>
        %dma_start3A_551 = arith.constant 0 : i32
        %dma_start3A_552 = arith.constant 0 : i32
        %dma_start3A_553 = tpu.memref_slice %arg2[%dma_start3A_551, %dma_start3A_552] : memref<2000000x64xf32, #tpu.memory_space<hbm>> -> memref<2000000x64xf32, #tpu.memory_space<hbm>>
        tpu.enqueue_indirect_dma source(%dma_start3A_553 : memref<2000000x64xf32, #tpu.memory_space<hbm>>) target(%dma_start3A_547 : memref<50x64xf32, #tpu.memory_space<vmem>>) offsets(%dma_start3A_550 : memref<50xi32, #tpu.memory_space<vmem>>) semaphore(%arg13 : memref<!tpu.dma_semaphore, #tpu.memory_space<semaphore_mem>>)
        %dma_start3A_554 = arith.constant 5 : i32
        %dma_start3A_555 = arith.constant 5 : i32
        %dma_start3A_556 = arith.constant 0 : i32
        %dma_start3A_557 = arith.constant 0 : i32
        %dma_start3A_558 = tpu.memref_slice %arg11[%dma_start3A_555, %dma_start3A_556, %dma_start3A_557] : memref<8x50x64xf32, #tpu.memory_space<vmem>> -> memref<1x50x64xf32, #tpu.memory_space<vmem>>
        %dma_start3A_559 = tpu.memref_squeeze %dma_start3A_558 : memref<1x50x64xf32, #tpu.memory_space<vmem>> -> memref<50x64xf32, #tpu.memory_space<vmem>>
        %dma_start3A_560 = arith.constant 0 : i32
        %dma_start3A_561 = tpu.memref_slice %arg9[%dma_start3A_554, %dma_start3A_560] : memref<8x50xi32, #tpu.memory_space<vmem>> -> memref<1x50xi32, #tpu.memory_space<vmem>>
        %dma_start3A_562 = tpu.memref_squeeze %dma_start3A_561 : memref<1x50xi32, #tpu.memory_space<vmem>> -> memref<50xi32, #tpu.memory_space<vmem>>
        %dma_start3A_563 = arith.constant 0 : i32
        %dma_start3A_564 = arith.constant 0 : i32
        %dma_start3A_565 = tpu.memref_slice %arg2[%dma_start3A_563, %dma_start3A_564] : memref<2000000x64xf32, #tpu.memory_space<hbm>> -> memref<2000000x64xf32, #tpu.memory_space<hbm>>
        tpu.enqueue_indirect_dma source(%dma_start3A_565 : memref<2000000x64xf32, #tpu.memory_space<hbm>>) target(%dma_start3A_559 : memref<50x64xf32, #tpu.memory_space<vmem>>) offsets(%dma_start3A_562 : memref<50xi32, #tpu.memory_space<vmem>>) semaphore(%arg13 : memref<!tpu.dma_semaphore, #tpu.memory_space<semaphore_mem>>)
        %dma_start3A_566 = arith.constant 6 : i32
        %dma_start3A_567 = arith.constant 6 : i32
        %dma_start3A_568 = arith.constant 0 : i32
        %dma_start3A_569 = arith.constant 0 : i32
        %dma_start3A_570 = tpu.memref_slice %arg11[%dma_start3A_567, %dma_start3A_568, %dma_start3A_569] : memref<8x50x64xf32, #tpu.memory_space<vmem>> -> memref<1x50x64xf32, #tpu.memory_space<vmem>>
        %dma_start3A_571 = tpu.memref_squeeze %dma_start3A_570 : memref<1x50x64xf32, #tpu.memory_space<vmem>> -> memref<50x64xf32, #tpu.memory_space<vmem>>
        %dma_start3A_572 = arith.constant 0 : i32
        %dma_start3A_573 = tpu.memref_slice %arg9[%dma_start3A_566, %dma_start3A_572] : memref<8x50xi32, #tpu.memory_space<vmem>> -> memref<1x50xi32, #tpu.memory_space<vmem>>
        %dma_start3A_574 = tpu.memref_squeeze %dma_start3A_573 : memref<1x50xi32, #tpu.memory_space<vmem>> -> memref<50xi32, #tpu.memory_space<vmem>>
        %dma_start3A_575 = arith.constant 0 : i32
        %dma_start3A_576 = arith.constant 0 : i32
        %dma_start3A_577 = tpu.memref_slice %arg2[%dma_start3A_575, %dma_start3A_576] : memref<2000000x64xf32, #tpu.memory_space<hbm>> -> memref<2000000x64xf32, #tpu.memory_space<hbm>>
        tpu.enqueue_indirect_dma source(%dma_start3A_577 : memref<2000000x64xf32, #tpu.memory_space<hbm>>) target(%dma_start3A_571 : memref<50x64xf32, #tpu.memory_space<vmem>>) offsets(%dma_start3A_574 : memref<50xi32, #tpu.memory_space<vmem>>) semaphore(%arg13 : memref<!tpu.dma_semaphore, #tpu.memory_space<semaphore_mem>>)
        %dma_start3A_578 = arith.constant 7 : i32
        %dma_start3A_579 = arith.constant 7 : i32
        %dma_start3A_580 = arith.constant 0 : i32
        %dma_start3A_581 = arith.constant 0 : i32
        %dma_start3A_582 = tpu.memref_slice %arg11[%dma_start3A_579, %dma_start3A_580, %dma_start3A_581] : memref<8x50x64xf32, #tpu.memory_space<vmem>> -> memref<1x50x64xf32, #tpu.memory_space<vmem>>
        %dma_start3A_583 = tpu.memref_squeeze %dma_start3A_582 : memref<1x50x64xf32, #tpu.memory_space<vmem>> -> memref<50x64xf32, #tpu.memory_space<vmem>>
        %dma_start3A_584 = arith.constant 0 : i32
        %dma_start3A_585 = tpu.memref_slice %arg9[%dma_start3A_578, %dma_start3A_584] : memref<8x50xi32, #tpu.memory_space<vmem>> -> memref<1x50xi32, #tpu.memory_space<vmem>>
        %dma_start3A_586 = tpu.memref_squeeze %dma_start3A_585 : memref<1x50xi32, #tpu.memory_space<vmem>> -> memref<50xi32, #tpu.memory_space<vmem>>
        %dma_start3A_587 = arith.constant 0 : i32
        %dma_start3A_588 = arith.constant 0 : i32
        %dma_start3A_589 = tpu.memref_slice %arg2[%dma_start3A_587, %dma_start3A_588] : memref<2000000x64xf32, #tpu.memory_space<hbm>> -> memref<2000000x64xf32, #tpu.memory_space<hbm>>
        tpu.enqueue_indirect_dma source(%dma_start3A_589 : memref<2000000x64xf32, #tpu.memory_space<hbm>>) target(%dma_start3A_583 : memref<50x64xf32, #tpu.memory_space<vmem>>) offsets(%dma_start3A_586 : memref<50xi32, #tpu.memory_space<vmem>>) semaphore(%arg13 : memref<!tpu.dma_semaphore, #tpu.memory_space<semaphore_mem>>)
        scf.yield %scan3A_492 : i32
      } else {
        %cond3A_471 = arith.constant 0 : i32
        scf.yield %cond3A_471 : i32
      }
      %add3A_359 = arith.constant 1 : i32
      %add3A_360 = arith.addi %mul3A_132, %add3A_359 : i32
      %dma_wait3A_361 = arith.constant 0 : i32
      %dma_wait3A_362 = arith.constant 0 : i32
      %dma_wait3A_363 = arith.constant 0 : i32
      %dma_wait3A_364 = arith.constant 0 : i32
      %dma_wait3A_365 = tpu.memref_slice %arg12[%dma_wait3A_362, %dma_wait3A_363, %dma_wait3A_364] : memref<8x50x64xf32, #tpu.memory_space<vmem>> -> memref<1x50x64xf32, #tpu.memory_space<vmem>>
      %dma_wait3A_366 = tpu.memref_squeeze %dma_wait3A_365 : memref<1x50x64xf32, #tpu.memory_space<vmem>> -> memref<50x64xf32, #tpu.memory_space<vmem>>
      %dma_wait3A_367 = arith.constant 0 : i32
      %dma_wait3A_368 = tpu.memref_slice %arg10[%dma_wait3A_361, %dma_wait3A_367] : memref<8x50xi32, #tpu.memory_space<vmem>> -> memref<1x50xi32, #tpu.memory_space<vmem>>
      %dma_wait3A_369 = tpu.memref_squeeze %dma_wait3A_368 : memref<1x50xi32, #tpu.memory_space<vmem>> -> memref<50xi32, #tpu.memory_space<vmem>>
      %dma_wait3A_370 = arith.constant 0 : i32
      %dma_wait3A_371 = arith.constant 0 : i32
      %dma_wait3A_372 = tpu.memref_slice %arg2[%dma_wait3A_370, %dma_wait3A_371] : memref<2000000x64xf32, #tpu.memory_space<hbm>> -> memref<2000000x64xf32, #tpu.memory_space<hbm>>
      tpu.wait_indirect_dma semaphore(%arg14 : memref<!tpu.dma_semaphore, #tpu.memory_space<semaphore_mem>>) src(%dma_wait3A_372 : memref<2000000x64xf32, #tpu.memory_space<hbm>>) dst(%dma_wait3A_366 : memref<50x64xf32, #tpu.memory_space<vmem>>)
      %dma_wait3A_373 = arith.constant 1 : i32
      %dma_wait3A_374 = arith.constant 1 : i32
      %dma_wait3A_375 = arith.constant 0 : i32
      %dma_wait3A_376 = arith.constant 0 : i32
      %dma_wait3A_377 = tpu.memref_slice %arg12[%dma_wait3A_374, %dma_wait3A_375, %dma_wait3A_376] : memref<8x50x64xf32, #tpu.memory_space<vmem>> -> memref<1x50x64xf32, #tpu.memory_space<vmem>>
      %dma_wait3A_378 = tpu.memref_squeeze %dma_wait3A_377 : memref<1x50x64xf32, #tpu.memory_space<vmem>> -> memref<50x64xf32, #tpu.memory_space<vmem>>
      %dma_wait3A_379 = arith.constant 0 : i32
      %dma_wait3A_380 = tpu.memref_slice %arg10[%dma_wait3A_373, %dma_wait3A_379] : memref<8x50xi32, #tpu.memory_space<vmem>> -> memref<1x50xi32, #tpu.memory_space<vmem>>
      %dma_wait3A_381 = tpu.memref_squeeze %dma_wait3A_380 : memref<1x50xi32, #tpu.memory_space<vmem>> -> memref<50xi32, #tpu.memory_space<vmem>>
      %dma_wait3A_382 = arith.constant 0 : i32
      %dma_wait3A_383 = arith.constant 0 : i32
      %dma_wait3A_384 = tpu.memref_slice %arg2[%dma_wait3A_382, %dma_wait3A_383] : memref<2000000x64xf32, #tpu.memory_space<hbm>> -> memref<2000000x64xf32, #tpu.memory_space<hbm>>
      tpu.wait_indirect_dma semaphore(%arg14 : memref<!tpu.dma_semaphore, #tpu.memory_space<semaphore_mem>>) src(%dma_wait3A_384 : memref<2000000x64xf32, #tpu.memory_space<hbm>>) dst(%dma_wait3A_378 : memref<50x64xf32, #tpu.memory_space<vmem>>)
      %dma_wait3A_385 = arith.constant 2 : i32
      %dma_wait3A_386 = arith.constant 2 : i32
      %dma_wait3A_387 = arith.constant 0 : i32
      %dma_wait3A_388 = arith.constant 0 : i32
      %dma_wait3A_389 = tpu.memref_slice %arg12[%dma_wait3A_386, %dma_wait3A_387, %dma_wait3A_388] : memref<8x50x64xf32, #tpu.memory_space<vmem>> -> memref<1x50x64xf32, #tpu.memory_space<vmem>>
      %dma_wait3A_390 = tpu.memref_squeeze %dma_wait3A_389 : memref<1x50x64xf32, #tpu.memory_space<vmem>> -> memref<50x64xf32, #tpu.memory_space<vmem>>
      %dma_wait3A_391 = arith.constant 0 : i32
      %dma_wait3A_392 = tpu.memref_slice %arg10[%dma_wait3A_385, %dma_wait3A_391] : memref<8x50xi32, #tpu.memory_space<vmem>> -> memref<1x50xi32, #tpu.memory_space<vmem>>
      %dma_wait3A_393 = tpu.memref_squeeze %dma_wait3A_392 : memref<1x50xi32, #tpu.memory_space<vmem>> -> memref<50xi32, #tpu.memory_space<vmem>>
      %dma_wait3A_394 = arith.constant 0 : i32
      %dma_wait3A_395 = arith.constant 0 : i32
      %dma_wait3A_396 = tpu.memref_slice %arg2[%dma_wait3A_394, %dma_wait3A_395] : memref<2000000x64xf32, #tpu.memory_space<hbm>> -> memref<2000000x64xf32, #tpu.memory_space<hbm>>
      tpu.wait_indirect_dma semaphore(%arg14 : memref<!tpu.dma_semaphore, #tpu.memory_space<semaphore_mem>>) src(%dma_wait3A_396 : memref<2000000x64xf32, #tpu.memory_space<hbm>>) dst(%dma_wait3A_390 : memref<50x64xf32, #tpu.memory_space<vmem>>)
      %dma_wait3A_397 = arith.constant 3 : i32
      %dma_wait3A_398 = arith.constant 3 : i32
      %dma_wait3A_399 = arith.constant 0 : i32
      %dma_wait3A_400 = arith.constant 0 : i32
      %dma_wait3A_401 = tpu.memref_slice %arg12[%dma_wait3A_398, %dma_wait3A_399, %dma_wait3A_400] : memref<8x50x64xf32, #tpu.memory_space<vmem>> -> memref<1x50x64xf32, #tpu.memory_space<vmem>>
      %dma_wait3A_402 = tpu.memref_squeeze %dma_wait3A_401 : memref<1x50x64xf32, #tpu.memory_space<vmem>> -> memref<50x64xf32, #tpu.memory_space<vmem>>
      %dma_wait3A_403 = arith.constant 0 : i32
      %dma_wait3A_404 = tpu.memref_slice %arg10[%dma_wait3A_397, %dma_wait3A_403] : memref<8x50xi32, #tpu.memory_space<vmem>> -> memref<1x50xi32, #tpu.memory_space<vmem>>
      %dma_wait3A_405 = tpu.memref_squeeze %dma_wait3A_404 : memref<1x50xi32, #tpu.memory_space<vmem>> -> memref<50xi32, #tpu.memory_space<vmem>>
      %dma_wait3A_406 = arith.constant 0 : i32
      %dma_wait3A_407 = arith.constant 0 : i32
      %dma_wait3A_408 = tpu.memref_slice %arg2[%dma_wait3A_406, %dma_wait3A_407] : memref<2000000x64xf32, #tpu.memory_space<hbm>> -> memref<2000000x64xf32, #tpu.memory_space<hbm>>
      tpu.wait_indirect_dma semaphore(%arg14 : memref<!tpu.dma_semaphore, #tpu.memory_space<semaphore_mem>>) src(%dma_wait3A_408 : memref<2000000x64xf32, #tpu.memory_space<hbm>>) dst(%dma_wait3A_402 : memref<50x64xf32, #tpu.memory_space<vmem>>)
      %dma_wait3A_409 = arith.constant 4 : i32
      %dma_wait3A_410 = arith.constant 4 : i32
      %dma_wait3A_411 = arith.constant 0 : i32
      %dma_wait3A_412 = arith.constant 0 : i32
      %dma_wait3A_413 = tpu.memref_slice %arg12[%dma_wait3A_410, %dma_wait3A_411, %dma_wait3A_412] : memref<8x50x64xf32, #tpu.memory_space<vmem>> -> memref<1x50x64xf32, #tpu.memory_space<vmem>>
      %dma_wait3A_414 = tpu.memref_squeeze %dma_wait3A_413 : memref<1x50x64xf32, #tpu.memory_space<vmem>> -> memref<50x64xf32, #tpu.memory_space<vmem>>
      %dma_wait3A_415 = arith.constant 0 : i32
      %dma_wait3A_416 = tpu.memref_slice %arg10[%dma_wait3A_409, %dma_wait3A_415] : memref<8x50xi32, #tpu.memory_space<vmem>> -> memref<1x50xi32, #tpu.memory_space<vmem>>
      %dma_wait3A_417 = tpu.memref_squeeze %dma_wait3A_416 : memref<1x50xi32, #tpu.memory_space<vmem>> -> memref<50xi32, #tpu.memory_space<vmem>>
      %dma_wait3A_418 = arith.constant 0 : i32
      %dma_wait3A_419 = arith.constant 0 : i32
      %dma_wait3A_420 = tpu.memref_slice %arg2[%dma_wait3A_418, %dma_wait3A_419] : memref<2000000x64xf32, #tpu.memory_space<hbm>> -> memref<2000000x64xf32, #tpu.memory_space<hbm>>
      tpu.wait_indirect_dma semaphore(%arg14 : memref<!tpu.dma_semaphore, #tpu.memory_space<semaphore_mem>>) src(%dma_wait3A_420 : memref<2000000x64xf32, #tpu.memory_space<hbm>>) dst(%dma_wait3A_414 : memref<50x64xf32, #tpu.memory_space<vmem>>)
      %dma_wait3A_421 = arith.constant 5 : i32
      %dma_wait3A_422 = arith.constant 5 : i32
      %dma_wait3A_423 = arith.constant 0 : i32
      %dma_wait3A_424 = arith.constant 0 : i32
      %dma_wait3A_425 = tpu.memref_slice %arg12[%dma_wait3A_422, %dma_wait3A_423, %dma_wait3A_424] : memref<8x50x64xf32, #tpu.memory_space<vmem>> -> memref<1x50x64xf32, #tpu.memory_space<vmem>>
      %dma_wait3A_426 = tpu.memref_squeeze %dma_wait3A_425 : memref<1x50x64xf32, #tpu.memory_space<vmem>> -> memref<50x64xf32, #tpu.memory_space<vmem>>
      %dma_wait3A_427 = arith.constant 0 : i32
      %dma_wait3A_428 = tpu.memref_slice %arg10[%dma_wait3A_421, %dma_wait3A_427] : memref<8x50xi32, #tpu.memory_space<vmem>> -> memref<1x50xi32, #tpu.memory_space<vmem>>
      %dma_wait3A_429 = tpu.memref_squeeze %dma_wait3A_428 : memref<1x50xi32, #tpu.memory_space<vmem>> -> memref<50xi32, #tpu.memory_space<vmem>>
      %dma_wait3A_430 = arith.constant 0 : i32
      %dma_wait3A_431 = arith.constant 0 : i32
      %dma_wait3A_432 = tpu.memref_slice %arg2[%dma_wait3A_430, %dma_wait3A_431] : memref<2000000x64xf32, #tpu.memory_space<hbm>> -> memref<2000000x64xf32, #tpu.memory_space<hbm>>
      tpu.wait_indirect_dma semaphore(%arg14 : memref<!tpu.dma_semaphore, #tpu.memory_space<semaphore_mem>>) src(%dma_wait3A_432 : memref<2000000x64xf32, #tpu.memory_space<hbm>>) dst(%dma_wait3A_426 : memref<50x64xf32, #tpu.memory_space<vmem>>)
      %dma_wait3A_433 = arith.constant 6 : i32
      %dma_wait3A_434 = arith.constant 6 : i32
      %dma_wait3A_435 = arith.constant 0 : i32
      %dma_wait3A_436 = arith.constant 0 : i32
      %dma_wait3A_437 = tpu.memref_slice %arg12[%dma_wait3A_434, %dma_wait3A_435, %dma_wait3A_436] : memref<8x50x64xf32, #tpu.memory_space<vmem>> -> memref<1x50x64xf32, #tpu.memory_space<vmem>>
      %dma_wait3A_438 = tpu.memref_squeeze %dma_wait3A_437 : memref<1x50x64xf32, #tpu.memory_space<vmem>> -> memref<50x64xf32, #tpu.memory_space<vmem>>
      %dma_wait3A_439 = arith.constant 0 : i32
      %dma_wait3A_440 = tpu.memref_slice %arg10[%dma_wait3A_433, %dma_wait3A_439] : memref<8x50xi32, #tpu.memory_space<vmem>> -> memref<1x50xi32, #tpu.memory_space<vmem>>
      %dma_wait3A_441 = tpu.memref_squeeze %dma_wait3A_440 : memref<1x50xi32, #tpu.memory_space<vmem>> -> memref<50xi32, #tpu.memory_space<vmem>>
      %dma_wait3A_442 = arith.constant 0 : i32
      %dma_wait3A_443 = arith.constant 0 : i32
      %dma_wait3A_444 = tpu.memref_slice %arg2[%dma_wait3A_442, %dma_wait3A_443] : memref<2000000x64xf32, #tpu.memory_space<hbm>> -> memref<2000000x64xf32, #tpu.memory_space<hbm>>
      tpu.wait_indirect_dma semaphore(%arg14 : memref<!tpu.dma_semaphore, #tpu.memory_space<semaphore_mem>>) src(%dma_wait3A_444 : memref<2000000x64xf32, #tpu.memory_space<hbm>>) dst(%dma_wait3A_438 : memref<50x64xf32, #tpu.memory_space<vmem>>)
      %dma_wait3A_445 = arith.constant 7 : i32
      %dma_wait3A_446 = arith.constant 7 : i32
      %dma_wait3A_447 = arith.constant 0 : i32
      %dma_wait3A_448 = arith.constant 0 : i32
      %dma_wait3A_449 = tpu.memref_slice %arg12[%dma_wait3A_446, %dma_wait3A_447, %dma_wait3A_448] : memref<8x50x64xf32, #tpu.memory_space<vmem>> -> memref<1x50x64xf32, #tpu.memory_space<vmem>>
      %dma_wait3A_450 = tpu.memref_squeeze %dma_wait3A_449 : memref<1x50x64xf32, #tpu.memory_space<vmem>> -> memref<50x64xf32, #tpu.memory_space<vmem>>
      %dma_wait3A_451 = arith.constant 0 : i32
      %dma_wait3A_452 = tpu.memref_slice %arg10[%dma_wait3A_445, %dma_wait3A_451] : memref<8x50xi32, #tpu.memory_space<vmem>> -> memref<1x50xi32, #tpu.memory_space<vmem>>
      %dma_wait3A_453 = tpu.memref_squeeze %dma_wait3A_452 : memref<1x50xi32, #tpu.memory_space<vmem>> -> memref<50xi32, #tpu.memory_space<vmem>>
      %dma_wait3A_454 = arith.constant 0 : i32
      %dma_wait3A_455 = arith.constant 0 : i32
      %dma_wait3A_456 = tpu.memref_slice %arg2[%dma_wait3A_454, %dma_wait3A_455] : memref<2000000x64xf32, #tpu.memory_space<hbm>> -> memref<2000000x64xf32, #tpu.memory_space<hbm>>
      tpu.wait_indirect_dma semaphore(%arg14 : memref<!tpu.dma_semaphore, #tpu.memory_space<semaphore_mem>>) src(%dma_wait3A_456 : memref<2000000x64xf32, #tpu.memory_space<hbm>>) dst(%dma_wait3A_450 : memref<50x64xf32, #tpu.memory_space<vmem>>)
      %ge3A_457 = arith.constant 1000000 : i32
      %ge3A_458 = arith.cmpi sge, %scan3A_147, %ge3A_457 : i32
      %convert_element_type3A_459 = arith.extui %ge3A_458 : i1 to i32
      %cond3A_460 = arith.constant 0 : i32
      %cond3A_461 = arith.cmpi ne, %convert_element_type3A_459, %cond3A_460 : i32
      scf.if %cond3A_461 {
        %scan3A_471 = arith.constant 0 : i32
        %scan3A_472 = arith.constant 0 : i32
        %scan3A_473 = arith.constant 25 : i32
        %scan3A_474 = arith.addi %scan3A_472, %scan3A_473 : i32
        %scan3A_475 = arith.constant 1 : i32
        %scan3A_476 = scf.for %scan3A_478 = %scan3A_472 to %scan3A_474 step %scan3A_475 iter_args(%scan3A_479 = %scan3A_471) -> (i32)  : i32 {
          %mul3A_480 = arith.constant 16 : i32
          %mul3A_481 = arith.muli %scan3A_478, %mul3A_480 : i32
          %get3A = arith.index_cast %mul3A_481 : i32 to index
          %get3A_482 = tpu.vector_load %arg8[%get3A] {strides = array<i32>} : memref<400xi32, #tpu.memory_space<vmem>>, vector<16xi32>,
          %reduce_max3A = arith.constant true
          %reduce_max3A_483 = vector.broadcast %reduce_max3A : i1 to vector<16xi1>
          %reduce_max3A_484 = arith.constant -2147483648 : i32
          %reduce_max3A_485 = vector.broadcast %reduce_max3A_484 : i32 to vector<16xi32>
          %reduce_max3A_486 = arith.xori %get3A_482, %reduce_max3A_485 : vector<16xi32>
          %reduce_max3A_487 = tpu.scan <max>, %reduce_max3A_486 masked %reduce_max3A_483 : vector<16xi32>, vector<16xi1> -> vector<16xi32>
          %reduce_max3A_488 = arith.xori %reduce_max3A_487, %reduce_max3A_485 : vector<16xi32>
          %reduce_max3A_489 = vector.extract %reduce_max3A_488[15] : i32 from vector<16xi32>
          %ge3A_490 = arith.constant 1000000 : i32
          %ge3A_491 = arith.cmpi sge, %reduce_max3A_489, %ge3A_490 : i32
          %convert_element_type3A_492 = arith.extui %ge3A_491 : i1 to i32
          %cond3A_493 = arith.constant 0 : i32
          %cond3A_494 = arith.cmpi ne, %convert_element_type3A_492, %cond3A_493 : i32
          scf.if %cond3A_494 {
            %ge3A_496 = arith.constant 1000000 : i32
            %ge3A_497 = vector.broadcast %ge3A_496 : i32 to vector<16xi32>
            %ge3A_498 = arith.cmpi sge, %get3A_482, %ge3A_497 : vector<16xi32>
            %sub3A = arith.constant 1000000 : i32
            %sub3A_499 = vector.broadcast %sub3A : i32 to vector<16xi32>
            %sub3A_500 = arith.subi %get3A_482, %sub3A_499 : vector<16xi32>
            %max3A = arith.constant 0 : i32
            %max3A_501 = vector.broadcast %max3A : i32 to vector<16xi32>
            %max3A_502 = arith.maxsi %sub3A_500, %max3A_501 : vector<16xi32>
            %mul3A_503 = arith.constant 16 : i32
            %mul3A_504 = arith.muli %scan3A_478, %mul3A_503 : i32
            %iota3A = tpu.iota {dimensions = array<i32: 0>} : vector<16xi32>
            %add3A_505 = vector.broadcast %mul3A_504 : i32 to vector<16xi32>
            %add3A_506 = arith.addi %add3A_505, %iota3A : vector<16xi32>
            %jit3A = arith.constant 50 : i32
            %div3A = vector.broadcast %jit3A : i32 to vector<16xi32>
            %div3A_507 = arith.divsi %add3A_506, %div3A : vector<16xi32>
            %sign3A = arith.constant 0 : i32
            %sign3A_508 = vector.broadcast %sign3A : i32 to vector<16xi32>
            %sign3A_509 = arith.cmpi sgt, %add3A_506, %sign3A_508 : vector<16xi32>
            %sign3A_510 = arith.extui %sign3A_509 : vector<16xi1> to vector<16xi32>
            %sign3A_511 = arith.constant 0 : i32
            %sign3A_512 = vector.broadcast %sign3A_511 : i32 to vector<16xi32>
            %sign3A_513 = arith.cmpi slt, %add3A_506, %sign3A_512 : vector<16xi32>
            %sign3A_514 = arith.extui %sign3A_513 : vector<16xi1> to vector<16xi32>
            %sign3A_515 = arith.subi %sign3A_510, %sign3A_514 : vector<16xi32>
            %sign3A_516 = arith.constant 0 : i32
            %sign3A_517 = arith.cmpi sgt, %jit3A, %sign3A_516 : i32
            %sign3A_518 = arith.extui %sign3A_517 : i1 to i32
            %sign3A_519 = arith.constant 0 : i32
            %sign3A_520 = arith.cmpi slt, %jit3A, %sign3A_519 : i32
            %sign3A_521 = arith.extui %sign3A_520 : i1 to i32
            %sign3A_522 = arith.subi %sign3A_518, %sign3A_521 : i32
            %ne3A = vector.broadcast %sign3A_522 : i32 to vector<16xi32>
            %ne3A_523 = arith.cmpi ne, %sign3A_515, %ne3A : vector<16xi32>
            %rem3A = vector.broadcast %jit3A : i32 to vector<16xi32>
            %rem3A_524 = arith.remsi %add3A_506, %rem3A : vector<16xi32>
            %ne3A_525 = arith.constant 0 : i32
            %ne3A_526 = vector.broadcast %ne3A_525 : i32 to vector<16xi32>
            %ne3A_527 = arith.cmpi ne, %rem3A_524, %ne3A_526 : vector<16xi32>
            %and3A = arith.andi %ne3A_523, %ne3A_527 : vector<16xi1>
            %sub3A_528 = arith.constant 1 : i32
            %sub3A_529 = vector.broadcast %sub3A_528 : i32 to vector<16xi32>
            %sub3A_530 = arith.subi %div3A_507, %sub3A_529 : vector<16xi32>
            %select_n3A = arith.select %and3A, %sub3A_530, %div3A_507 : vector<16xi1>, vector<16xi32>
            %jit3A_531 = arith.constant 50 : i32
            %eq3A = arith.constant 0 : i32
            %eq3A_532 = arith.cmpi eq, %jit3A_531, %eq3A : i32
            %jit3A_533 = arith.constant 1 : i32
            %select_n3A_534 = arith.select %eq3A_532, %jit3A_533, %jit3A_531 : i32
            %rem3A_535 = vector.broadcast %select_n3A_534 : i32 to vector<16xi32>
            %rem3A_536 = arith.remsi %add3A_506, %rem3A_535 : vector<16xi32>
            %ne3A_537 = arith.constant 0 : i32
            %ne3A_538 = vector.broadcast %ne3A_537 : i32 to vector<16xi32>
            %ne3A_539 = arith.cmpi ne, %rem3A_536, %ne3A_538 : vector<16xi32>
            %lt3A_540 = arith.constant 0 : i32
            %lt3A_541 = vector.broadcast %lt3A_540 : i32 to vector<16xi32>
            %lt3A_542 = arith.cmpi slt, %rem3A_536, %lt3A_541 : vector<16xi32>
            %lt3A_543 = arith.constant 0 : i32
            %lt3A_544 = arith.cmpi slt, %select_n3A_534, %lt3A_543 : i32
            %ne3A_545 = vector.broadcast %lt3A_544 : i1 to vector<16xi1>
            %ne3A_546 = vector.broadcast %ne3A_545 : vector<16xi1> to vector<16xi1>
            %ne3A_547 = arith.xori %lt3A_542, %ne3A_546 : vector<16xi1>
            %and3A_548 = arith.andi %ne3A_547, %ne3A_539 : vector<16xi1>
            %add3A_549 = vector.broadcast %select_n3A_534 : i32 to vector<16xi32>
            %add3A_550 = arith.addi %rem3A_536, %add3A_549 : vector<16xi32>
            %select_n3A_551 = arith.select %and3A_548, %add3A_550, %rem3A_536 : vector<16xi1>, vector<16xi32>
            %broadcast_in_dim3A = arith.constant 0 : i32
            %broadcast_in_dim3A_552 = vector.broadcast %broadcast_in_dim3A : i32 to vector<16xi32>
            %gather3A = tpu.vector_load_idx %arg6[%max3A_502, %broadcast_in_dim3A_552] masked %ge3A_498 : memref<1000x64xf32, #tpu.memory_space<vmem>>[vector<16xi32>, vector<16xi32>], vector<16xf32>, vector<16xi1>
            tpu.vector_store_idx %arg12[%select_n3A, %select_n3A_551, %broadcast_in_dim3A_552], %gather3A masked %ge3A_498 : memref<8x50x64xf32, #tpu.memory_space<vmem>>[vector<16xi32>, vector<16xi32>, vector<16xi32>], vector<16xf32>, vector<16xi1>
            %broadcast_in_dim3A_553 = arith.constant 1 : i32
            %broadcast_in_dim3A_554 = vector.broadcast %broadcast_in_dim3A_553 : i32 to vector<16xi32>
            %gather3A_555 = tpu.vector_load_idx %arg6[%max3A_502, %broadcast_in_dim3A_554] masked %ge3A_498 : memref<1000x64xf32, #tpu.memory_space<vmem>>[vector<16xi32>, vector<16xi32>], vector<16xf32>, vector<16xi1>
            tpu.vector_store_idx %arg12[%select_n3A, %select_n3A_551, %broadcast_in_dim3A_554], %gather3A_555 masked %ge3A_498 : memref<8x50x64xf32, #tpu.memory_space<vmem>>[vector<16xi32>, vector<16xi32>, vector<16xi32>], vector<16xf32>, vector<16xi1>
            %broadcast_in_dim3A_556 = arith.constant 2 : i32
            %broadcast_in_dim3A_557 = vector.broadcast %broadcast_in_dim3A_556 : i32 to vector<16xi32>
            %gather3A_558 = tpu.vector_load_idx %arg6[%max3A_502, %broadcast_in_dim3A_557] masked %ge3A_498 : memref<1000x64xf32, #tpu.memory_space<vmem>>[vector<16xi32>, vector<16xi32>], vector<16xf32>, vector<16xi1>
            tpu.vector_store_idx %arg12[%select_n3A, %select_n3A_551, %broadcast_in_dim3A_557], %gather3A_558 masked %ge3A_498 : memref<8x50x64xf32, #tpu.memory_space<vmem>>[vector<16xi32>, vector<16xi32>, vector<16xi32>], vector<16xf32>, vector<16xi1>
            %broadcast_in_dim3A_559 = arith.constant 3 : i32
            %broadcast_in_dim3A_560 = vector.broadcast %broadcast_in_dim3A_559 : i32 to vector<16xi32>
            %gather3A_561 = tpu.vector_load_idx %arg6[%max3A_502, %broadcast_in_dim3A_560] masked %ge3A_498 : memref<1000x64xf32, #tpu.memory_space<vmem>>[vector<16xi32>, vector<16xi32>], vector<16xf32>, vector<16xi1>
            tpu.vector_store_idx %arg12[%select_n3A, %select_n3A_551, %broadcast_in_dim3A_560], %gather3A_561 masked %ge3A_498 : memref<8x50x64xf32, #tpu.memory_space<vmem>>[vector<16xi32>, vector<16xi32>, vector<16xi32>], vector<16xf32>, vector<16xi1>
            %broadcast_in_dim3A_562 = arith.constant 4 : i32
            %broadcast_in_dim3A_563 = vector.broadcast %broadcast_in_dim3A_562 : i32 to vector<16xi32>
            %gather3A_564 = tpu.vector_load_idx %arg6[%max3A_502, %broadcast_in_dim3A_563] masked %ge3A_498 : memref<1000x64xf32, #tpu.memory_space<vmem>>[vector<16xi32>, vector<16xi32>], vector<16xf32>, vector<16xi1>
            tpu.vector_store_idx %arg12[%select_n3A, %select_n3A_551, %broadcast_in_dim3A_563], %gather3A_564 masked %ge3A_498 : memref<8x50x64xf32, #tpu.memory_space<vmem>>[vector<16xi32>, vector<16xi32>, vector<16xi32>], vector<16xf32>, vector<16xi1>
            %broadcast_in_dim3A_565 = arith.constant 5 : i32
            %broadcast_in_dim3A_566 = vector.broadcast %broadcast_in_dim3A_565 : i32 to vector<16xi32>
            %gather3A_567 = tpu.vector_load_idx %arg6[%max3A_502, %broadcast_in_dim3A_566] masked %ge3A_498 : memref<1000x64xf32, #tpu.memory_space<vmem>>[vector<16xi32>, vector<16xi32>], vector<16xf32>, vector<16xi1>
            tpu.vector_store_idx %arg12[%select_n3A, %select_n3A_551, %broadcast_in_dim3A_566], %gather3A_567 masked %ge3A_498 : memref<8x50x64xf32, #tpu.memory_space<vmem>>[vector<16xi32>, vector<16xi32>, vector<16xi32>], vector<16xf32>, vector<16xi1>
            %broadcast_in_dim3A_568 = arith.constant 6 : i32
            %broadcast_in_dim3A_569 = vector.broadcast %broadcast_in_dim3A_568 : i32 to vector<16xi32>
            %gather3A_570 = tpu.vector_load_idx %arg6[%max3A_502, %broadcast_in_dim3A_569] masked %ge3A_498 : memref<1000x64xf32, #tpu.memory_space<vmem>>[vector<16xi32>, vector<16xi32>], vector<16xf32>, vector<16xi1>
            tpu.vector_store_idx %arg12[%select_n3A, %select_n3A_551, %broadcast_in_dim3A_569], %gather3A_570 masked %ge3A_498 : memref<8x50x64xf32, #tpu.memory_space<vmem>>[vector<16xi32>, vector<16xi32>, vector<16xi32>], vector<16xf32>, vector<16xi1>
            %broadcast_in_dim3A_571 = arith.constant 7 : i32
            %broadcast_in_dim3A_572 = vector.broadcast %broadcast_in_dim3A_571 : i32 to vector<16xi32>
            %gather3A_573 = tpu.vector_load_idx %arg6[%max3A_502, %broadcast_in_dim3A_572] masked %ge3A_498 : memref<1000x64xf32, #tpu.memory_space<vmem>>[vector<16xi32>, vector<16xi32>], vector<16xf32>, vector<16xi1>
            tpu.vector_store_idx %arg12[%select_n3A, %select_n3A_551, %broadcast_in_dim3A_572], %gather3A_573 masked %ge3A_498 : memref<8x50x64xf32, #tpu.memory_space<vmem>>[vector<16xi32>, vector<16xi32>, vector<16xi32>], vector<16xf32>, vector<16xi1>
            %broadcast_in_dim3A_574 = arith.constant 8 : i32
            %broadcast_in_dim3A_575 = vector.broadcast %broadcast_in_dim3A_574 : i32 to vector<16xi32>
            %gather3A_576 = tpu.vector_load_idx %arg6[%max3A_502, %broadcast_in_dim3A_575] masked %ge3A_498 : memref<1000x64xf32, #tpu.memory_space<vmem>>[vector<16xi32>, vector<16xi32>], vector<16xf32>, vector<16xi1>
            tpu.vector_store_idx %arg12[%select_n3A, %select_n3A_551, %broadcast_in_dim3A_575], %gather3A_576 masked %ge3A_498 : memref<8x50x64xf32, #tpu.memory_space<vmem>>[vector<16xi32>, vector<16xi32>, vector<16xi32>], vector<16xf32>, vector<16xi1>
            %broadcast_in_dim3A_577 = arith.constant 9 : i32
            %broadcast_in_dim3A_578 = vector.broadcast %broadcast_in_dim3A_577 : i32 to vector<16xi32>
            %gather3A_579 = tpu.vector_load_idx %arg6[%max3A_502, %broadcast_in_dim3A_578] masked %ge3A_498 : memref<1000x64xf32, #tpu.memory_space<vmem>>[vector<16xi32>, vector<16xi32>], vector<16xf32>, vector<16xi1>
            tpu.vector_store_idx %arg12[%select_n3A, %select_n3A_551, %broadcast_in_dim3A_578], %gather3A_579 masked %ge3A_498 : memref<8x50x64xf32, #tpu.memory_space<vmem>>[vector<16xi32>, vector<16xi32>, vector<16xi32>], vector<16xf32>, vector<16xi1>
            %broadcast_in_dim3A_580 = arith.constant 10 : i32
            %broadcast_in_dim3A_581 = vector.broadcast %broadcast_in_dim3A_580 : i32 to vector<16xi32>
            %gather3A_582 = tpu.vector_load_idx %arg6[%max3A_502, %broadcast_in_dim3A_581] masked %ge3A_498 : memref<1000x64xf32, #tpu.memory_space<vmem>>[vector<16xi32>, vector<16xi32>], vector<16xf32>, vector<16xi1>
            tpu.vector_store_idx %arg12[%select_n3A, %select_n3A_551, %broadcast_in_dim3A_581], %gather3A_582 masked %ge3A_498 : memref<8x50x64xf32, #tpu.memory_space<vmem>>[vector<16xi32>, vector<16xi32>, vector<16xi32>], vector<16xf32>, vector<16xi1>
            %broadcast_in_dim3A_583 = arith.constant 11 : i32
            %broadcast_in_dim3A_584 = vector.broadcast %broadcast_in_dim3A_583 : i32 to vector<16xi32>
            %gather3A_585 = tpu.vector_load_idx %arg6[%max3A_502, %broadcast_in_dim3A_584] masked %ge3A_498 : memref<1000x64xf32, #tpu.memory_space<vmem>>[vector<16xi32>, vector<16xi32>], vector<16xf32>, vector<16xi1>
            tpu.vector_store_idx %arg12[%select_n3A, %select_n3A_551, %broadcast_in_dim3A_584], %gather3A_585 masked %ge3A_498 : memref<8x50x64xf32, #tpu.memory_space<vmem>>[vector<16xi32>, vector<16xi32>, vector<16xi32>], vector<16xf32>, vector<16xi1>
            %broadcast_in_dim3A_586 = arith.constant 12 : i32
            %broadcast_in_dim3A_587 = vector.broadcast %broadcast_in_dim3A_586 : i32 to vector<16xi32>
            %gather3A_588 = tpu.vector_load_idx %arg6[%max3A_502, %broadcast_in_dim3A_587] masked %ge3A_498 : memref<1000x64xf32, #tpu.memory_space<vmem>>[vector<16xi32>, vector<16xi32>], vector<16xf32>, vector<16xi1>
            tpu.vector_store_idx %arg12[%select_n3A, %select_n3A_551, %broadcast_in_dim3A_587], %gather3A_588 masked %ge3A_498 : memref<8x50x64xf32, #tpu.memory_space<vmem>>[vector<16xi32>, vector<16xi32>, vector<16xi32>], vector<16xf32>, vector<16xi1>
            %broadcast_in_dim3A_589 = arith.constant 13 : i32
            %broadcast_in_dim3A_590 = vector.broadcast %broadcast_in_dim3A_589 : i32 to vector<16xi32>
            %gather3A_591 = tpu.vector_load_idx %arg6[%max3A_502, %broadcast_in_dim3A_590] masked %ge3A_498 : memref<1000x64xf32, #tpu.memory_space<vmem>>[vector<16xi32>, vector<16xi32>], vector<16xf32>, vector<16xi1>
            tpu.vector_store_idx %arg12[%select_n3A, %select_n3A_551, %broadcast_in_dim3A_590], %gather3A_591 masked %ge3A_498 : memref<8x50x64xf32, #tpu.memory_space<vmem>>[vector<16xi32>, vector<16xi32>, vector<16xi32>], vector<16xf32>, vector<16xi1>
            %broadcast_in_dim3A_592 = arith.constant 14 : i32
            %broadcast_in_dim3A_593 = vector.broadcast %broadcast_in_dim3A_592 : i32 to vector<16xi32>
            %gather3A_594 = tpu.vector_load_idx %arg6[%max3A_502, %broadcast_in_dim3A_593] masked %ge3A_498 : memref<1000x64xf32, #tpu.memory_space<vmem>>[vector<16xi32>, vector<16xi32>], vector<16xf32>, vector<16xi1>
            tpu.vector_store_idx %arg12[%select_n3A, %select_n3A_551, %broadcast_in_dim3A_593], %gather3A_594 masked %ge3A_498 : memref<8x50x64xf32, #tpu.memory_space<vmem>>[vector<16xi32>, vector<16xi32>, vector<16xi32>], vector<16xf32>, vector<16xi1>
            %broadcast_in_dim3A_595 = arith.constant 15 : i32
            %broadcast_in_dim3A_596 = vector.broadcast %broadcast_in_dim3A_595 : i32 to vector<16xi32>
            %gather3A_597 = tpu.vector_load_idx %arg6[%max3A_502, %broadcast_in_dim3A_596] masked %ge3A_498 : memref<1000x64xf32, #tpu.memory_space<vmem>>[vector<16xi32>, vector<16xi32>], vector<16xf32>, vector<16xi1>
            tpu.vector_store_idx %arg12[%select_n3A, %select_n3A_551, %broadcast_in_dim3A_596], %gather3A_597 masked %ge3A_498 : memref<8x50x64xf32, #tpu.memory_space<vmem>>[vector<16xi32>, vector<16xi32>, vector<16xi32>], vector<16xf32>, vector<16xi1>
            %broadcast_in_dim3A_598 = arith.constant 16 : i32
            %broadcast_in_dim3A_599 = vector.broadcast %broadcast_in_dim3A_598 : i32 to vector<16xi32>
            %gather3A_600 = tpu.vector_load_idx %arg6[%max3A_502, %broadcast_in_dim3A_599] masked %ge3A_498 : memref<1000x64xf32, #tpu.memory_space<vmem>>[vector<16xi32>, vector<16xi32>], vector<16xf32>, vector<16xi1>
            tpu.vector_store_idx %arg12[%select_n3A, %select_n3A_551, %broadcast_in_dim3A_599], %gather3A_600 masked %ge3A_498 : memref<8x50x64xf32, #tpu.memory_space<vmem>>[vector<16xi32>, vector<16xi32>, vector<16xi32>], vector<16xf32>, vector<16xi1>
            %broadcast_in_dim3A_601 = arith.constant 17 : i32
            %broadcast_in_dim3A_602 = vector.broadcast %broadcast_in_dim3A_601 : i32 to vector<16xi32>
            %gather3A_603 = tpu.vector_load_idx %arg6[%max3A_502, %broadcast_in_dim3A_602] masked %ge3A_498 : memref<1000x64xf32, #tpu.memory_space<vmem>>[vector<16xi32>, vector<16xi32>], vector<16xf32>, vector<16xi1>
            tpu.vector_store_idx %arg12[%select_n3A, %select_n3A_551, %broadcast_in_dim3A_602], %gather3A_603 masked %ge3A_498 : memref<8x50x64xf32, #tpu.memory_space<vmem>>[vector<16xi32>, vector<16xi32>, vector<16xi32>], vector<16xf32>, vector<16xi1>
            %broadcast_in_dim3A_604 = arith.constant 18 : i32
            %broadcast_in_dim3A_605 = vector.broadcast %broadcast_in_dim3A_604 : i32 to vector<16xi32>
            %gather3A_606 = tpu.vector_load_idx %arg6[%max3A_502, %broadcast_in_dim3A_605] masked %ge3A_498 : memref<1000x64xf32, #tpu.memory_space<vmem>>[vector<16xi32>, vector<16xi32>], vector<16xf32>, vector<16xi1>
            tpu.vector_store_idx %arg12[%select_n3A, %select_n3A_551, %broadcast_in_dim3A_605], %gather3A_606 masked %ge3A_498 : memref<8x50x64xf32, #tpu.memory_space<vmem>>[vector<16xi32>, vector<16xi32>, vector<16xi32>], vector<16xf32>, vector<16xi1>
            %broadcast_in_dim3A_607 = arith.constant 19 : i32
            %broadcast_in_dim3A_608 = vector.broadcast %broadcast_in_dim3A_607 : i32 to vector<16xi32>
            %gather3A_609 = tpu.vector_load_idx %arg6[%max3A_502, %broadcast_in_dim3A_608] masked %ge3A_498 : memref<1000x64xf32, #tpu.memory_space<vmem>>[vector<16xi32>, vector<16xi32>], vector<16xf32>, vector<16xi1>
            tpu.vector_store_idx %arg12[%select_n3A, %select_n3A_551, %broadcast_in_dim3A_608], %gather3A_609 masked %ge3A_498 : memref<8x50x64xf32, #tpu.memory_space<vmem>>[vector<16xi32>, vector<16xi32>, vector<16xi32>], vector<16xf32>, vector<16xi1>
            %broadcast_in_dim3A_610 = arith.constant 20 : i32
            %broadcast_in_dim3A_611 = vector.broadcast %broadcast_in_dim3A_610 : i32 to vector<16xi32>
            %gather3A_612 = tpu.vector_load_idx %arg6[%max3A_502, %broadcast_in_dim3A_611] masked %ge3A_498 : memref<1000x64xf32, #tpu.memory_space<vmem>>[vector<16xi32>, vector<16xi32>], vector<16xf32>, vector<16xi1>
            tpu.vector_store_idx %arg12[%select_n3A, %select_n3A_551, %broadcast_in_dim3A_611], %gather3A_612 masked %ge3A_498 : memref<8x50x64xf32, #tpu.memory_space<vmem>>[vector<16xi32>, vector<16xi32>, vector<16xi32>], vector<16xf32>, vector<16xi1>
            %broadcast_in_dim3A_613 = arith.constant 21 : i32
            %broadcast_in_dim3A_614 = vector.broadcast %broadcast_in_dim3A_613 : i32 to vector<16xi32>
            %gather3A_615 = tpu.vector_load_idx %arg6[%max3A_502, %broadcast_in_dim3A_614] masked %ge3A_498 : memref<1000x64xf32, #tpu.memory_space<vmem>>[vector<16xi32>, vector<16xi32>], vector<16xf32>, vector<16xi1>
            tpu.vector_store_idx %arg12[%select_n3A, %select_n3A_551, %broadcast_in_dim3A_614], %gather3A_615 masked %ge3A_498 : memref<8x50x64xf32, #tpu.memory_space<vmem>>[vector<16xi32>, vector<16xi32>, vector<16xi32>], vector<16xf32>, vector<16xi1>
            %broadcast_in_dim3A_616 = arith.constant 22 : i32
            %broadcast_in_dim3A_617 = vector.broadcast %broadcast_in_dim3A_616 : i32 to vector<16xi32>
            %gather3A_618 = tpu.vector_load_idx %arg6[%max3A_502, %broadcast_in_dim3A_617] masked %ge3A_498 : memref<1000x64xf32, #tpu.memory_space<vmem>>[vector<16xi32>, vector<16xi32>], vector<16xf32>, vector<16xi1>
            tpu.vector_store_idx %arg12[%select_n3A, %select_n3A_551, %broadcast_in_dim3A_617], %gather3A_618 masked %ge3A_498 : memref<8x50x64xf32, #tpu.memory_space<vmem>>[vector<16xi32>, vector<16xi32>, vector<16xi32>], vector<16xf32>, vector<16xi1>
            %broadcast_in_dim3A_619 = arith.constant 23 : i32
            %broadcast_in_dim3A_620 = vector.broadcast %broadcast_in_dim3A_619 : i32 to vector<16xi32>
            %gather3A_621 = tpu.vector_load_idx %arg6[%max3A_502, %broadcast_in_dim3A_620] masked %ge3A_498 : memref<1000x64xf32, #tpu.memory_space<vmem>>[vector<16xi32>, vector<16xi32>], vector<16xf32>, vector<16xi1>
            tpu.vector_store_idx %arg12[%select_n3A, %select_n3A_551, %broadcast_in_dim3A_620], %gather3A_621 masked %ge3A_498 : memref<8x50x64xf32, #tpu.memory_space<vmem>>[vector<16xi32>, vector<16xi32>, vector<16xi32>], vector<16xf32>, vector<16xi1>
            %broadcast_in_dim3A_622 = arith.constant 24 : i32
            %broadcast_in_dim3A_623 = vector.broadcast %broadcast_in_dim3A_622 : i32 to vector<16xi32>
            %gather3A_624 = tpu.vector_load_idx %arg6[%max3A_502, %broadcast_in_dim3A_623] masked %ge3A_498 : memref<1000x64xf32, #tpu.memory_space<vmem>>[vector<16xi32>, vector<16xi32>], vector<16xf32>, vector<16xi1>
            tpu.vector_store_idx %arg12[%select_n3A, %select_n3A_551, %broadcast_in_dim3A_623], %gather3A_624 masked %ge3A_498 : memref<8x50x64xf32, #tpu.memory_space<vmem>>[vector<16xi32>, vector<16xi32>, vector<16xi32>], vector<16xf32>, vector<16xi1>
            %broadcast_in_dim3A_625 = arith.constant 25 : i32
            %broadcast_in_dim3A_626 = vector.broadcast %broadcast_in_dim3A_625 : i32 to vector<16xi32>
            %gather3A_627 = tpu.vector_load_idx %arg6[%max3A_502, %broadcast_in_dim3A_626] masked %ge3A_498 : memref<1000x64xf32, #tpu.memory_space<vmem>>[vector<16xi32>, vector<16xi32>], vector<16xf32>, vector<16xi1>
            tpu.vector_store_idx %arg12[%select_n3A, %select_n3A_551, %broadcast_in_dim3A_626], %gather3A_627 masked %ge3A_498 : memref<8x50x64xf32, #tpu.memory_space<vmem>>[vector<16xi32>, vector<16xi32>, vector<16xi32>], vector<16xf32>, vector<16xi1>
            %broadcast_in_dim3A_628 = arith.constant 26 : i32
            %broadcast_in_dim3A_629 = vector.broadcast %broadcast_in_dim3A_628 : i32 to vector<16xi32>
            %gather3A_630 = tpu.vector_load_idx %arg6[%max3A_502, %broadcast_in_dim3A_629] masked %ge3A_498 : memref<1000x64xf32, #tpu.memory_space<vmem>>[vector<16xi32>, vector<16xi32>], vector<16xf32>, vector<16xi1>
            tpu.vector_store_idx %arg12[%select_n3A, %select_n3A_551, %broadcast_in_dim3A_629], %gather3A_630 masked %ge3A_498 : memref<8x50x64xf32, #tpu.memory_space<vmem>>[vector<16xi32>, vector<16xi32>, vector<16xi32>], vector<16xf32>, vector<16xi1>
            %broadcast_in_dim3A_631 = arith.constant 27 : i32
            %broadcast_in_dim3A_632 = vector.broadcast %broadcast_in_dim3A_631 : i32 to vector<16xi32>
            %gather3A_633 = tpu.vector_load_idx %arg6[%max3A_502, %broadcast_in_dim3A_632] masked %ge3A_498 : memref<1000x64xf32, #tpu.memory_space<vmem>>[vector<16xi32>, vector<16xi32>], vector<16xf32>, vector<16xi1>
            tpu.vector_store_idx %arg12[%select_n3A, %select_n3A_551, %broadcast_in_dim3A_632], %gather3A_633 masked %ge3A_498 : memref<8x50x64xf32, #tpu.memory_space<vmem>>[vector<16xi32>, vector<16xi32>, vector<16xi32>], vector<16xf32>, vector<16xi1>
            %broadcast_in_dim3A_634 = arith.constant 28 : i32
            %broadcast_in_dim3A_635 = vector.broadcast %broadcast_in_dim3A_634 : i32 to vector<16xi32>
            %gather3A_636 = tpu.vector_load_idx %arg6[%max3A_502, %broadcast_in_dim3A_635] masked %ge3A_498 : memref<1000x64xf32, #tpu.memory_space<vmem>>[vector<16xi32>, vector<16xi32>], vector<16xf32>, vector<16xi1>
            tpu.vector_store_idx %arg12[%select_n3A, %select_n3A_551, %broadcast_in_dim3A_635], %gather3A_636 masked %ge3A_498 : memref<8x50x64xf32, #tpu.memory_space<vmem>>[vector<16xi32>, vector<16xi32>, vector<16xi32>], vector<16xf32>, vector<16xi1>
            %broadcast_in_dim3A_637 = arith.constant 29 : i32
            %broadcast_in_dim3A_638 = vector.broadcast %broadcast_in_dim3A_637 : i32 to vector<16xi32>
            %gather3A_639 = tpu.vector_load_idx %arg6[%max3A_502, %broadcast_in_dim3A_638] masked %ge3A_498 : memref<1000x64xf32, #tpu.memory_space<vmem>>[vector<16xi32>, vector<16xi32>], vector<16xf32>, vector<16xi1>
            tpu.vector_store_idx %arg12[%select_n3A, %select_n3A_551, %broadcast_in_dim3A_638], %gather3A_639 masked %ge3A_498 : memref<8x50x64xf32, #tpu.memory_space<vmem>>[vector<16xi32>, vector<16xi32>, vector<16xi32>], vector<16xf32>, vector<16xi1>
            %broadcast_in_dim3A_640 = arith.constant 30 : i32
            %broadcast_in_dim3A_641 = vector.broadcast %broadcast_in_dim3A_640 : i32 to vector<16xi32>
            %gather3A_642 = tpu.vector_load_idx %arg6[%max3A_502, %broadcast_in_dim3A_641] masked %ge3A_498 : memref<1000x64xf32, #tpu.memory_space<vmem>>[vector<16xi32>, vector<16xi32>], vector<16xf32>, vector<16xi1>
            tpu.vector_store_idx %arg12[%select_n3A, %select_n3A_551, %broadcast_in_dim3A_641], %gather3A_642 masked %ge3A_498 : memref<8x50x64xf32, #tpu.memory_space<vmem>>[vector<16xi32>, vector<16xi32>, vector<16xi32>], vector<16xf32>, vector<16xi1>
            %broadcast_in_dim3A_643 = arith.constant 31 : i32
            %broadcast_in_dim3A_644 = vector.broadcast %broadcast_in_dim3A_643 : i32 to vector<16xi32>
            %gather3A_645 = tpu.vector_load_idx %arg6[%max3A_502, %broadcast_in_dim3A_644] masked %ge3A_498 : memref<1000x64xf32, #tpu.memory_space<vmem>>[vector<16xi32>, vector<16xi32>], vector<16xf32>, vector<16xi1>
            tpu.vector_store_idx %arg12[%select_n3A, %select_n3A_551, %broadcast_in_dim3A_644], %gather3A_645 masked %ge3A_498 : memref<8x50x64xf32, #tpu.memory_space<vmem>>[vector<16xi32>, vector<16xi32>, vector<16xi32>], vector<16xf32>, vector<16xi1>
            %broadcast_in_dim3A_646 = arith.constant 32 : i32
            %broadcast_in_dim3A_647 = vector.broadcast %broadcast_in_dim3A_646 : i32 to vector<16xi32>
            %gather3A_648 = tpu.vector_load_idx %arg6[%max3A_502, %broadcast_in_dim3A_647] masked %ge3A_498 : memref<1000x64xf32, #tpu.memory_space<vmem>>[vector<16xi32>, vector<16xi32>], vector<16xf32>, vector<16xi1>
            tpu.vector_store_idx %arg12[%select_n3A, %select_n3A_551, %broadcast_in_dim3A_647], %gather3A_648 masked %ge3A_498 : memref<8x50x64xf32, #tpu.memory_space<vmem>>[vector<16xi32>, vector<16xi32>, vector<16xi32>], vector<16xf32>, vector<16xi1>
            %broadcast_in_dim3A_649 = arith.constant 33 : i32
            %broadcast_in_dim3A_650 = vector.broadcast %broadcast_in_dim3A_649 : i32 to vector<16xi32>
            %gather3A_651 = tpu.vector_load_idx %arg6[%max3A_502, %broadcast_in_dim3A_650] masked %ge3A_498 : memref<1000x64xf32, #tpu.memory_space<vmem>>[vector<16xi32>, vector<16xi32>], vector<16xf32>, vector<16xi1>
            tpu.vector_store_idx %arg12[%select_n3A, %select_n3A_551, %broadcast_in_dim3A_650], %gather3A_651 masked %ge3A_498 : memref<8x50x64xf32, #tpu.memory_space<vmem>>[vector<16xi32>, vector<16xi32>, vector<16xi32>], vector<16xf32>, vector<16xi1>
            %broadcast_in_dim3A_652 = arith.constant 34 : i32
            %broadcast_in_dim3A_653 = vector.broadcast %broadcast_in_dim3A_652 : i32 to vector<16xi32>
            %gather3A_654 = tpu.vector_load_idx %arg6[%max3A_502, %broadcast_in_dim3A_653] masked %ge3A_498 : memref<1000x64xf32, #tpu.memory_space<vmem>>[vector<16xi32>, vector<16xi32>], vector<16xf32>, vector<16xi1>
            tpu.vector_store_idx %arg12[%select_n3A, %select_n3A_551, %broadcast_in_dim3A_653], %gather3A_654 masked %ge3A_498 : memref<8x50x64xf32, #tpu.memory_space<vmem>>[vector<16xi32>, vector<16xi32>, vector<16xi32>], vector<16xf32>, vector<16xi1>
            %broadcast_in_dim3A_655 = arith.constant 35 : i32
            %broadcast_in_dim3A_656 = vector.broadcast %broadcast_in_dim3A_655 : i32 to vector<16xi32>
            %gather3A_657 = tpu.vector_load_idx %arg6[%max3A_502, %broadcast_in_dim3A_656] masked %ge3A_498 : memref<1000x64xf32, #tpu.memory_space<vmem>>[vector<16xi32>, vector<16xi32>], vector<16xf32>, vector<16xi1>
            tpu.vector_store_idx %arg12[%select_n3A, %select_n3A_551, %broadcast_in_dim3A_656], %gather3A_657 masked %ge3A_498 : memref<8x50x64xf32, #tpu.memory_space<vmem>>[vector<16xi32>, vector<16xi32>, vector<16xi32>], vector<16xf32>, vector<16xi1>
            %broadcast_in_dim3A_658 = arith.constant 36 : i32
            %broadcast_in_dim3A_659 = vector.broadcast %broadcast_in_dim3A_658 : i32 to vector<16xi32>
            %gather3A_660 = tpu.vector_load_idx %arg6[%max3A_502, %broadcast_in_dim3A_659] masked %ge3A_498 : memref<1000x64xf32, #tpu.memory_space<vmem>>[vector<16xi32>, vector<16xi32>], vector<16xf32>, vector<16xi1>
            tpu.vector_store_idx %arg12[%select_n3A, %select_n3A_551, %broadcast_in_dim3A_659], %gather3A_660 masked %ge3A_498 : memref<8x50x64xf32, #tpu.memory_space<vmem>>[vector<16xi32>, vector<16xi32>, vector<16xi32>], vector<16xf32>, vector<16xi1>
            %broadcast_in_dim3A_661 = arith.constant 37 : i32
            %broadcast_in_dim3A_662 = vector.broadcast %broadcast_in_dim3A_661 : i32 to vector<16xi32>
            %gather3A_663 = tpu.vector_load_idx %arg6[%max3A_502, %broadcast_in_dim3A_662] masked %ge3A_498 : memref<1000x64xf32, #tpu.memory_space<vmem>>[vector<16xi32>, vector<16xi32>], vector<16xf32>, vector<16xi1>
            tpu.vector_store_idx %arg12[%select_n3A, %select_n3A_551, %broadcast_in_dim3A_662], %gather3A_663 masked %ge3A_498 : memref<8x50x64xf32, #tpu.memory_space<vmem>>[vector<16xi32>, vector<16xi32>, vector<16xi32>], vector<16xf32>, vector<16xi1>
            %broadcast_in_dim3A_664 = arith.constant 38 : i32
            %broadcast_in_dim3A_665 = vector.broadcast %broadcast_in_dim3A_664 : i32 to vector<16xi32>
            %gather3A_666 = tpu.vector_load_idx %arg6[%max3A_502, %broadcast_in_dim3A_665] masked %ge3A_498 : memref<1000x64xf32, #tpu.memory_space<vmem>>[vector<16xi32>, vector<16xi32>], vector<16xf32>, vector<16xi1>
            tpu.vector_store_idx %arg12[%select_n3A, %select_n3A_551, %broadcast_in_dim3A_665], %gather3A_666 masked %ge3A_498 : memref<8x50x64xf32, #tpu.memory_space<vmem>>[vector<16xi32>, vector<16xi32>, vector<16xi32>], vector<16xf32>, vector<16xi1>
            %broadcast_in_dim3A_667 = arith.constant 39 : i32
            %broadcast_in_dim3A_668 = vector.broadcast %broadcast_in_dim3A_667 : i32 to vector<16xi32>
            %gather3A_669 = tpu.vector_load_idx %arg6[%max3A_502, %broadcast_in_dim3A_668] masked %ge3A_498 : memref<1000x64xf32, #tpu.memory_space<vmem>>[vector<16xi32>, vector<16xi32>], vector<16xf32>, vector<16xi1>
            tpu.vector_store_idx %arg12[%select_n3A, %select_n3A_551, %broadcast_in_dim3A_668], %gather3A_669 masked %ge3A_498 : memref<8x50x64xf32, #tpu.memory_space<vmem>>[vector<16xi32>, vector<16xi32>, vector<16xi32>], vector<16xf32>, vector<16xi1>
            %broadcast_in_dim3A_670 = arith.constant 40 : i32
            %broadcast_in_dim3A_671 = vector.broadcast %broadcast_in_dim3A_670 : i32 to vector<16xi32>
            %gather3A_672 = tpu.vector_load_idx %arg6[%max3A_502, %broadcast_in_dim3A_671] masked %ge3A_498 : memref<1000x64xf32, #tpu.memory_space<vmem>>[vector<16xi32>, vector<16xi32>], vector<16xf32>, vector<16xi1>
            tpu.vector_store_idx %arg12[%select_n3A, %select_n3A_551, %broadcast_in_dim3A_671], %gather3A_672 masked %ge3A_498 : memref<8x50x64xf32, #tpu.memory_space<vmem>>[vector<16xi32>, vector<16xi32>, vector<16xi32>], vector<16xf32>, vector<16xi1>
            %broadcast_in_dim3A_673 = arith.constant 41 : i32
            %broadcast_in_dim3A_674 = vector.broadcast %broadcast_in_dim3A_673 : i32 to vector<16xi32>
            %gather3A_675 = tpu.vector_load_idx %arg6[%max3A_502, %broadcast_in_dim3A_674] masked %ge3A_498 : memref<1000x64xf32, #tpu.memory_space<vmem>>[vector<16xi32>, vector<16xi32>], vector<16xf32>, vector<16xi1>
            tpu.vector_store_idx %arg12[%select_n3A, %select_n3A_551, %broadcast_in_dim3A_674], %gather3A_675 masked %ge3A_498 : memref<8x50x64xf32, #tpu.memory_space<vmem>>[vector<16xi32>, vector<16xi32>, vector<16xi32>], vector<16xf32>, vector<16xi1>
            %broadcast_in_dim3A_676 = arith.constant 42 : i32
            %broadcast_in_dim3A_677 = vector.broadcast %broadcast_in_dim3A_676 : i32 to vector<16xi32>
            %gather3A_678 = tpu.vector_load_idx %arg6[%max3A_502, %broadcast_in_dim3A_677] masked %ge3A_498 : memref<1000x64xf32, #tpu.memory_space<vmem>>[vector<16xi32>, vector<16xi32>], vector<16xf32>, vector<16xi1>
            tpu.vector_store_idx %arg12[%select_n3A, %select_n3A_551, %broadcast_in_dim3A_677], %gather3A_678 masked %ge3A_498 : memref<8x50x64xf32, #tpu.memory_space<vmem>>[vector<16xi32>, vector<16xi32>, vector<16xi32>], vector<16xf32>, vector<16xi1>
            %broadcast_in_dim3A_679 = arith.constant 43 : i32
            %broadcast_in_dim3A_680 = vector.broadcast %broadcast_in_dim3A_679 : i32 to vector<16xi32>
            %gather3A_681 = tpu.vector_load_idx %arg6[%max3A_502, %broadcast_in_dim3A_680] masked %ge3A_498 : memref<1000x64xf32, #tpu.memory_space<vmem>>[vector<16xi32>, vector<16xi32>], vector<16xf32>, vector<16xi1>
            tpu.vector_store_idx %arg12[%select_n3A, %select_n3A_551, %broadcast_in_dim3A_680], %gather3A_681 masked %ge3A_498 : memref<8x50x64xf32, #tpu.memory_space<vmem>>[vector<16xi32>, vector<16xi32>, vector<16xi32>], vector<16xf32>, vector<16xi1>
            %broadcast_in_dim3A_682 = arith.constant 44 : i32
            %broadcast_in_dim3A_683 = vector.broadcast %broadcast_in_dim3A_682 : i32 to vector<16xi32>
            %gather3A_684 = tpu.vector_load_idx %arg6[%max3A_502, %broadcast_in_dim3A_683] masked %ge3A_498 : memref<1000x64xf32, #tpu.memory_space<vmem>>[vector<16xi32>, vector<16xi32>], vector<16xf32>, vector<16xi1>
            tpu.vector_store_idx %arg12[%select_n3A, %select_n3A_551, %broadcast_in_dim3A_683], %gather3A_684 masked %ge3A_498 : memref<8x50x64xf32, #tpu.memory_space<vmem>>[vector<16xi32>, vector<16xi32>, vector<16xi32>], vector<16xf32>, vector<16xi1>
            %broadcast_in_dim3A_685 = arith.constant 45 : i32
            %broadcast_in_dim3A_686 = vector.broadcast %broadcast_in_dim3A_685 : i32 to vector<16xi32>
            %gather3A_687 = tpu.vector_load_idx %arg6[%max3A_502, %broadcast_in_dim3A_686] masked %ge3A_498 : memref<1000x64xf32, #tpu.memory_space<vmem>>[vector<16xi32>, vector<16xi32>], vector<16xf32>, vector<16xi1>
            tpu.vector_store_idx %arg12[%select_n3A, %select_n3A_551, %broadcast_in_dim3A_686], %gather3A_687 masked %ge3A_498 : memref<8x50x64xf32, #tpu.memory_space<vmem>>[vector<16xi32>, vector<16xi32>, vector<16xi32>], vector<16xf32>, vector<16xi1>
            %broadcast_in_dim3A_688 = arith.constant 46 : i32
            %broadcast_in_dim3A_689 = vector.broadcast %broadcast_in_dim3A_688 : i32 to vector<16xi32>
            %gather3A_690 = tpu.vector_load_idx %arg6[%max3A_502, %broadcast_in_dim3A_689] masked %ge3A_498 : memref<1000x64xf32, #tpu.memory_space<vmem>>[vector<16xi32>, vector<16xi32>], vector<16xf32>, vector<16xi1>
            tpu.vector_store_idx %arg12[%select_n3A, %select_n3A_551, %broadcast_in_dim3A_689], %gather3A_690 masked %ge3A_498 : memref<8x50x64xf32, #tpu.memory_space<vmem>>[vector<16xi32>, vector<16xi32>, vector<16xi32>], vector<16xf32>, vector<16xi1>
            %broadcast_in_dim3A_691 = arith.constant 47 : i32
            %broadcast_in_dim3A_692 = vector.broadcast %broadcast_in_dim3A_691 : i32 to vector<16xi32>
            %gather3A_693 = tpu.vector_load_idx %arg6[%max3A_502, %broadcast_in_dim3A_692] masked %ge3A_498 : memref<1000x64xf32, #tpu.memory_space<vmem>>[vector<16xi32>, vector<16xi32>], vector<16xf32>, vector<16xi1>
            tpu.vector_store_idx %arg12[%select_n3A, %select_n3A_551, %broadcast_in_dim3A_692], %gather3A_693 masked %ge3A_498 : memref<8x50x64xf32, #tpu.memory_space<vmem>>[vector<16xi32>, vector<16xi32>, vector<16xi32>], vector<16xf32>, vector<16xi1>
            %broadcast_in_dim3A_694 = arith.constant 48 : i32
            %broadcast_in_dim3A_695 = vector.broadcast %broadcast_in_dim3A_694 : i32 to vector<16xi32>
            %gather3A_696 = tpu.vector_load_idx %arg6[%max3A_502, %broadcast_in_dim3A_695] masked %ge3A_498 : memref<1000x64xf32, #tpu.memory_space<vmem>>[vector<16xi32>, vector<16xi32>], vector<16xf32>, vector<16xi1>
            tpu.vector_store_idx %arg12[%select_n3A, %select_n3A_551, %broadcast_in_dim3A_695], %gather3A_696 masked %ge3A_498 : memref<8x50x64xf32, #tpu.memory_space<vmem>>[vector<16xi32>, vector<16xi32>, vector<16xi32>], vector<16xf32>, vector<16xi1>
            %broadcast_in_dim3A_697 = arith.constant 49 : i32
            %broadcast_in_dim3A_698 = vector.broadcast %broadcast_in_dim3A_697 : i32 to vector<16xi32>
            %gather3A_699 = tpu.vector_load_idx %arg6[%max3A_502, %broadcast_in_dim3A_698] masked %ge3A_498 : memref<1000x64xf32, #tpu.memory_space<vmem>>[vector<16xi32>, vector<16xi32>], vector<16xf32>, vector<16xi1>
            tpu.vector_store_idx %arg12[%select_n3A, %select_n3A_551, %broadcast_in_dim3A_698], %gather3A_699 masked %ge3A_498 : memref<8x50x64xf32, #tpu.memory_space<vmem>>[vector<16xi32>, vector<16xi32>, vector<16xi32>], vector<16xf32>, vector<16xi1>
            %broadcast_in_dim3A_700 = arith.constant 50 : i32
            %broadcast_in_dim3A_701 = vector.broadcast %broadcast_in_dim3A_700 : i32 to vector<16xi32>
            %gather3A_702 = tpu.vector_load_idx %arg6[%max3A_502, %broadcast_in_dim3A_701] masked %ge3A_498 : memref<1000x64xf32, #tpu.memory_space<vmem>>[vector<16xi32>, vector<16xi32>], vector<16xf32>, vector<16xi1>
            tpu.vector_store_idx %arg12[%select_n3A, %select_n3A_551, %broadcast_in_dim3A_701], %gather3A_702 masked %ge3A_498 : memref<8x50x64xf32, #tpu.memory_space<vmem>>[vector<16xi32>, vector<16xi32>, vector<16xi32>], vector<16xf32>, vector<16xi1>
            %broadcast_in_dim3A_703 = arith.constant 51 : i32
            %broadcast_in_dim3A_704 = vector.broadcast %broadcast_in_dim3A_703 : i32 to vector<16xi32>
            %gather3A_705 = tpu.vector_load_idx %arg6[%max3A_502, %broadcast_in_dim3A_704] masked %ge3A_498 : memref<1000x64xf32, #tpu.memory_space<vmem>>[vector<16xi32>, vector<16xi32>], vector<16xf32>, vector<16xi1>
            tpu.vector_store_idx %arg12[%select_n3A, %select_n3A_551, %broadcast_in_dim3A_704], %gather3A_705 masked %ge3A_498 : memref<8x50x64xf32, #tpu.memory_space<vmem>>[vector<16xi32>, vector<16xi32>, vector<16xi32>], vector<16xf32>, vector<16xi1>
            %broadcast_in_dim3A_706 = arith.constant 52 : i32
            %broadcast_in_dim3A_707 = vector.broadcast %broadcast_in_dim3A_706 : i32 to vector<16xi32>
            %gather3A_708 = tpu.vector_load_idx %arg6[%max3A_502, %broadcast_in_dim3A_707] masked %ge3A_498 : memref<1000x64xf32, #tpu.memory_space<vmem>>[vector<16xi32>, vector<16xi32>], vector<16xf32>, vector<16xi1>
            tpu.vector_store_idx %arg12[%select_n3A, %select_n3A_551, %broadcast_in_dim3A_707], %gather3A_708 masked %ge3A_498 : memref<8x50x64xf32, #tpu.memory_space<vmem>>[vector<16xi32>, vector<16xi32>, vector<16xi32>], vector<16xf32>, vector<16xi1>
            %broadcast_in_dim3A_709 = arith.constant 53 : i32
            %broadcast_in_dim3A_710 = vector.broadcast %broadcast_in_dim3A_709 : i32 to vector<16xi32>
            %gather3A_711 = tpu.vector_load_idx %arg6[%max3A_502, %broadcast_in_dim3A_710] masked %ge3A_498 : memref<1000x64xf32, #tpu.memory_space<vmem>>[vector<16xi32>, vector<16xi32>], vector<16xf32>, vector<16xi1>
            tpu.vector_store_idx %arg12[%select_n3A, %select_n3A_551, %broadcast_in_dim3A_710], %gather3A_711 masked %ge3A_498 : memref<8x50x64xf32, #tpu.memory_space<vmem>>[vector<16xi32>, vector<16xi32>, vector<16xi32>], vector<16xf32>, vector<16xi1>
            %broadcast_in_dim3A_712 = arith.constant 54 : i32
            %broadcast_in_dim3A_713 = vector.broadcast %broadcast_in_dim3A_712 : i32 to vector<16xi32>
            %gather3A_714 = tpu.vector_load_idx %arg6[%max3A_502, %broadcast_in_dim3A_713] masked %ge3A_498 : memref<1000x64xf32, #tpu.memory_space<vmem>>[vector<16xi32>, vector<16xi32>], vector<16xf32>, vector<16xi1>
            tpu.vector_store_idx %arg12[%select_n3A, %select_n3A_551, %broadcast_in_dim3A_713], %gather3A_714 masked %ge3A_498 : memref<8x50x64xf32, #tpu.memory_space<vmem>>[vector<16xi32>, vector<16xi32>, vector<16xi32>], vector<16xf32>, vector<16xi1>
            %broadcast_in_dim3A_715 = arith.constant 55 : i32
            %broadcast_in_dim3A_716 = vector.broadcast %broadcast_in_dim3A_715 : i32 to vector<16xi32>
            %gather3A_717 = tpu.vector_load_idx %arg6[%max3A_502, %broadcast_in_dim3A_716] masked %ge3A_498 : memref<1000x64xf32, #tpu.memory_space<vmem>>[vector<16xi32>, vector<16xi32>], vector<16xf32>, vector<16xi1>
            tpu.vector_store_idx %arg12[%select_n3A, %select_n3A_551, %broadcast_in_dim3A_716], %gather3A_717 masked %ge3A_498 : memref<8x50x64xf32, #tpu.memory_space<vmem>>[vector<16xi32>, vector<16xi32>, vector<16xi32>], vector<16xf32>, vector<16xi1>
            %broadcast_in_dim3A_718 = arith.constant 56 : i32
            %broadcast_in_dim3A_719 = vector.broadcast %broadcast_in_dim3A_718 : i32 to vector<16xi32>
            %gather3A_720 = tpu.vector_load_idx %arg6[%max3A_502, %broadcast_in_dim3A_719] masked %ge3A_498 : memref<1000x64xf32, #tpu.memory_space<vmem>>[vector<16xi32>, vector<16xi32>], vector<16xf32>, vector<16xi1>
            tpu.vector_store_idx %arg12[%select_n3A, %select_n3A_551, %broadcast_in_dim3A_719], %gather3A_720 masked %ge3A_498 : memref<8x50x64xf32, #tpu.memory_space<vmem>>[vector<16xi32>, vector<16xi32>, vector<16xi32>], vector<16xf32>, vector<16xi1>
            %broadcast_in_dim3A_721 = arith.constant 57 : i32
            %broadcast_in_dim3A_722 = vector.broadcast %broadcast_in_dim3A_721 : i32 to vector<16xi32>
            %gather3A_723 = tpu.vector_load_idx %arg6[%max3A_502, %broadcast_in_dim3A_722] masked %ge3A_498 : memref<1000x64xf32, #tpu.memory_space<vmem>>[vector<16xi32>, vector<16xi32>], vector<16xf32>, vector<16xi1>
            tpu.vector_store_idx %arg12[%select_n3A, %select_n3A_551, %broadcast_in_dim3A_722], %gather3A_723 masked %ge3A_498 : memref<8x50x64xf32, #tpu.memory_space<vmem>>[vector<16xi32>, vector<16xi32>, vector<16xi32>], vector<16xf32>, vector<16xi1>
            %broadcast_in_dim3A_724 = arith.constant 58 : i32
            %broadcast_in_dim3A_725 = vector.broadcast %broadcast_in_dim3A_724 : i32 to vector<16xi32>
            %gather3A_726 = tpu.vector_load_idx %arg6[%max3A_502, %broadcast_in_dim3A_725] masked %ge3A_498 : memref<1000x64xf32, #tpu.memory_space<vmem>>[vector<16xi32>, vector<16xi32>], vector<16xf32>, vector<16xi1>
            tpu.vector_store_idx %arg12[%select_n3A, %select_n3A_551, %broadcast_in_dim3A_725], %gather3A_726 masked %ge3A_498 : memref<8x50x64xf32, #tpu.memory_space<vmem>>[vector<16xi32>, vector<16xi32>, vector<16xi32>], vector<16xf32>, vector<16xi1>
            %broadcast_in_dim3A_727 = arith.constant 59 : i32
            %broadcast_in_dim3A_728 = vector.broadcast %broadcast_in_dim3A_727 : i32 to vector<16xi32>
            %gather3A_729 = tpu.vector_load_idx %arg6[%max3A_502, %broadcast_in_dim3A_728] masked %ge3A_498 : memref<1000x64xf32, #tpu.memory_space<vmem>>[vector<16xi32>, vector<16xi32>], vector<16xf32>, vector<16xi1>
            tpu.vector_store_idx %arg12[%select_n3A, %select_n3A_551, %broadcast_in_dim3A_728], %gather3A_729 masked %ge3A_498 : memref<8x50x64xf32, #tpu.memory_space<vmem>>[vector<16xi32>, vector<16xi32>, vector<16xi32>], vector<16xf32>, vector<16xi1>
            %broadcast_in_dim3A_730 = arith.constant 60 : i32
            %broadcast_in_dim3A_731 = vector.broadcast %broadcast_in_dim3A_730 : i32 to vector<16xi32>
            %gather3A_732 = tpu.vector_load_idx %arg6[%max3A_502, %broadcast_in_dim3A_731] masked %ge3A_498 : memref<1000x64xf32, #tpu.memory_space<vmem>>[vector<16xi32>, vector<16xi32>], vector<16xf32>, vector<16xi1>
            tpu.vector_store_idx %arg12[%select_n3A, %select_n3A_551, %broadcast_in_dim3A_731], %gather3A_732 masked %ge3A_498 : memref<8x50x64xf32, #tpu.memory_space<vmem>>[vector<16xi32>, vector<16xi32>, vector<16xi32>], vector<16xf32>, vector<16xi1>
            %broadcast_in_dim3A_733 = arith.constant 61 : i32
            %broadcast_in_dim3A_734 = vector.broadcast %broadcast_in_dim3A_733 : i32 to vector<16xi32>
            %gather3A_735 = tpu.vector_load_idx %arg6[%max3A_502, %broadcast_in_dim3A_734] masked %ge3A_498 : memref<1000x64xf32, #tpu.memory_space<vmem>>[vector<16xi32>, vector<16xi32>], vector<16xf32>, vector<16xi1>
            tpu.vector_store_idx %arg12[%select_n3A, %select_n3A_551, %broadcast_in_dim3A_734], %gather3A_735 masked %ge3A_498 : memref<8x50x64xf32, #tpu.memory_space<vmem>>[vector<16xi32>, vector<16xi32>, vector<16xi32>], vector<16xf32>, vector<16xi1>
            %broadcast_in_dim3A_736 = arith.constant 62 : i32
            %broadcast_in_dim3A_737 = vector.broadcast %broadcast_in_dim3A_736 : i32 to vector<16xi32>
            %gather3A_738 = tpu.vector_load_idx %arg6[%max3A_502, %broadcast_in_dim3A_737] masked %ge3A_498 : memref<1000x64xf32, #tpu.memory_space<vmem>>[vector<16xi32>, vector<16xi32>], vector<16xf32>, vector<16xi1>
            tpu.vector_store_idx %arg12[%select_n3A, %select_n3A_551, %broadcast_in_dim3A_737], %gather3A_738 masked %ge3A_498 : memref<8x50x64xf32, #tpu.memory_space<vmem>>[vector<16xi32>, vector<16xi32>, vector<16xi32>], vector<16xf32>, vector<16xi1>
            %broadcast_in_dim3A_739 = arith.constant 63 : i32
            %broadcast_in_dim3A_740 = vector.broadcast %broadcast_in_dim3A_739 : i32 to vector<16xi32>
            %gather3A_741 = tpu.vector_load_idx %arg6[%max3A_502, %broadcast_in_dim3A_740] masked %ge3A_498 : memref<1000x64xf32, #tpu.memory_space<vmem>>[vector<16xi32>, vector<16xi32>], vector<16xf32>, vector<16xi1>
            tpu.vector_store_idx %arg12[%select_n3A, %select_n3A_551, %broadcast_in_dim3A_740], %gather3A_741 masked %ge3A_498 : memref<8x50x64xf32, #tpu.memory_space<vmem>>[vector<16xi32>, vector<16xi32>, vector<16xi32>], vector<16xf32>, vector<16xi1>
          } else {
          }
          %scan3A_495 = arith.constant 0 : i32
          scf.yield %scan3A_495 : i32
        }
        %scan3A_477 = arith.constant 25 : i32
      } else {
      }
      %mul3A_462 = arith.constant 8 : i32
      %mul3A_463 = arith.muli %add3A_360, %mul3A_462 : i32
      %add3A_464 = arith.addi %mul3A_2, %mul3A_463 : i32
      %dma_start3A_465 = arith.constant 0 : i32
      %dma_start3A_466 = arith.constant 0 : i32
      %dma_start3A_467 = tpu.memref_slice %arg5[%add3A_464, %dma_start3A_465, %dma_start3A_466] : memref<16384x56x128xf32, #tpu.memory_space<hbm>> -> memref<8x50x64xf32, #tpu.memory_space<hbm>>
      %dma_start3A_468 = arith.constant 0 : i32
      %dma_start3A_469 = arith.constant 0 : i32
      %dma_start3A_470 = tpu.memref_slice %arg5[%add3A_464, %dma_start3A_468, %dma_start3A_469] : memref<16384x56x128xf32, #tpu.memory_space<hbm>> -> memref<8x50x64xf32, #tpu.memory_space<hbm>>
      tpu.enqueue_dma source(%arg12 : memref<8x50x64xf32, #tpu.memory_space<vmem>>) target(%dma_start3A_470 : memref<8x50x64xf32, #tpu.memory_space<hbm>>) target_semaphore(%arg16 : memref<!tpu.dma_semaphore, #tpu.memory_space<semaphore_mem>>)
      scf.yield %cond3A_358 : i32
    }
    %scan3A_113 = arith.constant 32 : i32
    %add3A_114 = arith.constant 496 : i32
    %add3A_115 = arith.addi %mul3A_2, %add3A_114 : i32
    %dma_wait3A = arith.constant 0 : i32
    %dma_wait3A_116 = arith.constant 0 : i32
    %dma_wait3A_117 = tpu.memref_slice %arg5[%add3A_115, %dma_wait3A, %dma_wait3A_116] : memref<16384x56x128xf32, #tpu.memory_space<hbm>> -> memref<8x50x64xf32, #tpu.memory_space<hbm>>
    %dma_wait3A_118 = arith.constant 0 : i32
    %dma_wait3A_119 = arith.constant 0 : i32
    %dma_wait3A_120 = tpu.memref_slice %arg5[%add3A_115, %dma_wait3A_118, %dma_wait3A_119] : memref<16384x56x128xf32, #tpu.memory_space<hbm>> -> memref<8x50x64xf32, #tpu.memory_space<hbm>>
    tpu.wait_dma2 semaphore(%arg15 : memref<!tpu.dma_semaphore, #tpu.memory_space<semaphore_mem>>) src(%arg11 : memref<8x50x64xf32, #tpu.memory_space<vmem>>) dst(%dma_wait3A_120 : memref<8x50x64xf32, #tpu.memory_space<hbm>>)
    %add3A_121 = arith.constant 504 : i32
    %add3A_122 = arith.addi %mul3A_2, %add3A_121 : i32
    %dma_wait3A_123 = arith.constant 0 : i32
    %dma_wait3A_124 = arith.constant 0 : i32
    %dma_wait3A_125 = tpu.memref_slice %arg5[%add3A_122, %dma_wait3A_123, %dma_wait3A_124] : memref<16384x56x128xf32, #tpu.memory_space<hbm>> -> memref<8x50x64xf32, #tpu.memory_space<hbm>>
    %dma_wait3A_126 = arith.constant 0 : i32
    %dma_wait3A_127 = arith.constant 0 : i32
    %dma_wait3A_128 = tpu.memref_slice %arg5[%add3A_122, %dma_wait3A_126, %dma_wait3A_127] : memref<16384x56x128xf32, #tpu.memory_space<hbm>> -> memref<8x50x64xf32, #tpu.memory_space<hbm>>
    tpu.wait_dma2 semaphore(%arg16 : memref<!tpu.dma_semaphore, #tpu.memory_space<semaphore_mem>>) src(%arg12 : memref<8x50x64xf32, #tpu.memory_space<vmem>>) dst(%dma_wait3A_128 : memref<8x50x64xf32, #tpu.memory_space<hbm>>)
    return
  }
}

</mosaic_0001>

<sc_bundles>
// kernel: kernel.3.cloned.1.call-start
scs
__scs_entry_jumppad:
0x0: {  	(pc) =	sbr.rel $0x88, $3  }
0x1: {  	(tag) =	ssettag $0x0;
	lr =	simm.s32 $0x1  }
0x2: {  	[smem:$0x3F9E] =	sst lr;
	_ =	strace $0xD0000000  }
0x3: {  	_ = 	snop  }
0x4: {  	_ = 	snop  }
0x5: {  	_ = 	snop  }
0x6: {  	_ = 	snop  }
0x7: {  	_ = 	snop  }
__scs_overlays_trampoline_lowered:
0x8: {  	[smem:$0x3FAD] =	sst s0  }
0x9: {  	[smem:$0x3FAE] =	sst s1  }
0xa: {  	[smem:$0x3FAF] =	sst s2  }
0xb: {  	[smem:$0x3FB0] =	sst s3  }
0xc: {  	[smem:$0x3FB1] =	sst s4  }
0xd: {  	[smem:$0x3FB2] =	sst s5  }
0xe: {  	[smem:$0x3FB3] =	sst s6  }
0xf: {  	[smem:$0x3FB4] =	sst s7  }
0x10: {  	[smem:$0x3FB5] =	sst s8  }
0x11: {  	[smem:$0x3FB6] =	sst s9;
	s0 =	simm.s32 @!p0 $0x0  }
0x12: {  	s1 =	sld [smem:$0x3F9C];
	s0 =	simm.s32 @p0 $0x1  }
0x13: {  	[smem:$0x3FB7] =	sst s0;
	s0 =	simm.s32 @!p1 $0x0  }
0x14: {  	s2 =	sld [smem:$0x3F9B];
	s0 =	simm.s32 @p1 $0x1  }
0x15: {  	[smem:$0x3FB8] =	sst s0;
	s0 =	simm.s32 @!p2 $0x0  }
0x16: {  	s3 =	sld [smem:$0x3FDB];
	s0 =	simm.s32 @p2 $0x1  }
0x17: {  	s4 =	simm.s32 $0x1BF5;
	[smem:$0x3FBA] =	sst s0  }
0x18: {  	s0 =	sld [smem:$0x3F9D];
	_ =	swait.ge [sflag:s4], $0x0  }
0x19: {  	s7 =	sld [smem:$0x3F9E]  }
0x1a: {  	s8 =	sadd.s32 $0xFFFFE003, lr  }
0x1b: {  	s9 =	sadd.s32 $0xFFFFFEF7, lr;
	s5 =	simm.s32 $0xFFFFFFFF;
	p2 =	slt.u32 s8, $0xFFFFF086  }
0x1c: {  	p1 =	slt.u32 s9, $0xF7A;
	s5 =	simm.s32 @!p2 $0x0  }
0x1d: {  	s5 =	simm.s32 @p1 $0x1;
	p0 =	seq.s32 s7, s2  }
0x1e: {  	s7 =	smul.u32 @!p0 $0xF7A, s2;
	p2 =	seq.s32 @!p0 s5, $0x0  }
0x1f: {  	s9 =	smul.u32 $0xF7A, s1;
	s8 =	simm.s32 @!p0 $0x1BF5;
	p2 =	por !p2, p0  }
0x20: {  	[sflag:s8] =	ssyncset.s32 @!p0 $0xFFFFF086;
	s6 =	sadd.s32 @!p0 s3, s7;
	s7 =	simm.s32 @!p0 $0x108  }
0x21: {  	s3 =	sadd.s32 s3, s9;
	s6 =	sadd.s32 @!p0 $0x88, s6;
	s7 =	simm.s32 @p2 $0x1082  }
0x22: {  	[simem:s7], [sflag:s8] =	dma.local @!p0 [hbm:s6], $0xF7A  }
0x23: {  	s9 =	sor.u32 $0xD0000000, s2;
	s6 =	simm.s32 $0x108;
	_ =	swait.ge @!p0 [sflag:s8], $0x0  }
0x24: {  	s3 =	sadd.s32 $0x88, s3;
	s6 =	simm.s32 @!p1 $0x1082;
	[sflag:s4] =	ssyncset.s32 $0xFFFFF086  }
0x25: {  	[simem:s6], [sflag:s4] =	dma.local [hbm:s3], $0xF7A  }
0x26: {  	[smem:$0x3F9E] =	sst s1;
	(tag) =	ssettag s2;
	_ =	strace s9  }
0x27: {  	s1 =	sld [smem:$0x3FAE]  }
0x28: {  	s2 =	sld [smem:$0x3FAF]  }
0x29: {  	s4 =	sld [smem:$0x3FB1]  }
0x2a: {  	p0 =	seq.s32 s5, $0x0;
	s5 =	sld [smem:$0x3FB2]  }
0x2b: {  	s6 =	sld [smem:$0x3FB3]  }
0x2c: {  	s7 =	sld [smem:$0x3FB4]  }
0x2d: {  	s3 =	simm.s32 $0x108;
	s8 =	sld [smem:$0x3FB5]  }
0x2e: {  	s3 =	simm.s32 @!p0 $0x1082;
	s9 =	sld [smem:$0x3FB6]  }
0x2f: {  	lr =	sadd.s32 s0, s3;
	s0 =	sld [smem:$0x3FAD]  }
0x30: {  	s3 =	sld [smem:$0x3FB0]  }
0x31: {  	[smem:$0x3FB9] =	sst s10  }
0x32: {  	s10 =	sld [smem:$0x3FB7];
	_ =	sdelay $0x3  }
0x33: {  	p0 =	seq.s32 s10, $0x1;
	s10 =	sld [smem:$0x3FB9];
	_ =	sdelay $0x3  }
0x34: {  	[smem:$0x3FB9] =	sst s10  }
0x35: {  	s10 =	sld [smem:$0x3FB8];
	_ =	sdelay $0x3  }
0x36: {  	p1 =	seq.s32 s10, $0x1;
	s10 =	sld [smem:$0x3FB9];
	_ =	sdelay $0x3  }
0x37: {  	[smem:$0x3FB9] =	sst s10  }
0x38: {  	s10 =	sld [smem:$0x3FBA]  }
0x39: {  	_ = 	snop;
	(pc) =	sbr.ind lr, $3  }
0x3a: {  	_ = 	snop  }
0x3b: {  	_ = 	snop  }
0x3c: {  	p2 =	seq.s32 s10, $0x1;
	s10 =	sld [smem:$0x3FB9]  }
0x3d: {  	_ =	shalt  }
0x3e: {  	_ =	shalt  }
0x3f: {  	_ =	shalt  }
0x40: {  	_ =	shalt  }
0x41: {  	_ =	shalt  }
0x42: {  	_ =	shalt  }
0x43: {  	_ =	shalt  }
0x44: {  	_ =	shalt  }
0x45: {  	_ =	shalt  }
0x46: {  	_ =	shalt  }
0x47: {  	_ =	shalt  }
0x48: {  	_ =	shalt  }
0x49: {  	_ =	shalt  }
0x4a: {  	_ =	shalt  }
0x4b: {  	_ =	shalt  }
0x4c: {  	_ =	shalt  }
0x4d: {  	_ =	shalt  }
0x4e: {  	_ =	shalt  }
0x4f: {  	_ =	shalt  }
0x50: {  	_ =	shalt  }
0x51: {  	_ =	shalt  }
0x52: {  	_ =	shalt  }
0x53: {  	_ =	shalt  }
0x54: {  	_ =	shalt  }
0x55: {  	_ =	shalt  }
0x56: {  	_ =	shalt  }
0x57: {  	_ =	shalt  }
0x58: {  	_ =	shalt  }
0x59: {  	_ =	shalt  }
0x5a: {  	_ =	shalt  }
0x5b: {  	_ =	shalt  }
0x5c: {  	_ =	shalt  }
0x5d: {  	_ =	shalt  }
0x5e: {  	_ =	shalt  }
0x5f: {  	_ =	shalt  }
0x60: {  	_ =	shalt  }
0x61: {  	_ =	shalt  }
0x62: {  	_ =	shalt  }
0x63: {  	_ =	shalt  }
0x64: {  	_ =	shalt  }
0x65: {  	_ =	shalt  }
0x66: {  	_ =	shalt  }
0x67: {  	_ =	shalt  }
0x68: {  	_ =	shalt  }
0x69: {  	_ =	shalt  }
0x6a: {  	_ =	shalt  }
0x6b: {  	_ =	shalt  }
0x6c: {  	_ =	shalt  }
0x6d: {  	_ =	shalt  }
0x6e: {  	_ =	shalt  }
0x6f: {  	_ =	shalt  }
0x70: {  	_ =	shalt  }
0x71: {  	_ =	shalt  }
0x72: {  	_ =	shalt  }
0x73: {  	_ =	shalt  }
0x74: {  	_ =	shalt  }
0x75: {  	_ =	shalt  }
0x76: {  	_ =	shalt  }
0x77: {  	_ =	shalt  }
0x78: {  	_ =	shalt  }
0x79: {  	_ =	shalt  }
0x7a: {  	_ =	shalt  }
0x7b: {  	_ =	shalt  }
0x7c: {  	_ =	shalt  }
0x7d: {  	_ =	shalt  }
0x7e: {  	_ =	shalt  }
0x7f: {  	_ =	shalt  }
0x80: {  	_ =	shalt  }
0x81: {  	_ =	shalt  }
0x82: {  	_ =	shalt  }
0x83: {  	_ =	shalt  }
0x84: {  	_ =	shalt  }
0x85: {  	_ =	shalt  }
0x86: {  	_ =	shalt  }
0x87: {  	_ =	shalt  }
.Lfunc_end0:
.L_simem_size_0:
called_computation.2_lowered:
.L_overlay_start_0:
0x88: {  	s2 =	sld [smem:$0x3FD9]  }
0x89: {  	s3 =	sld [smem:$0x3FFE];
	_ =	sdelay $0x1  }
0x8a: {  	s1 =	srdreg.scid  }
0x8b: {  	s0 =	sand.u32 $0x1, s1  }
0x8c: {  	s17 =	sshll.u32 s0, $0xA;
	s2 =	sadd.s32 s3, s2  }
0x8d: {  	s2 =	sadd.s32 s2, s17  }
0x8e: {  	[smem:$0x3FC5] =	sst s2  }
0x8f: {  	_ = 	snop  }
0x90: {  	s2 =	sld [smem:$0x3FD0];
	(tm) =	ssettm $0x1  }
0x91: {  	s18 =	sld [smem:$0x3FFB];
	_ =	sdelay $0x3  }
0x92: {  	_ =	strace s18  }
0x93: {  	s3 =	sld [smem:$0x3FFC];
	_ =	sdelay $0x3  }
0x94: {  	_ =	strace s3  }
0x95: {  	s3 =	sld [smem:$0x3FFD];
	_ =	sdelay $0x3  }
0x96: {  	_ =	strace s3  }
0x97: {  	_ =	strace $0x8FFFFFFF  }
0x98: {  	s19 =	sld [smem:$0x3FDB];
	_ =	sdelay $0x1  }
0x99: {  	s4 =	simm.s32 $_scs_section_size  }
0x9a: {  	s5 =	simm.s32 $_size__tile_overlayer_lowered;
	s6 =	simm.s32 $_tile_overlayer_lowered  }
0x9b: {  	s22 =	simm.s32 $0x1BFF;
	s21 =	sshll.u32 s6, $0x1;
	s3 =	sadd.s32 s4, s19  }
0x9c: {  	s7 =	simm.s32 $0x0;
	s20 =	sshll.u32 s5, $0x1;
	s5 =	sadd.s32 s21, s3  }
0x9d: {  	[timem:s7], [sflag:s22] =	dma.local [hbm:s5], s20  }
0x9e: {  	_ =	swait.ge [sflag:s22], s20  }
0x9f: {  	s4 =	ssub.s32 $0x0, s20;
	[sflag:s22] =	ssyncset.done $0x0  }
0xa0: {  	[sflag:s22] =	ssyncadd.s32 s4;
	_ =	sdelay $0x1  }
0xa1: {  	s23 =	simm.s32 $0x1B8B  }
0xa2: {  	_ =	swait.ge [sflag:s23], $0x1  }
0xa3: {  	[sflag:s23] =	ssyncset.done $0x0  }
0xa4: {  	s25 =	simm.s32 $0x1B8E;
	s24 =	sld [smem:$0x3FFE];
	[sflag:s23] =	ssyncadd.s32 $0xFFFFFFFF  }
0xa5: {  	s26 =	simm.s32 $execute0_lowered;
	[smem:$0x3FD2] =	sst s25  }
0xa6: {  	s5 =	sshll.u32 s26, $0x1;
	_ =	strace $0x80000049;
	[dreg:$0x1] =	wrdreg $0xFFFFFFFF  }
0xa7: {  	s28 =	simm.s32 $_size_execute0_lowered;
	s3 =	sadd.s32 s3, s5;
	[dreg:$0x0] =	wrdreg $0x0  }
0xa8: {  	s5 =	sshll.u32 s28, $0x1;
	[dreg:$0x2] =	wrdreg s3  }
0xa9: {  	[dreg:$0x3] =	wrdreg s5  }
0xaa: {  	[dreg:$0x4] =	wrdreg $0xC0  }
0xab: {  	_ =	task [dreg:s7], $0x5FFFF  }
0xac: {  	[dreg:$0x1] =	wrdreg $0xFFFFFFFF  }
0xad: {  	[dreg:$0x0] =	wrdreg $0x60  }
0xae: {  	[dreg:$0x2] =	wrdreg s24  }
0xaf: {  	[dreg:$0x3] =	wrdreg s2  }
0xb0: {  	[dreg:$0x4] =	wrdreg $0x9  }
0xb1: {  	_ =	task.clear_ibuf [dreg:s7], $0x5FFFF;
	_ =	strace $0x90000049  }
0xb2: {  	s29 =	simm.s32 $0x9;
	_ =	strace $0x8000004B  }
0xb3: {  	_ =	swait.ge [sflag:s29], $0x1  }
0xb4: {  	[sflag:s29] =	ssyncadd.s32 $0xFFFFFFFF  }
0xb5: {  	_ =	strace $0x9000004B  }
0xb6: {  	_ =	sfence  }
0xb7: {  	s30 =	sld [smem:$0x0];
	_ =	sdelay $0x2  }
0xb8: {  	s31 =	sshll.u32 s1, $0xD;
	s1 =	sshrl.u32 s1, $0x2  }
0xb9: {  	s3 =	sand.u32 $0x4000, s31;
	s1 =	sadd.s32 s1, s30  }
0xba: {  	s0 =	sor.u32 s3, s0;
	s1 =	sshll.u32 s1, $0x11  }
0xbb: {  	s0 =	sor.u32 s1, s0  }
0xbc: {  	s0 =	sadd.s32 $0x8F2B, s0  }
0xbd: {  	[sflag:s0] =	ssyncadd.remote.s32 $0x1  }
0xbe: {  	_ =	sfence.sel $0xFFFF  }
0xbf: {  	[dreg:$0x0] =	wrdreg $0xFFFFFFFF;
	(pc) =	sbr.abs _section_cstart, $3  }
0xc0: {  	[dreg:$0x1] =	wrdreg $0xFFFFFFFF  }
0xc1: {  	_ =	task.clear_ibuf [dreg:s7], $0x2FFFF;
	_ =	strace $0x9FFFFFFF  }
0xc2: {  	(tm) =	ssettm $0x7FFFFFFF  }
0xc3: {  	_ =	shalt  }
tec
execute0_lowered:
.L_overlay_start_1:
0x0: {  	(tag) =	ssettag $0x1  }
0x1: {  	s0 =	rddreg [dreg:$0x0]  }
0x2: {  	s7 =	rddreg [dreg:$0x1];
	s3 =	simm.s32 $0x0;
	s1 =	srdreg.scid  }
0x3: {  	s2 =	stileid.u32;
	s13 =	simm.s32 $0x6;
	s14 =	simm.s32 $0xFD20  }
0x4: {  	s15 =	simm.s32 $0x32;
	s16 =	simm.s32 $0x100A0;
	s12 =	simm.s32 $0x17DA0  }
0x5: {  	s19 =	simm.s32 $0x18A20;
	s23 =	simm.s32 $0x196A0;
	s28 =	simm.s32 $0x1A320  }
0x6: {  	s9 =	simm.s32 $0x1AFA0;
	s10 =	simm.s32 $0x1BC20;
	s17 =	simm.s32 $0x1  }
0x7: {  	s21 =	simm.s32 $0x40;
	s30 =	simm.s32 $0x2;
	[smem:$0x7FF] =	sst s3  }
0x8: {  	s1 =	sand.u32 $0x1, s1;
	s2 =	sshll.u32 s2, $0x1;
	s4 =	sadd.s32 $0xF45400, s0  }
0x9: {  	s6 =	sadd.s32 $0xF43400, s0;
	_ =	strace $0x8000004A;
	s2 =	sor.u32 s1, s2  }
0xa: {  	s1 =	ssub.s32 $0x2, s1;
	[dreg:$0x3] =	wrdreg s6;
	s6 =	sadd.s32 $0x1000, s0  }
0xb: {  	s5 =	smul.u32 $0xC80, s2;
	s24 =	sshrl.u32 s1, $0x1;
	s25 =	sshll.u32 s2, $0x9  }
.Ltmp0:
0xc: {  	s29 =	sor.u32 $0x10, s25;
	[dreg:$0x4] =	wrdreg s25;
	(pc) =	sbr.rel .LBB2_1-.Ltmp0, $4  }
0xd: {  	s0 =	ssub.s32 s1, s24;
	s31 =	sor.u32 $0x8, s25;
	[dreg:$0x6] =	wrdreg s29  }
0xe: {  	s1 =	simm.s32 $0x164A0;
	s26 =	sadd.s32 s7, s5;
	[dreg:$0x8] =	wrdreg s31  }
0xf: {  	s25 =	simm.s32 $0x80;
	s0 =	smax.u32 s0, $0x1;
	[dreg:$0x5] =	wrdreg s26  }
0x10: {  	v0 =	vlaneseq.u32;
	v1 =	vimm.s32 $0x0;
	s7 =	simm.s32 $0x0;
	[dreg:$0x7] =	wrdreg s0;
	s0 =	simm.s32 $0xFEE0  }
.LBB2_20:
0x11: {  	s2 =	simm.s32 $0x3  }
0x12: {  	_ =	swait.ge [sflag:s2], $0x6400  }
0x13: {  	[sflag:s2] =	ssyncset.done $0x0  }
0x14: {  	s5 =	simm.s32 $0x4;
	[sflag:s2] =	ssyncadd.s32 $0xFFFF9C00  }
0x15: {  	_ =	swait.ge [sflag:s5], $0x6400  }
0x16: {  	s7 =	rddreg [dreg:$0x9]  }
0x17: {  	s31 =	rddreg [dreg:$0x7];
	s7 =	sadd.s32 $0x1, s7  }
0x18: {  	p0 =	sne.s32 s7, s31  }
.Ltmp1:
0x19: {  	_ = 	snop;
	(pc) =	sbr.rel @!p0 .LBB2_21-.Ltmp1, $3  }
0x1a: {  	_ =	sdelay $0x1  }
0x1b: {  	[sflag:s5] =	ssyncset.done $0x0  }
0x1c: {  	[sflag:s5] =	ssyncadd.s32 $0xFFFF9C00  }
.LBB2_1:
0x1d: {  	v2 =	vor.u32 s3, v0  }
0x1e: {  	[dreg:$0x9] =	wrdreg s7;
	v3 =	vmulhi.u32 $0x51EB851F, v2  }
0x1f: {  	s2 =	rddreg [dreg:$0x3];
	s20 =	simm.s32 $0x5  }
0x20: {  	[tilespmem:s3], [sflag:$0x5] =	stream.linear.gather [hbm4b:s2+s3], $0xFA00, $0x38;
	v3 =	vshrl.u32 v3, $0x4;
	[tilespmem:$0x1C8A0] =	vst v63  }
0x21: {  	_ =	swait.ge [sflag:s20], $0xFA00;
	v4 =	vmul.u32 $0xFFFFFFCE, v3  }
0x22: {  	[sflag:s20] =	ssyncset.done $0x0  }
0x23: {  	s22 =	simm.s32 $0xFA00;
	v5 =	vmov s3;
	s5 =	rddreg [dreg:$0x5];
	[sflag:s20] =	ssyncadd.s32 $0xFFFF0600;
	v2 =	vadd.s32 v2, v4  }
0x24: {  	vm0 =	veq.s32 v5, v0;
	[tilespmem:s22], [sflag:$0x6] =	stream.linear.gather [hbm4b:s5+s3], $0x190, $0x38;
	vm1 =	vne.s32 v2, $0x0;
	[tilespmem:$0x1C8A0] =	vst v63  }
0x25: {  	_ =	swait.ge [sflag:s13], $0x190;
	vm0 =	vmand vm0, vm1  }
0x26: {  	[sflag:s13] =	ssyncset.done $0x0;
	v4 =	vsel vm0, $0xFFFFFFFF, v1  }
0x27: {  	s24 =	simm.s32 $0x10;
	[sflag:s13] =	ssyncadd.s32 $0xFFFFFE70;
	v3 =	vadd.s32 v4, v3  }
0x28: {  	v5 =	vor.u32 s24, v0;
	v4 =	vld [tilespmem:s22+$0x0];
	v3 =	vmul.u32 $0x38, v3  }
0x29: {  	v7 =	vmulhi.u32 $0x51EB851F, v5;
	v6 =	vand.u32 $0x38, v2  }
0x2a: {  	v2 =	vand.u32 $0x7, v2;
	v3 =	vadd.s32 v6, v3  }
0x2b: {  	v2 =	vor.u32 v2, v3;
	v3 =	vshrl.u32 v7, $0x4  }
0x2c: {  	v6 =	vmul.u32 $0xFFFFFFCE, v3  }
0x2d: {  	s26 =	simm.s32 $0x20;
	v7 =	vmov s24;
	vm0 =	vlt.s32 v4, $0xF423F  }
0x2e: {  	v8 =	vnsel vm0, $0xF423F, v4;
	v5 =	vadd.s32 v5, v6;
	v6 =	vor.u32 s26, v0  }
0x2f: {  	vm0 =	veq.s32 v7, v0;
	v8 =	vshll.u32 v8, $0x1;
	v7 =	vmulhi.u32 $0x51EB851F, v6  }
0x30: {  	s29 =	simm.s32 $0xFA10;
	vm1 =	vne.s32 v5, $0x0;
	[tilespmem:v2+s14+$0x0] =	vst.idx.msk $0xffff, v8  }
0x31: {  	vm0 =	vmand vm0, vm1;
	v2 =	vld [tilespmem:s29+$0x0];
	v7 =	vshrl.u32 v7, $0x4  }
0x32: {  	v59 =	vsel vm0, $0xFFFFFFFF, v1;
	v60 =	vmul.u32 $0xFFFFFFCE, v7  }
0x33: {  	v61 =	vmov s26;
	v4 =	vxor.u32 $0x80000000, v4;
	v3 =	vadd.s32 v59, v3  }
0x34: {  	(xrf0) =	vmax.scan.msk.u32 $0xffff, v4;
	v9 =	vand.u32 $0x38, v5;
	v3 =	vmul.u32 $0x38, v3;
	v6 =	vadd.s32 v6, v60  }
0x35: {  	v5 =	vand.u32 $0x7, v5;
	vm0 =	veq.s32 v61, v0;
	vm1 =	vne.s32 v6, $0x0  }
0x36: {  	s31 =	simm.s32 $0x30;
	v3 =	vadd.s32 v9, v3;
	v4 =	vxor.u32 $0x80000000, v2;
	vm0 =	vmand vm0, vm1  }
0x37: {  	v62 =	vor.u32 s31, v0;
	(xrf0) =	vmax.scan.msk.u32 $0xffff, v4;
	v4 =	vor.u32 v5, v3;
	v3 =	vsel vm0, $0xFFFFFFFF, v1  }
0x38: {  	v5 =	vmulhi.u32 $0x51EB851F, v62;
	v3 =	vadd.s32 v3, v7  }
0x39: {  	v7 =	vmul.u32 $0x38, v3  }
0x3a: {  	v63, _, _ =	vpop (xrf0);
	v3 =	vshrl.u32 v5, $0x4;
	v5 =	vand.u32 $0x38, v6;
	v6 =	vand.u32 $0x7, v6  }
0x3b: {  	(v2sf) =	vpush v63, $0xF  }
0x3c: {  	vm0 =	vlt.s32 v2, $0xF423F;
	v5 =	vadd.s32 v5, v7  }
0x3d: {  	v2 =	vnsel vm0, $0xF423F, v2;
	v5 =	vor.u32 v6, v5;
	v6, _, _ =	vpop (xrf0)  }
0x3e: {  	v2 =	vshll.u32 v2, $0x1;
	(v2sf) =	vpush v6, $0xF  }
0x3f: {  	s22 =	simm.s32 $0xFA20;
	[tilespmem:v4+s14+$0x0] =	vst.idx.msk $0xffff, v2  }
0x40: {  	v2 =	vld [tilespmem:s22+$0x0]  }
0x41: {  	v7 =	vmul.u32 $0xFFFFFFCE, v3  }
0x42: {  	s18 =	simm.s32 $0x0;
	v4 =	vmov s31  }
0x43: {  	s2 =	simm.s32 $0x50;
	s20 =	simm.s32 $0x40;
	s5 =	simm.s32 $0x60;
	vm0 =	veq.s32 v4, v0;
	v4 =	vadd.s32 v62, v7  }
.LBB2_2:
0x44: {  	s7 =	smov.u32 s18  }
0x45: {  	p0 =	sne.s32 s5, $0x180;
	vm1 =	vne.s32 v4, $0x0;
	vm2 =	vlt.s32 v2, $0xF423F;
	v6 =	vxor.u32 $0x80000000, v2  }
0x46: {  	vm0 =	vmand vm0, vm1;
	v2 =	vnsel vm2, $0xF423F, v2;
	(xrf0) =	vmax.scan.msk.u32 $0xffff, v6  }
0x47: {  	v6 =	vor.u32 s20, v0;
	v7 =	vsel vm0, $0xFFFFFFFF, v1;
	v2 =	vshll.u32 v2, $0x1  }
0x48: {  	s22 =	sadd.s32 $0x10, s22;
	v8 =	vmulhi.u32 $0x51EB851F, v6;
	v3 =	vadd.s32 v7, v3;
	[tilespmem:v5+s14+$0x0] =	vst.idx.msk $0xffff, v2  }
.Ltmp2:
0x49: {  	v5 =	vmul.u32 $0x38, v3;
	v2 =	vld [tilespmem:s22+$0x0];
	(pc) =	sbr.rel @p0 .LBB2_2-.Ltmp2, $4  }
0x4a: {  	v7 =	vand.u32 $0x38, v4;
	v3 =	vshrl.u32 v8, $0x4;
	s18 =	spop (v2sf)  }
0x4b: {  	v4 =	vand.u32 $0x7, v4;
	v8 =	vmul.u32 $0xFFFFFFCE, v3;
	v5 =	vadd.s32 v7, v5;
	s18 =	sxor.u32 $0x80000000, s18  }
0x4c: {  	v7 =	vmov s20;
	s20 =	smov.u32 s2;
	s2 =	smov.u32 s5;
	v5 =	vor.u32 v4, v5;
	v9, _, _ =	vpop (xrf0);
	p1 =	sgt.s32 s7, s18  }
0x4d: {  	s5 =	sadd.s32 $0x10, s5;
	vm0 =	veq.s32 v7, v0;
	v4 =	vadd.s32 v6, v8;
	(v2sf) =	vpush v9, $0xF;
	s18 =	smov.u32 @p1 s7  }
0x4e: {  	_ = 	snop  }
0x4f: {  	vm1 =	vne.s32 v4, $0x0;
	vm2 =	vlt.s32 v2, $0xF423F  }
0x50: {  	vm0 =	vmand vm0, vm1;
	v6 =	vnsel vm2, $0xF423F, v2  }
0x51: {  	v7 =	vor.u32 s20, v0;
	v8 =	vsel vm0, $0xFFFFFFFF, v1;
	v6 =	vshll.u32 v6, $0x1  }
0x52: {  	s5 =	sadd.s32 $0x10, s22;
	v46 =	vmulhi.u32 $0x51EB851F, v7;
	v3 =	vadd.s32 v8, v3;
	[tilespmem:v5+s14+$0x0] =	vst.idx.msk $0xffff, v6  }
0x53: {  	v5 =	vld [tilespmem:s5+$0x0];
	v3 =	vmul.u32 $0x38, v3  }
0x54: {  	v48 =	vand.u32 $0x38, v4;
	v47 =	vshrl.u32 v46, $0x4  }
0x55: {  	v50 =	vand.u32 $0x7, v4;
	v49 =	vmul.u32 $0xFFFFFFCE, v47;
	v3 =	vadd.s32 v48, v3  }
0x56: {  	v3 =	vor.u32 v50, v3  }
0x57: {  	v51 =	vmov s20;
	v7 =	vadd.s32 v7, v49  }
0x58: {  	vm9 =	veq.s32 v51, v0;
	vm10 =	vne.s32 v7, $0x0;
	vm11 =	vlt.s32 v5, $0xF423F  }
0x59: {  	vm0 =	vmand vm9, vm10;
	v52 =	vnsel vm11, $0xF423F, v5  }
0x5a: {  	v53 =	vsel vm0, $0xFFFFFFFF, v1;
	v4 =	vshll.u32 v52, $0x1  }
0x5b: {  	s5 =	sadd.s32 $0x10, s5;
	v6 =	vadd.s32 v53, v47;
	[tilespmem:v3+s14+$0x0] =	vst.idx.msk $0xffff, v4  }
0x5c: {  	v54 =	vmul.u32 $0x38, v6;
	v3 =	vld [tilespmem:s5+$0x0]  }
0x5d: {  	v2 =	vxor.u32 $0x80000000, v2;
	v55 =	vand.u32 $0x38, v7  }
0x5e: {  	(xrf0) =	vmax.scan.msk.u32 $0xffff, v2;
	v7 =	vand.u32 $0x7, v7;
	v4 =	vadd.s32 v55, v54  }
0x5f: {  	v2 =	vor.u32 v7, v4;
	_ =	sdelay $0x1  }
0x60: {  	v57 =	vor.u32 s2, v0;
	v56 =	vxor.u32 $0x80000000, v5;
	vm12 =	vlt.s32 v3, $0xF423F  }
0x61: {  	v59 =	vmulhi.u32 $0x51EB851F, v57;
	(xrf0) =	vmax.scan.msk.u32 $0xffff, v56;
	v58 =	vnsel vm12, $0xF423F, v3  }
0x62: {  	v6 =	vshll.u32 v58, $0x1  }
0x63: {  	s5 =	sadd.s32 $0x10, s5;
	v4 =	vshrl.u32 v59, $0x4;
	[tilespmem:v2+s14+$0x0] =	vst.idx.msk $0xffff, v6;
	v2, _, _ =	vpop (xrf0)  }
0x64: {  	v3 =	vxor.u32 $0x80000000, v3;
	v6 =	vld [tilespmem:s5+$0x0];
	(v2sf) =	vpush v2, $0xF;
	v2 =	vmul.u32 $0xFFFFFFCE, v4  }
0x65: {  	(xrf0) =	vmax.scan.msk.u32 $0xffff, v3  }
0x66: {  	v3 =	vmov s2;
	v2 =	vadd.s32 v57, v2  }
0x67: {  	v60, _, _ =	vpop (xrf0);
	vm13 =	veq.s32 v3, v0;
	vm14 =	vne.s32 v2, $0x0  }
0x68: {  	(v2sf) =	vpush v60, $0xF;
	vm0 =	vmand vm13, vm14  }
0x69: {  	v3 =	vxor.u32 $0x80000000, v6;
	v61 =	vsel vm0, $0xFFFFFFFF, v1  }
0x6a: {  	(xrf0) =	vmax.scan.msk.u32 $0xffff, v3;
	v3 =	vadd.s32 v61, v4  }
0x6b: {  	v62, _, _ =	vpop (xrf0);
	v3 =	vmul.u32 $0x38, v3  }
0x6c: {  	v63 =	vand.u32 $0x38, v2;
	(v2sf) =	vpush v62, $0xF  }
0x6d: {  	v2 =	vand.u32 $0x7, v2;
	v3 =	vadd.s32 v63, v3  }
0x6e: {  	v2 =	vor.u32 v2, v3  }
0x6f: {  	s7 =	spop (v2sf)  }
0x70: {  	s11 =	simm.s32 $0xFD58;
	s20 =	simm.s32 $0xFD90;
	s2 =	sxor.u32 $0x80000000, s7;
	vm15 =	vlt.s32 v6, $0xF423F;
	v3, _, _ =	vpop (xrf0)  }
0x71: {  	s22 =	simm.s32 $0xFDC8;
	s8 =	spop (v2sf);
	p0 =	sgt.s32 s18, s2;
	(v2sf) =	vpush v3, $0xF;
	v3 =	vnsel vm15, $0xF423F, v6  }
0x72: {  	s24 =	simm.s32 $0x12620;
	s5 =	sxor.u32 $0x80000000, s8;
	s2 =	smov.u32 @p0 s18;
	v3 =	vshll.u32 v3, $0x1  }
0x73: {  	s29 =	simm.s32 $0xFE00;
	p0 =	sgt.s32 s2, s5;
	s7 =	spop (v2sf);
	[tilespmem:v2+s14+$0x0] =	vst.idx.msk $0xffff, v3  }
0x74: {  	[tilespmem:s16], [sflag:$0x1] =	stream.indirect.gather [hbm4b:s4+s15], $0x40, s14, s15, $0xb8;
	[tilespmem:$0x1C8A0] =	vst v63  }
0x75: {  	s8 =	simm.s32 $0x10D20;
	s5 =	smov.u32 @p0 s2;
	s2 =	sxor.u32 $0x80000000, s7  }
0x76: {  	[tilespmem:s8], [sflag:$0x1] =	stream.indirect.gather [hbm4b:s4+s15], $0x40, s11, s15, $0xb8;
	[tilespmem:$0x1C8A0] =	vst v63  }
0x77: {  	s18 =	spop (v2sf);
	p0 =	sgt.s32 s5, s2;
	s11 =	simm.s32 $0x119A0  }
0x78: {  	[tilespmem:s11], [sflag:$0x1] =	stream.indirect.gather [hbm4b:s4+s15], $0x40, s20, s15, $0xb8;
	[tilespmem:$0x1C8A0] =	vst v63  }
0x79: {  	s31 =	simm.s32 $0x132A0;
	s2 =	smov.u32 @p0 s5;
	s5 =	sxor.u32 $0x80000000, s18  }
0x7a: {  	[tilespmem:s24], [sflag:$0x1] =	stream.indirect.gather [hbm4b:s4+s15], $0x40, s22, s15, $0xb8;
	[tilespmem:$0x1C8A0] =	vst v63  }
0x7b: {  	s18 =	simm.s32 $0xFE38;
	p0 =	sgt.s32 s2, s5;
	s26 =	spop (v2sf)  }
0x7c: {  	[tilespmem:s31], [sflag:$0x1] =	stream.indirect.gather [hbm4b:s4+s15], $0x40, s29, s15, $0xb8;
	[tilespmem:$0x1C8A0] =	vst v63  }
0x7d: {  	s5 =	smov.u32 @p0 s2;
	s20 =	simm.s32 $0x13F20;
	s2 =	sxor.u32 $0x80000000, s26  }
0x7e: {  	[tilespmem:s20], [sflag:$0x1] =	stream.indirect.gather [hbm4b:s4+s15], $0x40, s18, s15, $0xb8;
	[tilespmem:$0x1C8A0] =	vst v63  }
0x7f: {  	s24 =	simm.s32 $0xFE70;
	s26 =	simm.s32 $0x14BA0;
	p0 =	sgt.s32 s5, s2  }
0x80: {  	[tilespmem:s26], [sflag:$0x1] =	stream.indirect.gather [hbm4b:s4+s15], $0x40, s24, s15, $0xb8;
	[tilespmem:$0x1C8A0] =	vst v63  }
.Ltmp3:
0x81: {  	s2 =	smov.u32 @p0 s5;
	s22 =	spop (v2sf);
	(pc) =	sbr.rel .LBB2_4-.Ltmp3, $4  }
0x82: {  	s29 =	simm.s32 $0xFEA8;
	s31 =	simm.s32 $0x15820;
	s22 =	sxor.u32 $0x80000000, s22  }
0x83: {  	[tilespmem:s31], [sflag:$0x1] =	stream.indirect.gather [hbm4b:s4+s15], $0x40, s29, s15, $0xb8;
	[tilespmem:$0x1C8A0] =	vst v63  }
0x84: {  	p0 =	sgt.s32 s2, s22  }
0x85: {  	s18 =	simm.s32 $0x0;
	s22 =	smov.u32 @p0 s2;
	s2 =	simm.s32 $0x0  }
.LBB2_19:
0x86: {  	s5 =	smul.u32 $0x380, s20;
	_ =	sdelay $0x1  }
0x87: {  	s5 =	sadd.s32 s6, s5  }
0x88: {  	[hbm4b:s5+s21] =	stream.strided.scatter [tilespmem:s1], [sflag:$0x4], $0xC80, s25, s21, $0x38;
	[tilespmem:$0x1C8A0] =	vst v63  }
0x89: {  	s8 =	simm.s32 $0x17120;
	s7 =	sadd.s32 $0x380, s5  }
0x8a: {  	[hbm4b:s7+s21] =	stream.strided.scatter [tilespmem:s8], [sflag:$0x4], $0xC80, s25, s21, $0x38;
	[tilespmem:$0x1C8A0] =	vst v63  }
0x8b: {  	s20 =	sadd.s32 $0x700, s5  }
0x8c: {  	[hbm4b:s20+s21] =	stream.strided.scatter [tilespmem:s12], [sflag:$0x4], $0xC80, s25, s21, $0x38;
	[tilespmem:$0x1C8A0] =	vst v63  }
0x8d: {  	s24 =	sadd.s32 $0xA80, s5  }
0x8e: {  	[hbm4b:s24+s21] =	stream.strided.scatter [tilespmem:s19], [sflag:$0x4], $0xC80, s25, s21, $0x38;
	[tilespmem:$0x1C8A0] =	vst v63  }
0x8f: {  	s18 =	sadd.s32 $0x1, s18;
	s26 =	sadd.s32 $0xE00, s5  }
0x90: {  	[hbm4b:s26+s21] =	stream.strided.scatter [tilespmem:s23], [sflag:$0x4], $0xC80, s25, s21, $0x38;
	[tilespmem:$0x1C8A0] =	vst v63  }
0x91: {  	p0 =	sne.s32 s18, $0x20;
	s29 =	sadd.s32 $0x1180, s5  }
0x92: {  	[hbm4b:s29+s21] =	stream.strided.scatter [tilespmem:s28], [sflag:$0x4], $0xC80, s25, s21, $0x38;
	[tilespmem:$0x1C8A0] =	vst v63  }
.Ltmp4:
0x93: {  	_ = 	snop;
	(pc) =	sbr.rel @!p0 .LBB2_20-.Ltmp4, $4  }
0x94: {  	s31 =	sadd.s32 $0x1500, s5  }
0x95: {  	[hbm4b:s31+s21] =	stream.strided.scatter [tilespmem:s9], [sflag:$0x4], $0xC80, s25, s21, $0x38;
	[tilespmem:$0x1C8A0] =	vst v63  }
0x96: {  	s5 =	sadd.s32 $0x1880, s5  }
0x97: {  	[hbm4b:s5+s21] =	stream.strided.scatter [tilespmem:s10], [sflag:$0x4], $0xC80, s25, s21, $0x38;
	[tilespmem:$0x1C8A0] =	vst v63  }
.LBB2_4:
0x98: {  	v2 =	vor.u32 s2, v0;
	s26 =	sshll.u32 s18, $0x4;
	p0 =	seq.s32 s18, $0x0;
	s5 =	rddreg [dreg:$0x8]  }
0x99: {  	v3 =	vmulhi.u32 $0x51EB851F, v2;
	s20 =	sor.u32 s5, s26;
	s5 =	simm.s32 @!p0 $0x4  }
0x9a: {  	_ =	swait.ge @!p0 [sflag:s5], $0x6400  }
0x9b: {  	s7 =	smul.u32 $0x32, s20;
	v3 =	vshrl.u32 v3, $0x4;
	[sflag:s5] =	ssyncset.done @!p0 $0x0  }
0x9c: {  	v4 =	vmul.u32 $0xFFFFFFCE, v3;
	[sflag:s5] =	ssyncadd.s32 @!p0 $0xFFFF9C00  }
0x9d: {  	s7 =	sshrl.u32 s7, $0x3;
	s5 =	rddreg [dreg:$0x1]  }
0x9e: {  	s11 =	simm.s32 $0xFB90;
	v5 =	vmov s2;
	s5 =	sadd.s32 s5, s7;
	v2 =	vadd.s32 v2, v4  }
0x9f: {  	vm0 =	veq.s32 v5, v0;
	[tilespmem:s11], [sflag:$0x6] =	stream.linear.gather [hbm4b:s5+s2], $0x190, $0x38;
	vm1 =	vne.s32 v2, $0x0;
	[tilespmem:$0x1C8A0] =	vst v63  }
0xa0: {  	_ =	swait.ge [sflag:s13], $0x190;
	vm0 =	vmand vm0, vm1  }
0xa1: {  	[sflag:s13] =	ssyncset.done $0x0;
	v4 =	vsel vm0, $0xFFFFFFFF, v1  }
0xa2: {  	s24 =	simm.s32 $0x10;
	[sflag:s13] =	ssyncadd.s32 $0xFFFFFE70;
	v3 =	vadd.s32 v4, v3  }
0xa3: {  	v5 =	vor.u32 s24, v0;
	v4 =	vld [tilespmem:s11+$0x0];
	v3 =	vmul.u32 $0x38, v3  }
0xa4: {  	v7 =	vmulhi.u32 $0x51EB851F, v5;
	v6 =	vand.u32 $0x38, v2  }
0xa5: {  	v2 =	vand.u32 $0x7, v2;
	v3 =	vadd.s32 v6, v3  }
0xa6: {  	v2 =	vor.u32 v2, v3;
	v3 =	vshrl.u32 v7, $0x4  }
0xa7: {  	v6 =	vmul.u32 $0xFFFFFFCE, v3  }
0xa8: {  	s8 =	simm.s32 $0x20;
	v7 =	vmov s24;
	vm0 =	vlt.s32 v4, $0xF423F  }
0xa9: {  	v8 =	vnsel vm0, $0xF423F, v4;
	v5 =	vadd.s32 v5, v6;
	v6 =	vor.u32 s8, v0  }
0xaa: {  	vm0 =	veq.s32 v7, v0;
	v8 =	vshll.u32 v8, $0x1;
	v7 =	vmulhi.u32 $0x51EB851F, v6  }
0xab: {  	s11 =	simm.s32 $0xFBA0;
	vm1 =	vne.s32 v5, $0x0;
	[tilespmem:v2+s0+$0x0] =	vst.idx.msk $0xffff, v8  }
0xac: {  	vm0 =	vmand vm0, vm1;
	v2 =	vld [tilespmem:s11+$0x0];
	v7 =	vshrl.u32 v7, $0x4  }
0xad: {  	v59 =	vsel vm0, $0xFFFFFFFF, v1;
	v60 =	vmul.u32 $0xFFFFFFCE, v7  }
0xae: {  	v61 =	vmov s8;
	v4 =	vxor.u32 $0x80000000, v4;
	v3 =	vadd.s32 v59, v3  }
0xaf: {  	v9 =	vand.u32 $0x38, v5;
	(xrf0) =	vmax.scan.msk.u32 $0xffff, v4;
	v3 =	vmul.u32 $0x38, v3;
	v6 =	vadd.s32 v6, v60  }
0xb0: {  	v5 =	vand.u32 $0x7, v5;
	vm0 =	veq.s32 v61, v0;
	vm1 =	vne.s32 v6, $0x0  }
0xb1: {  	s24 =	simm.s32 $0x30;
	v3 =	vadd.s32 v9, v3;
	v4 =	vxor.u32 $0x80000000, v2;
	vm0 =	vmand vm0, vm1  }
0xb2: {  	v62 =	vor.u32 s24, v0;
	(xrf0) =	vmax.scan.msk.u32 $0xffff, v4;
	v4 =	vor.u32 v5, v3;
	v3 =	vsel vm0, $0xFFFFFFFF, v1  }
0xb3: {  	v5 =	vmulhi.u32 $0x51EB851F, v62;
	v3 =	vadd.s32 v3, v7  }
0xb4: {  	v7 =	vmul.u32 $0x38, v3  }
0xb5: {  	v63, _, _ =	vpop (xrf0);
	v3 =	vshrl.u32 v5, $0x4;
	v5 =	vand.u32 $0x38, v6;
	v6 =	vand.u32 $0x7, v6  }
0xb6: {  	(v2sf) =	vpush v63, $0xF  }
0xb7: {  	vm0 =	vlt.s32 v2, $0xF423F;
	v5 =	vadd.s32 v5, v7  }
0xb8: {  	v2 =	vnsel vm0, $0xF423F, v2;
	v5 =	vor.u32 v6, v5;
	v6, _, _ =	vpop (xrf0)  }
0xb9: {  	v2 =	vshll.u32 v2, $0x1;
	(v2sf) =	vpush v6, $0xF  }
0xba: {  	s5 =	simm.s32 $0xFBB0;
	[tilespmem:v4+s0+$0x0] =	vst.idx.msk $0xffff, v2  }
0xbb: {  	v2 =	vld [tilespmem:s5+$0x0]  }
0xbc: {  	v7 =	vmul.u32 $0xFFFFFFCE, v3  }
0xbd: {  	s31 =	simm.s32 $0x40;
	v4 =	vmov s24  }
0xbe: {  	s29 =	simm.s32 $0x50;
	s7 =	simm.s32 $0x60;
	s24 =	simm.s32 $0x0;
	vm0 =	veq.s32 v4, v0;
	v4 =	vadd.s32 v62, v7  }
.LBB2_5:
0xbf: {  	s11 =	smov.u32 s24  }
0xc0: {  	p0 =	sne.s32 s7, $0x180;
	vm1 =	vne.s32 v4, $0x0;
	vm2 =	vlt.s32 v2, $0xF423F;
	v6 =	vxor.u32 $0x80000000, v2  }
0xc1: {  	vm0 =	vmand vm0, vm1;
	v2 =	vnsel vm2, $0xF423F, v2;
	(xrf0) =	vmax.scan.msk.u32 $0xffff, v6  }
0xc2: {  	v6 =	vor.u32 s31, v0;
	v7 =	vsel vm0, $0xFFFFFFFF, v1;
	v2 =	vshll.u32 v2, $0x1  }
0xc3: {  	s5 =	sadd.s32 $0x10, s5;
	v8 =	vmulhi.u32 $0x51EB851F, v6;
	v3 =	vadd.s32 v7, v3;
	[tilespmem:v5+s0+$0x0] =	vst.idx.msk $0xffff, v2  }
.Ltmp5:
0xc4: {  	v5 =	vmul.u32 $0x38, v3;
	v2 =	vld [tilespmem:s5+$0x0];
	(pc) =	sbr.rel @p0 .LBB2_5-.Ltmp5, $4  }
0xc5: {  	v7 =	vand.u32 $0x38, v4;
	v3 =	vshrl.u32 v8, $0x4;
	s24 =	spop (v2sf)  }
0xc6: {  	v4 =	vand.u32 $0x7, v4;
	v8 =	vmul.u32 $0xFFFFFFCE, v3;
	v5 =	vadd.s32 v7, v5;
	s24 =	sxor.u32 $0x80000000, s24  }
0xc7: {  	v7 =	vmov s31;
	s31 =	smov.u32 s29;
	s29 =	smov.u32 s7;
	v5 =	vor.u32 v4, v5;
	v9, _, _ =	vpop (xrf0);
	p1 =	sgt.s32 s11, s24  }
0xc8: {  	s7 =	sadd.s32 $0x10, s7;
	vm0 =	veq.s32 v7, v0;
	v4 =	vadd.s32 v6, v8;
	(v2sf) =	vpush v9, $0xF;
	s24 =	smov.u32 @p1 s11  }
0xc9: {  	_ = 	snop  }
0xca: {  	vm1 =	vne.s32 v4, $0x0;
	vm2 =	vlt.s32 v2, $0xF423F  }
0xcb: {  	vm0 =	vmand vm0, vm1;
	v6 =	vnsel vm2, $0xF423F, v2  }
0xcc: {  	v7 =	vor.u32 s31, v0;
	v8 =	vsel vm0, $0xFFFFFFFF, v1;
	v6 =	vshll.u32 v6, $0x1  }
0xcd: {  	s5 =	sadd.s32 $0x10, s5;
	v43 =	vmulhi.u32 $0x51EB851F, v7;
	v3 =	vadd.s32 v8, v3;
	[tilespmem:v5+s0+$0x0] =	vst.idx.msk $0xffff, v6  }
0xce: {  	v5 =	vld [tilespmem:s5+$0x0];
	v3 =	vmul.u32 $0x38, v3  }
0xcf: {  	v45 =	vand.u32 $0x38, v4;
	v44 =	vshrl.u32 v43, $0x4  }
0xd0: {  	v47 =	vand.u32 $0x7, v4;
	v46 =	vmul.u32 $0xFFFFFFCE, v44;
	v3 =	vadd.s32 v45, v3  }
0xd1: {  	v3 =	vor.u32 v47, v3  }
0xd2: {  	v48 =	vmov s31;
	v7 =	vadd.s32 v7, v46  }
0xd3: {  	vm9 =	veq.s32 v48, v0;
	vm10 =	vne.s32 v7, $0x0;
	vm11 =	vlt.s32 v5, $0xF423F  }
0xd4: {  	vm0 =	vmand vm9, vm10;
	v49 =	vnsel vm11, $0xF423F, v5  }
0xd5: {  	v50 =	vsel vm0, $0xFFFFFFFF, v1;
	v4 =	vshll.u32 v49, $0x1  }
0xd6: {  	s5 =	sadd.s32 $0x10, s5;
	v6 =	vadd.s32 v50, v44;
	[tilespmem:v3+s0+$0x0] =	vst.idx.msk $0xffff, v4  }
0xd7: {  	v51 =	vmul.u32 $0x38, v6;
	v3 =	vld [tilespmem:s5+$0x0]  }
0xd8: {  	v52 =	vand.u32 $0x38, v7  }
0xd9: {  	v53 =	vor.u32 s29, v0;
	v7 =	vand.u32 $0x7, v7;
	v4 =	vadd.s32 v52, v51  }
0xda: {  	v54 =	vmulhi.u32 $0x51EB851F, v53;
	v4 =	vor.u32 v7, v4;
	_ =	sdelay $0x1  }
0xdb: {  	v7 =	vshrl.u32 v54, $0x4;
	vm12 =	vlt.s32 v3, $0xF423F  }
0xdc: {  	v56 =	vmul.u32 $0xFFFFFFCE, v7;
	v55 =	vnsel vm12, $0xF423F, v3  }
0xdd: {  	v8 =	vshll.u32 v55, $0x1  }
0xde: {  	v57 =	vmov s29;
	v2 =	vxor.u32 $0x80000000, v2;
	s5 =	sadd.s32 $0x10, s5;
	[tilespmem:v4+s0+$0x0] =	vst.idx.msk $0xffff, v8;
	v4 =	vadd.s32 v53, v56  }
0xdf: {  	vm13 =	veq.s32 v57, v0;
	(xrf0) =	vmax.scan.msk.u32 $0xffff, v2;
	v5 =	vxor.u32 $0x80000000, v5;
	v2 =	vld [tilespmem:s5+$0x0];
	vm14 =	vne.s32 v4, $0x0  }
0xe0: {  	(xrf0) =	vmax.scan.msk.u32 $0xffff, v5;
	v3 =	vxor.u32 $0x80000000, v3;
	vm0 =	vmand vm13, vm14  }
0xe1: {  	(xrf0) =	vmax.scan.msk.u32 $0xffff, v3;
	v3 =	vsel vm0, $0xFFFFFFFF, v1  }
0xe2: {  	v3 =	vadd.s32 v3, v7  }
0xe3: {  	v3 =	vmul.u32 $0x38, v3  }
0xe4: {  	v60 =	vand.u32 $0x38, v4;
	v58 =	vxor.u32 $0x80000000, v2  }
0xe5: {  	v59, _, _ =	vpop (xrf0);
	v4 =	vand.u32 $0x7, v4;
	(xrf0) =	vmax.scan.msk.u32 $0xffff, v58;
	v3 =	vadd.s32 v60, v3  }
0xe6: {  	(v2sf) =	vpush v59, $0xF;
	v3 =	vor.u32 v4, v3  }
0xe7: {  	v61, _, _ =	vpop (xrf0)  }
0xe8: {  	(v2sf) =	vpush v61, $0xF;
	vm15 =	vlt.s32 v2, $0xF423F  }
0xe9: {  	v62, _, _ =	vpop (xrf0);
	v2 =	vnsel vm15, $0xF423F, v2  }
0xea: {  	(v2sf) =	vpush v62, $0xF;
	v2 =	vshll.u32 v2, $0x1  }
0xeb: {  	v63, _, _ =	vpop (xrf0);
	[tilespmem:v3+s0+$0x0] =	vst.idx.msk $0xffff, v2  }
0xec: {  	(v2sf) =	vpush v63, $0xF;
	[tilespmem:s1], [sflag:$0x2] =	stream.indirect.gather [hbm4b:s4+s15], $0x40, s0, s15, $0xb8;
	[tilespmem:$0x1C8A0] =	vst v63  }
0xed: {  	s8 =	simm.s32 $0xFF18;
	s7 =	simm.s32 $0x17120  }
0xee: {  	[tilespmem:s7], [sflag:$0x2] =	stream.indirect.gather [hbm4b:s4+s15], $0x40, s8, s15, $0xb8;
	[tilespmem:$0x1C8A0] =	vst v63  }
0xef: {  	s11 =	simm.s32 $0xFF50  }
0xf0: {  	[tilespmem:s12], [sflag:$0x2] =	stream.indirect.gather [hbm4b:s4+s15], $0x40, s11, s15, $0xb8;
	[tilespmem:$0x1C8A0] =	vst v63  }
0xf1: {  	s5 =	spop (v2sf);
	s8 =	simm.s32 $0xFF88  }
0xf2: {  	[tilespmem:s19], [sflag:$0x2] =	stream.indirect.gather [hbm4b:s4+s15], $0x40, s8, s15, $0xb8;
	[tilespmem:$0x1C8A0] =	vst v63  }
0xf3: {  	s29 =	simm.s32 $0xFFC0;
	s7 =	spop (v2sf)  }
0xf4: {  	[tilespmem:s23], [sflag:$0x2] =	stream.indirect.gather [hbm4b:s4+s15], $0x40, s29, s15, $0xb8;
	[tilespmem:$0x1C8A0] =	vst v63  }
0xf5: {  	s31 =	simm.s32 $0xFFF8;
	s11 =	spop (v2sf)  }
0xf6: {  	[tilespmem:s28], [sflag:$0x2] =	stream.indirect.gather [hbm4b:s4+s15], $0x40, s31, s15, $0xb8;
	[tilespmem:$0x1C8A0] =	vst v63  }
0xf7: {  	s12 =	simm.s32 $0x10030;
	s29 =	spop (v2sf)  }
0xf8: {  	[tilespmem:s9], [sflag:$0x2] =	stream.indirect.gather [hbm4b:s4+s15], $0x40, s12, s15, $0xb8;
	[tilespmem:$0x1C8A0] =	vst v63  }
0xf9: {  	s31 =	spop (v2sf);
	s12 =	simm.s32 $0x10068  }
0xfa: {  	[tilespmem:s10], [sflag:$0x2] =	stream.indirect.gather [hbm4b:s4+s15], $0x40, s12, s15, $0xb8;
	[tilespmem:$0x1C8A0] =	vst v63  }
0xfb: {  	s8 =	spop (v2sf)  }
0xfc: {  	_ =	swait.ge [sflag:s17], $0xC80  }
0xfd: {  	[sflag:s17] =	ssyncset.done $0x0  }
0xfe: {  	[sflag:s17] =	ssyncadd.s32 $0xFFFFF380  }
0xff: {  	_ =	swait.ge [sflag:s17], $0xC80  }
0x100: {  	[sflag:s17] =	ssyncset.done $0x0  }
0x101: {  	[sflag:s17] =	ssyncadd.s32 $0xFFFFF380  }
0x102: {  	_ =	swait.ge [sflag:s17], $0xC80  }
0x103: {  	[sflag:s17] =	ssyncset.done $0x0  }
0x104: {  	[sflag:s17] =	ssyncadd.s32 $0xFFFFF380  }
0x105: {  	_ =	swait.ge [sflag:s17], $0xC80  }
0x106: {  	s5 =	sxor.u32 $0x80000000, s5;
	[sflag:s17] =	ssyncset.done $0x0  }
0x107: {  	p0 =	sgt.s32 s24, s5;
	[sflag:s17] =	ssyncadd.s32 $0xFFFFF380  }
0x108: {  	s5 =	smov.u32 @p0 s24;
	s7 =	sxor.u32 $0x80000000, s7;
	_ =	swait.ge [sflag:s17], $0xC80  }
0x109: {  	p0 =	sgt.s32 s5, s7;
	[sflag:s17] =	ssyncset.done $0x0  }
0x10a: {  	s7 =	smov.u32 @p0 s5;
	s5 =	sxor.u32 $0x80000000, s11;
	[sflag:s17] =	ssyncadd.s32 $0xFFFFF380  }
0x10b: {  	p0 =	sgt.s32 s7, s5;
	_ =	swait.ge [sflag:s17], $0xC80  }
0x10c: {  	s5 =	smov.u32 @p0 s7;
	s7 =	sxor.u32 $0x80000000, s29;
	[sflag:s17] =	ssyncset.done $0x0  }
0x10d: {  	p0 =	sgt.s32 s5, s7;
	[sflag:s17] =	ssyncadd.s32 $0xFFFFF380  }
0x10e: {  	p1 =	slt.s32 s22, $0xF4240;
	s7 =	smov.u32 @p0 s5;
	_ =	swait.ge [sflag:s17], $0xC80  }
.Ltmp6:
0x10f: {  	s5 =	sxor.u32 $0x80000000, s31;
	[sflag:s17] =	ssyncset.done $0x0;
	(pc) =	sbr.rel @p1 .LBB2_11-.Ltmp6, $4  }
0x110: {  	p0 =	sgt.s32 s7, s5;
	[sflag:s17] =	ssyncadd.s32 $0xFFFFF380  }
0x111: {  	s5 =	smov.u32 @p0 s7;
	s24 =	sxor.u32 $0x80000000, s8;
	_ =	swait.ge [sflag:s17], $0xC80  }
0x112: {  	p0 =	sgt.s32 s5, s24;
	[sflag:s17] =	ssyncset.done $0x0  }
0x113: {  	s24 =	smov.u32 @p0 s5;
	[sflag:s17] =	ssyncadd.s32 $0xFFFFF380  }
.Ltmp7:
0x114: {  	(pc) =	sbr.rel .LBB2_8-.Ltmp7, $2  }
0x115: {  	_ =	sdelay $0x2  }
0x116: {  	s22 =	simm.s32 $0x0;
	s29 =	simm.s32 $0xFA00  }
.LBB2_10:
0x117: {  	s22 =	sadd.s32 $0x10, s22  }
0x118: {  	p0 =	sne.s32 s22, $0x190  }
.Ltmp8:
0x119: {  	_ = 	snop;
	(pc) =	sbr.rel @!p0 .LBB2_11-.Ltmp8, $2  }
0x11a: {  	_ =	sdelay $0x2  }
0x11b: {  	s29 =	sadd.s32 $0x10, s29  }
.LBB2_8:
0x11c: {  	v2 =	vld [tilespmem:s29+$0x0];
	_ =	sdelay $0x4  }
0x11d: {  	v3 =	vxor.u32 $0x80000000, v2  }
0x11e: {  	(xrf0) =	vmax.scan.msk.u32 $0xffff, v3;
	_ =	sdelay $0x5  }
0x11f: {  	v3, _, _ =	vpop (xrf0)  }
0x120: {  	(v2sf) =	vpush v3, $0xF;
	_ =	sdelay $0xe  }
0x121: {  	s5 =	spop (v2sf)  }
0x122: {  	p0 =	slt.u32 s5, $0x800F4240  }
.Ltmp9:
0x123: {  	_ = 	snop;
	(pc) =	sbr.rel @p0 .LBB2_10-.Ltmp9, $1  }
0x124: {  	_ =	sdelay $0x3  }
0x125: {  	v3 =	vor.u32 s22, v0  }
0x126: {  	v4 =	vmulhi.u32 $0x51EB851F, v3;
	_ =	sdelay $0x1  }
0x127: {  	v4 =	vshrl.u32 v4, $0x4  }
0x128: {  	v5 =	vmul.u32 $0xFFFFFFCE, v4  }
0x129: {  	vm0 =	vgt.s32 v2, $0xF423F;
	v2 =	vadd.s32 $0xFFF0BDC0, v2  }
0x12a: {  	v48 =	vmov s22;
	vm1 =	vgt.s32 v2, $0x0;
	v3 =	vadd.s32 v3, v5  }
0x12b: {  	vm15 =	veq.s32 v48, v0;
	v2 =	vnsel vm1, $0x0, v2;
	vm2 =	vne.s32 v3, $0x0  }
0x12c: {  	v2 =	vshll.u32 v2, $0x6;
	vm1 =	vmand vm15, vm2  }
0x12d: {  	v49 =	vsel vm1, $0xFFFFFFFF, v1  }
0x12e: {  	v4 =	vadd.s32 v49, v4  }
0x12f: {  	v4 =	vmul.u32 $0xC80, v4  }
0x130: {  	v3 =	vshll.u32 v3, $0x6  }
0x131: {  	v50 =	vld.idx.msk [tilespmem:v2+s3+$0x0], vm0;
	v3 =	vadd.s32 v3, v4  }
0x132: {  	v51 =	vor.u32 $0x1, v2;
	_ =	sdelay $0x3  }
0x133: {  	[tilespmem:v3+s16+$0x0] =	vst.idx.msk vm0, v50  }
0x134: {  	v52 =	vor.u32 $0x1, v3;
	v4 =	vld.idx.msk [tilespmem:v51+s3+$0x0], vm0  }
0x135: {  	v6 =	vor.u32 $0x2, v2;
	_ =	sdelay $0x3  }
0x136: {  	[tilespmem:v52+s16+$0x0] =	vst.idx.msk vm0, v4  }
0x137: {  	v53 =	vor.u32 $0x2, v3;
	v4 =	vld.idx.msk [tilespmem:v6+s3+$0x0], vm0  }
0x138: {  	v54 =	vor.u32 $0x3, v2;
	_ =	sdelay $0x3  }
0x139: {  	[tilespmem:v53+s16+$0x0] =	vst.idx.msk vm0, v4  }
0x13a: {  	v55 =	vor.u32 $0x3, v3;
	v4 =	vld.idx.msk [tilespmem:v54+s3+$0x0], vm0  }
0x13b: {  	v56 =	vor.u32 $0x4, v2;
	_ =	sdelay $0x3  }
0x13c: {  	[tilespmem:v55+s16+$0x0] =	vst.idx.msk vm0, v4  }
0x13d: {  	v57 =	vor.u32 $0x4, v3;
	v4 =	vld.idx.msk [tilespmem:v56+s3+$0x0], vm0  }
0x13e: {  	v58 =	vor.u32 $0x5, v2;
	_ =	sdelay $0x3  }
0x13f: {  	[tilespmem:v57+s16+$0x0] =	vst.idx.msk vm0, v4  }
0x140: {  	v59 =	vor.u32 $0x5, v3;
	v4 =	vld.idx.msk [tilespmem:v58+s3+$0x0], vm0  }
0x141: {  	v60 =	vor.u32 $0x6, v2;
	_ =	sdelay $0x3  }
0x142: {  	[tilespmem:v59+s16+$0x0] =	vst.idx.msk vm0, v4  }
0x143: {  	v61 =	vor.u32 $0x6, v3;
	v4 =	vld.idx.msk [tilespmem:v60+s3+$0x0], vm0  }
0x144: {  	v62 =	vor.u32 $0x7, v2;
	_ =	sdelay $0x3  }
0x145: {  	[tilespmem:v61+s16+$0x0] =	vst.idx.msk vm0, v4  }
0x146: {  	v63 =	vor.u32 $0x7, v3;
	v4 =	vld.idx.msk [tilespmem:v62+s3+$0x0], vm0  }
0x147: {  	v9 =	vor.u32 $0x8, v2;
	_ =	sdelay $0x3  }
0x148: {  	[tilespmem:v63+s16+$0x0] =	vst.idx.msk vm0, v4  }
0x149: {  	v10 =	vor.u32 $0x8, v3;
	v4 =	vld.idx.msk [tilespmem:v9+s3+$0x0], vm0  }
0x14a: {  	v11 =	vor.u32 $0x9, v2;
	_ =	sdelay $0x3  }
0x14b: {  	[tilespmem:v10+s16+$0x0] =	vst.idx.msk vm0, v4  }
0x14c: {  	v12 =	vor.u32 $0x9, v3;
	v4 =	vld.idx.msk [tilespmem:v11+s3+$0x0], vm0  }
0x14d: {  	v13 =	vor.u32 $0xA, v2;
	_ =	sdelay $0x3  }
0x14e: {  	[tilespmem:v12+s16+$0x0] =	vst.idx.msk vm0, v4  }
0x14f: {  	v14 =	vor.u32 $0xA, v3;
	v4 =	vld.idx.msk [tilespmem:v13+s3+$0x0], vm0  }
0x150: {  	v15 =	vor.u32 $0xB, v2;
	_ =	sdelay $0x3  }
0x151: {  	[tilespmem:v14+s16+$0x0] =	vst.idx.msk vm0, v4  }
0x152: {  	v16 =	vor.u32 $0xB, v3;
	v4 =	vld.idx.msk [tilespmem:v15+s3+$0x0], vm0  }
0x153: {  	v17 =	vor.u32 $0xC, v2;
	_ =	sdelay $0x3  }
0x154: {  	[tilespmem:v16+s16+$0x0] =	vst.idx.msk vm0, v4  }
0x155: {  	v18 =	vor.u32 $0xC, v3;
	v4 =	vld.idx.msk [tilespmem:v17+s3+$0x0], vm0  }
0x156: {  	v19 =	vor.u32 $0xD, v2;
	_ =	sdelay $0x3  }
0x157: {  	[tilespmem:v18+s16+$0x0] =	vst.idx.msk vm0, v4  }
0x158: {  	v20 =	vor.u32 $0xD, v3;
	v4 =	vld.idx.msk [tilespmem:v19+s3+$0x0], vm0  }
0x159: {  	v21 =	vor.u32 $0xE, v2;
	_ =	sdelay $0x3  }
0x15a: {  	[tilespmem:v20+s16+$0x0] =	vst.idx.msk vm0, v4  }
0x15b: {  	v22 =	vor.u32 $0xE, v3;
	v4 =	vld.idx.msk [tilespmem:v21+s3+$0x0], vm0  }
0x15c: {  	v23 =	vor.u32 $0xF, v2;
	_ =	sdelay $0x3  }
0x15d: {  	[tilespmem:v22+s16+$0x0] =	vst.idx.msk vm0, v4  }
0x15e: {  	v24 =	vor.u32 $0xF, v3;
	v4 =	vld.idx.msk [tilespmem:v23+s3+$0x0], vm0  }
0x15f: {  	v25 =	vor.u32 $0x10, v2;
	_ =	sdelay $0x3  }
0x160: {  	[tilespmem:v24+s16+$0x0] =	vst.idx.msk vm0, v4  }
0x161: {  	v26 =	vor.u32 $0x10, v3;
	v4 =	vld.idx.msk [tilespmem:v25+s3+$0x0], vm0  }
0x162: {  	v27 =	vor.u32 $0x11, v2;
	_ =	sdelay $0x3  }
0x163: {  	[tilespmem:v26+s16+$0x0] =	vst.idx.msk vm0, v4  }
0x164: {  	v28 =	vor.u32 $0x11, v3;
	v4 =	vld.idx.msk [tilespmem:v27+s3+$0x0], vm0  }
0x165: {  	v29 =	vor.u32 $0x12, v2;
	_ =	sdelay $0x3  }
0x166: {  	[tilespmem:v28+s16+$0x0] =	vst.idx.msk vm0, v4  }
0x167: {  	v30 =	vor.u32 $0x12, v3;
	v4 =	vld.idx.msk [tilespmem:v29+s3+$0x0], vm0  }
0x168: {  	v31 =	vor.u32 $0x13, v2;
	_ =	sdelay $0x3  }
0x169: {  	[tilespmem:v30+s16+$0x0] =	vst.idx.msk vm0, v4  }
0x16a: {  	v32 =	vor.u32 $0x13, v3;
	v4 =	vld.idx.msk [tilespmem:v31+s3+$0x0], vm0  }
0x16b: {  	v33 =	vor.u32 $0x14, v2;
	_ =	sdelay $0x3  }
0x16c: {  	[tilespmem:v32+s16+$0x0] =	vst.idx.msk vm0, v4  }
0x16d: {  	v34 =	vor.u32 $0x14, v3;
	v4 =	vld.idx.msk [tilespmem:v33+s3+$0x0], vm0  }
0x16e: {  	v35 =	vor.u32 $0x15, v2;
	_ =	sdelay $0x3  }
0x16f: {  	[tilespmem:v34+s16+$0x0] =	vst.idx.msk vm0, v4  }
0x170: {  	v36 =	vor.u32 $0x15, v3;
	v4 =	vld.idx.msk [tilespmem:v35+s3+$0x0], vm0  }
0x171: {  	v37 =	vor.u32 $0x16, v2;
	_ =	sdelay $0x3  }
0x172: {  	[tilespmem:v36+s16+$0x0] =	vst.idx.msk vm0, v4  }
0x173: {  	v38 =	vor.u32 $0x16, v3;
	v4 =	vld.idx.msk [tilespmem:v37+s3+$0x0], vm0  }
0x174: {  	v39 =	vor.u32 $0x17, v2;
	_ =	sdelay $0x3  }
0x175: {  	[tilespmem:v38+s16+$0x0] =	vst.idx.msk vm0, v4  }
0x176: {  	v40 =	vor.u32 $0x17, v3;
	v4 =	vld.idx.msk [tilespmem:v39+s3+$0x0], vm0  }
0x177: {  	v41 =	vor.u32 $0x18, v2;
	_ =	sdelay $0x3  }
0x178: {  	[tilespmem:v40+s16+$0x0] =	vst.idx.msk vm0, v4  }
0x179: {  	v42 =	vor.u32 $0x18, v3;
	v4 =	vld.idx.msk [tilespmem:v41+s3+$0x0], vm0  }
0x17a: {  	v43 =	vor.u32 $0x19, v2;
	_ =	sdelay $0x3  }
0x17b: {  	[tilespmem:v42+s16+$0x0] =	vst.idx.msk vm0, v4  }
0x17c: {  	v44 =	vor.u32 $0x19, v3;
	v4 =	vld.idx.msk [tilespmem:v43+s3+$0x0], vm0  }
0x17d: {  	v45 =	vor.u32 $0x1A, v2;
	_ =	sdelay $0x3  }
0x17e: {  	[tilespmem:v44+s16+$0x0] =	vst.idx.msk vm0, v4  }
0x17f: {  	v46 =	vor.u32 $0x1A, v3;
	v4 =	vld.idx.msk [tilespmem:v45+s3+$0x0], vm0  }
0x180: {  	v47 =	vor.u32 $0x1B, v2;
	_ =	sdelay $0x3  }
0x181: {  	[tilespmem:v46+s16+$0x0] =	vst.idx.msk vm0, v4  }
0x182: {  	v48 =	vor.u32 $0x1B, v3;
	v4 =	vld.idx.msk [tilespmem:v47+s3+$0x0], vm0  }
0x183: {  	v49 =	vor.u32 $0x1C, v2;
	_ =	sdelay $0x3  }
0x184: {  	[tilespmem:v48+s16+$0x0] =	vst.idx.msk vm0, v4  }
0x185: {  	v50 =	vor.u32 $0x1C, v3;
	v4 =	vld.idx.msk [tilespmem:v49+s3+$0x0], vm0  }
0x186: {  	v51 =	vor.u32 $0x1D, v2;
	_ =	sdelay $0x3  }
0x187: {  	[tilespmem:v50+s16+$0x0] =	vst.idx.msk vm0, v4  }
0x188: {  	v52 =	vor.u32 $0x1D, v3;
	v4 =	vld.idx.msk [tilespmem:v51+s3+$0x0], vm0  }
0x189: {  	v53 =	vor.u32 $0x1E, v2;
	_ =	sdelay $0x3  }
0x18a: {  	[tilespmem:v52+s16+$0x0] =	vst.idx.msk vm0, v4  }
0x18b: {  	v54 =	vor.u32 $0x1E, v3;
	v4 =	vld.idx.msk [tilespmem:v53+s3+$0x0], vm0  }
0x18c: {  	v55 =	vor.u32 $0x1F, v2;
	_ =	sdelay $0x3  }
0x18d: {  	[tilespmem:v54+s16+$0x0] =	vst.idx.msk vm0, v4  }
0x18e: {  	v56 =	vor.u32 $0x1F, v3;
	v4 =	vld.idx.msk [tilespmem:v55+s3+$0x0], vm0  }
0x18f: {  	v57 =	vor.u32 $0x20, v2;
	_ =	sdelay $0x3  }
0x190: {  	[tilespmem:v56+s16+$0x0] =	vst.idx.msk vm0, v4  }
0x191: {  	v58 =	vor.u32 $0x20, v3;
	v4 =	vld.idx.msk [tilespmem:v57+s3+$0x0], vm0  }
0x192: {  	v59 =	vor.u32 $0x21, v2;
	_ =	sdelay $0x3  }
0x193: {  	[tilespmem:v58+s16+$0x0] =	vst.idx.msk vm0, v4  }
0x194: {  	v60 =	vor.u32 $0x21, v3;
	v4 =	vld.idx.msk [tilespmem:v59+s3+$0x0], vm0  }
0x195: {  	v61 =	vor.u32 $0x22, v2;
	_ =	sdelay $0x3  }
0x196: {  	[tilespmem:v60+s16+$0x0] =	vst.idx.msk vm0, v4  }
0x197: {  	v62 =	vor.u32 $0x22, v3;
	v4 =	vld.idx.msk [tilespmem:v61+s3+$0x0], vm0  }
0x198: {  	v63 =	vor.u32 $0x23, v2;
	_ =	sdelay $0x3  }
0x199: {  	[tilespmem:v62+s16+$0x0] =	vst.idx.msk vm0, v4  }
0x19a: {  	v9 =	vor.u32 $0x23, v3;
	v4 =	vld.idx.msk [tilespmem:v63+s3+$0x0], vm0  }
0x19b: {  	v10 =	vor.u32 $0x24, v2;
	_ =	sdelay $0x3  }
0x19c: {  	[tilespmem:v9+s16+$0x0] =	vst.idx.msk vm0, v4  }
0x19d: {  	v11 =	vor.u32 $0x24, v3;
	v4 =	vld.idx.msk [tilespmem:v10+s3+$0x0], vm0  }
0x19e: {  	v12 =	vor.u32 $0x25, v2;
	_ =	sdelay $0x3  }
0x19f: {  	[tilespmem:v11+s16+$0x0] =	vst.idx.msk vm0, v4  }
0x1a0: {  	v13 =	vor.u32 $0x25, v3;
	v4 =	vld.idx.msk [tilespmem:v12+s3+$0x0], vm0  }
0x1a1: {  	v14 =	vor.u32 $0x26, v2;
	_ =	sdelay $0x3  }
0x1a2: {  	[tilespmem:v13+s16+$0x0] =	vst.idx.msk vm0, v4  }
0x1a3: {  	v15 =	vor.u32 $0x26, v3;
	v4 =	vld.idx.msk [tilespmem:v14+s3+$0x0], vm0  }
0x1a4: {  	v16 =	vor.u32 $0x27, v2;
	_ =	sdelay $0x3  }
0x1a5: {  	[tilespmem:v15+s16+$0x0] =	vst.idx.msk vm0, v4  }
0x1a6: {  	v17 =	vor.u32 $0x27, v3;
	v4 =	vld.idx.msk [tilespmem:v16+s3+$0x0], vm0  }
0x1a7: {  	v18 =	vor.u32 $0x28, v2;
	_ =	sdelay $0x3  }
0x1a8: {  	[tilespmem:v17+s16+$0x0] =	vst.idx.msk vm0, v4  }
0x1a9: {  	v19 =	vor.u32 $0x28, v3;
	v4 =	vld.idx.msk [tilespmem:v18+s3+$0x0], vm0  }
0x1aa: {  	v20 =	vor.u32 $0x29, v2;
	_ =	sdelay $0x3  }
0x1ab: {  	[tilespmem:v19+s16+$0x0] =	vst.idx.msk vm0, v4  }
0x1ac: {  	v21 =	vor.u32 $0x29, v3;
	v4 =	vld.idx.msk [tilespmem:v20+s3+$0x0], vm0  }
0x1ad: {  	v22 =	vor.u32 $0x2A, v2;
	_ =	sdelay $0x3  }
0x1ae: {  	[tilespmem:v21+s16+$0x0] =	vst.idx.msk vm0, v4  }
0x1af: {  	v23 =	vor.u32 $0x2A, v3;
	v4 =	vld.idx.msk [tilespmem:v22+s3+$0x0], vm0  }
0x1b0: {  	v24 =	vor.u32 $0x2B, v2;
	_ =	sdelay $0x3  }
0x1b1: {  	[tilespmem:v23+s16+$0x0] =	vst.idx.msk vm0, v4  }
0x1b2: {  	v25 =	vor.u32 $0x2B, v3;
	v4 =	vld.idx.msk [tilespmem:v24+s3+$0x0], vm0  }
0x1b3: {  	v26 =	vor.u32 $0x2C, v2;
	_ =	sdelay $0x3  }
0x1b4: {  	[tilespmem:v25+s16+$0x0] =	vst.idx.msk vm0, v4  }
0x1b5: {  	v27 =	vor.u32 $0x2C, v3;
	v4 =	vld.idx.msk [tilespmem:v26+s3+$0x0], vm0  }
0x1b6: {  	v28 =	vor.u32 $0x2D, v2;
	_ =	sdelay $0x3  }
0x1b7: {  	[tilespmem:v27+s16+$0x0] =	vst.idx.msk vm0, v4  }
0x1b8: {  	v29 =	vor.u32 $0x2D, v3;
	v4 =	vld.idx.msk [tilespmem:v28+s3+$0x0], vm0  }
0x1b9: {  	v30 =	vor.u32 $0x2E, v2;
	_ =	sdelay $0x3  }
0x1ba: {  	[tilespmem:v29+s16+$0x0] =	vst.idx.msk vm0, v4  }
0x1bb: {  	v31 =	vor.u32 $0x2E, v3;
	v4 =	vld.idx.msk [tilespmem:v30+s3+$0x0], vm0  }
0x1bc: {  	v32 =	vor.u32 $0x2F, v2;
	_ =	sdelay $0x3  }
0x1bd: {  	[tilespmem:v31+s16+$0x0] =	vst.idx.msk vm0, v4  }
0x1be: {  	v33 =	vor.u32 $0x2F, v3;
	v4 =	vld.idx.msk [tilespmem:v32+s3+$0x0], vm0  }
0x1bf: {  	v34 =	vor.u32 $0x30, v2;
	_ =	sdelay $0x3  }
0x1c0: {  	[tilespmem:v33+s16+$0x0] =	vst.idx.msk vm0, v4  }
0x1c1: {  	v35 =	vor.u32 $0x30, v3;
	v4 =	vld.idx.msk [tilespmem:v34+s3+$0x0], vm0  }
0x1c2: {  	v36 =	vor.u32 $0x31, v2;
	_ =	sdelay $0x3  }
0x1c3: {  	[tilespmem:v35+s16+$0x0] =	vst.idx.msk vm0, v4  }
0x1c4: {  	v37 =	vor.u32 $0x31, v3;
	v4 =	vld.idx.msk [tilespmem:v36+s3+$0x0], vm0  }
0x1c5: {  	v38 =	vor.u32 $0x32, v2;
	_ =	sdelay $0x3  }
0x1c6: {  	[tilespmem:v37+s16+$0x0] =	vst.idx.msk vm0, v4  }
0x1c7: {  	v39 =	vor.u32 $0x32, v3;
	v4 =	vld.idx.msk [tilespmem:v38+s3+$0x0], vm0  }
0x1c8: {  	v40 =	vor.u32 $0x33, v2;
	_ =	sdelay $0x3  }
0x1c9: {  	[tilespmem:v39+s16+$0x0] =	vst.idx.msk vm0, v4  }
0x1ca: {  	v41 =	vor.u32 $0x33, v3;
	v4 =	vld.idx.msk [tilespmem:v40+s3+$0x0], vm0  }
0x1cb: {  	v42 =	vor.u32 $0x34, v2;
	_ =	sdelay $0x3  }
0x1cc: {  	[tilespmem:v41+s16+$0x0] =	vst.idx.msk vm0, v4  }
0x1cd: {  	v43 =	vor.u32 $0x34, v3;
	v4 =	vld.idx.msk [tilespmem:v42+s3+$0x0], vm0  }
0x1ce: {  	v44 =	vor.u32 $0x35, v2;
	_ =	sdelay $0x3  }
0x1cf: {  	[tilespmem:v43+s16+$0x0] =	vst.idx.msk vm0, v4  }
0x1d0: {  	v45 =	vor.u32 $0x35, v3;
	v4 =	vld.idx.msk [tilespmem:v44+s3+$0x0], vm0  }
0x1d1: {  	v46 =	vor.u32 $0x36, v2;
	_ =	sdelay $0x3  }
0x1d2: {  	[tilespmem:v45+s16+$0x0] =	vst.idx.msk vm0, v4  }
0x1d3: {  	v47 =	vor.u32 $0x36, v3;
	v4 =	vld.idx.msk [tilespmem:v46+s3+$0x0], vm0  }
0x1d4: {  	v48 =	vor.u32 $0x37, v2;
	_ =	sdelay $0x3  }
0x1d5: {  	[tilespmem:v47+s16+$0x0] =	vst.idx.msk vm0, v4  }
0x1d6: {  	v49 =	vor.u32 $0x37, v3;
	v4 =	vld.idx.msk [tilespmem:v48+s3+$0x0], vm0  }
0x1d7: {  	v50 =	vor.u32 $0x38, v2;
	_ =	sdelay $0x3  }
0x1d8: {  	[tilespmem:v49+s16+$0x0] =	vst.idx.msk vm0, v4  }
0x1d9: {  	v51 =	vor.u32 $0x38, v3;
	v4 =	vld.idx.msk [tilespmem:v50+s3+$0x0], vm0  }
0x1da: {  	v52 =	vor.u32 $0x39, v2;
	_ =	sdelay $0x3  }
0x1db: {  	[tilespmem:v51+s16+$0x0] =	vst.idx.msk vm0, v4  }
0x1dc: {  	v53 =	vor.u32 $0x39, v3;
	v4 =	vld.idx.msk [tilespmem:v52+s3+$0x0], vm0  }
0x1dd: {  	v54 =	vor.u32 $0x3A, v2;
	_ =	sdelay $0x3  }
0x1de: {  	[tilespmem:v53+s16+$0x0] =	vst.idx.msk vm0, v4  }
0x1df: {  	v55 =	vor.u32 $0x3A, v3;
	v4 =	vld.idx.msk [tilespmem:v54+s3+$0x0], vm0  }
0x1e0: {  	v56 =	vor.u32 $0x3B, v2;
	_ =	sdelay $0x3  }
0x1e1: {  	[tilespmem:v55+s16+$0x0] =	vst.idx.msk vm0, v4  }
0x1e2: {  	v57 =	vor.u32 $0x3B, v3;
	v4 =	vld.idx.msk [tilespmem:v56+s3+$0x0], vm0  }
0x1e3: {  	v58 =	vor.u32 $0x3C, v2;
	_ =	sdelay $0x3  }
0x1e4: {  	[tilespmem:v57+s16+$0x0] =	vst.idx.msk vm0, v4  }
0x1e5: {  	v59 =	vor.u32 $0x3C, v3;
	v4 =	vld.idx.msk [tilespmem:v58+s3+$0x0], vm0  }
0x1e6: {  	v60 =	vor.u32 $0x3D, v2;
	_ =	sdelay $0x3  }
0x1e7: {  	[tilespmem:v59+s16+$0x0] =	vst.idx.msk vm0, v4  }
0x1e8: {  	v61 =	vor.u32 $0x3D, v3;
	v4 =	vld.idx.msk [tilespmem:v60+s3+$0x0], vm0  }
0x1e9: {  	v62 =	vor.u32 $0x3E, v2;
	_ =	sdelay $0x3  }
0x1ea: {  	[tilespmem:v61+s16+$0x0] =	vst.idx.msk vm0, v4  }
0x1eb: {  	v63 =	vor.u32 $0x3E, v3;
	v4 =	vld.idx.msk [tilespmem:v62+s3+$0x0], vm0  }
0x1ec: {  	v2 =	vor.u32 $0x3F, v2;
	_ =	sdelay $0x3  }
0x1ed: {  	[tilespmem:v63+s16+$0x0] =	vst.idx.msk vm0, v4  }
0x1ee: {  	v3 =	vor.u32 $0x3F, v3;
	v2 =	vld.idx.msk [tilespmem:v2+s3+$0x0], vm0  }
.Ltmp10:
0x1ef: {  	_ = 	snop;
	(pc) =	sbr.rel .LBB2_10-.Ltmp10, $2  }
0x1f0: {  	_ =	sdelay $0x2  }
0x1f1: {  	[tilespmem:v3+s16+$0x0] =	vst.idx.msk vm0, v2  }
.LBB2_11:
0x1f2: {  	s5 =	rddreg [dreg:$0x4]  }
0x1f3: {  	s5 =	sadd.s32 s5, s26  }
0x1f4: {  	s5 =	smul.u32 $0x380, s5;
	_ =	sdelay $0x1  }
0x1f5: {  	s5 =	sadd.s32 s6, s5  }
0x1f6: {  	[hbm4b:s5+s21] =	stream.strided.scatter [tilespmem:s16], [sflag:$0x3], $0xC80, s25, s21, $0x38;
	[tilespmem:$0x1C8A0] =	vst v63  }
0x1f7: {  	s8 =	simm.s32 $0x10D20;
	s7 =	sadd.s32 $0x380, s5  }
0x1f8: {  	[hbm4b:s7+s21] =	stream.strided.scatter [tilespmem:s8], [sflag:$0x3], $0xC80, s25, s21, $0x38;
	[tilespmem:$0x1C8A0] =	vst v63  }
0x1f9: {  	s31 =	simm.s32 $0x119A0;
	s22 =	sadd.s32 $0x700, s5  }
0x1fa: {  	[hbm4b:s22+s21] =	stream.strided.scatter [tilespmem:s31], [sflag:$0x3], $0xC80, s25, s21, $0x38;
	[tilespmem:$0x1C8A0] =	vst v63  }
0x1fb: {  	s12 =	simm.s32 $0x12620;
	s11 =	sadd.s32 $0xA80, s5  }
0x1fc: {  	[hbm4b:s11+s21] =	stream.strided.scatter [tilespmem:s12], [sflag:$0x3], $0xC80, s25, s21, $0x38;
	[tilespmem:$0x1C8A0] =	vst v63  }
0x1fd: {  	s22 =	sadd.s32 $0xE00, s5;
	s31 =	simm.s32 $0x132A0  }
0x1fe: {  	[hbm4b:s22+s21] =	stream.strided.scatter [tilespmem:s31], [sflag:$0x3], $0xC80, s25, s21, $0x38;
	[tilespmem:$0x1C8A0] =	vst v63  }
0x1ff: {  	p0 =	seq.s32 s18, $0x1F;
	s8 =	sadd.s32 $0x1180, s5;
	s11 =	simm.s32 $0x13F20  }
0x200: {  	[hbm4b:s8+s21] =	stream.strided.scatter [tilespmem:s11], [sflag:$0x3], $0xC80, s25, s21, $0x38;
	[tilespmem:$0x1C8A0] =	vst v63  }
.Ltmp11:
0x201: {  	s29 =	simm.s32 $0x0;
	(pc) =	sbr.rel @p0 .LBB2_15-.Ltmp11, $4  }
0x202: {  	s12 =	sadd.s32 $0x1500, s5;
	s5 =	sadd.s32 $0x1880, s5;
	s22 =	simm.s32 $0x14BA0  }
0x203: {  	[hbm4b:s12+s21] =	stream.strided.scatter [tilespmem:s22], [sflag:$0x3], $0xC80, s25, s21, $0x38;
	[tilespmem:$0x1C8A0] =	vst v63  }
0x204: {  	s31 =	simm.s32 $0x15820;
	s22 =	simm.s32 $0x0;
	s12 =	simm.s32 $0x17DA0  }
0x205: {  	[hbm4b:s5+s21] =	stream.strided.scatter [tilespmem:s31], [sflag:$0x3], $0xC80, s25, s21, $0x38;
	[tilespmem:$0x1C8A0] =	vst v63  }
0x206: {  	s22 =	simm.s32 $0x0  }
0x207: {  	v2 =	vor.u32 s22, v0  }
0x208: {  	s5 =	rddreg [dreg:$0x6];
	s7 =	simm.s32 $0x3;
	v3 =	vmulhi.u32 $0x51EB851F, v2  }
0x209: {  	s5 =	sadd.s32 s26, s5;
	_ =	swait.ge [sflag:s7], $0x6400  }
0x20a: {  	s5 =	smul.u32 $0x32, s5;
	[sflag:s7] =	ssyncset.done $0x0;
	v3 =	vshrl.u32 v3, $0x4  }
0x20b: {  	[sflag:s7] =	ssyncadd.s32 $0xFFFF9C00;
	v4 =	vmul.u32 $0xFFFFFFCE, v3  }
0x20c: {  	s5 =	sshrl.u32 s5, $0x3;
	s7 =	rddreg [dreg:$0x1]  }
0x20d: {  	s11 =	simm.s32 $0xFA00;
	v5 =	vmov s22;
	s5 =	sadd.s32 s7, s5;
	v2 =	vadd.s32 v2, v4  }
0x20e: {  	vm0 =	veq.s32 v5, v0;
	[tilespmem:s11], [sflag:$0x6] =	stream.linear.gather [hbm4b:s5+s22], $0x190, $0x38;
	vm1 =	vne.s32 v2, $0x0;
	[tilespmem:$0x1C8A0] =	vst v63  }
0x20f: {  	_ =	swait.ge [sflag:s13], $0x190;
	vm0 =	vmand vm0, vm1  }
0x210: {  	[sflag:s13] =	ssyncset.done $0x0;
	v4 =	vsel vm0, $0xFFFFFFFF, v1  }
0x211: {  	s26 =	simm.s32 $0x10;
	[sflag:s13] =	ssyncadd.s32 $0xFFFFFE70;
	v3 =	vadd.s32 v4, v3  }
0x212: {  	v5 =	vor.u32 s26, v0;
	v4 =	vld [tilespmem:s11+$0x0];
	v3 =	vmul.u32 $0x38, v3  }
0x213: {  	v7 =	vmulhi.u32 $0x51EB851F, v5;
	v6 =	vand.u32 $0x38, v2  }
0x214: {  	v2 =	vand.u32 $0x7, v2;
	v3 =	vadd.s32 v6, v3  }
0x215: {  	v2 =	vor.u32 v2, v3;
	v3 =	vshrl.u32 v7, $0x4  }
0x216: {  	v6 =	vmul.u32 $0xFFFFFFCE, v3  }
0x217: {  	s8 =	simm.s32 $0x20;
	v7 =	vmov s26;
	vm0 =	vlt.s32 v4, $0xF423F  }
0x218: {  	v8 =	vnsel vm0, $0xF423F, v4;
	v5 =	vadd.s32 v5, v6;
	v6 =	vor.u32 s8, v0  }
0x219: {  	vm0 =	veq.s32 v7, v0;
	v8 =	vshll.u32 v8, $0x1;
	v7 =	vmulhi.u32 $0x51EB851F, v6  }
0x21a: {  	s11 =	simm.s32 $0xFA10;
	vm1 =	vne.s32 v5, $0x0;
	[tilespmem:v2+s14+$0x0] =	vst.idx.msk $0xffff, v8  }
0x21b: {  	vm0 =	vmand vm0, vm1;
	v2 =	vld [tilespmem:s11+$0x0];
	v7 =	vshrl.u32 v7, $0x4  }
0x21c: {  	v59 =	vsel vm0, $0xFFFFFFFF, v1;
	v60 =	vmul.u32 $0xFFFFFFCE, v7  }
0x21d: {  	v61 =	vmov s8;
	v4 =	vxor.u32 $0x80000000, v4;
	v3 =	vadd.s32 v59, v3  }
0x21e: {  	(xrf0) =	vmax.scan.msk.u32 $0xffff, v4;
	v9 =	vand.u32 $0x38, v5;
	v3 =	vmul.u32 $0x38, v3;
	v6 =	vadd.s32 v6, v60  }
0x21f: {  	v5 =	vand.u32 $0x7, v5;
	vm0 =	veq.s32 v61, v0;
	vm1 =	vne.s32 v6, $0x0  }
0x220: {  	s26 =	simm.s32 $0x30;
	v3 =	vadd.s32 v9, v3;
	v4 =	vxor.u32 $0x80000000, v2;
	vm0 =	vmand vm0, vm1  }
0x221: {  	v62 =	vor.u32 s26, v0;
	(xrf0) =	vmax.scan.msk.u32 $0xffff, v4;
	v4 =	vor.u32 v5, v3;
	v3 =	vsel vm0, $0xFFFFFFFF, v1  }
0x222: {  	v5 =	vmulhi.u32 $0x51EB851F, v62;
	v3 =	vadd.s32 v3, v7  }
0x223: {  	v7 =	vmul.u32 $0x38, v3  }
0x224: {  	v63, _, _ =	vpop (xrf0);
	v3 =	vshrl.u32 v5, $0x4;
	v5 =	vand.u32 $0x38, v6;
	v6 =	vand.u32 $0x7, v6  }
0x225: {  	(v2sf) =	vpush v63, $0xF  }
0x226: {  	vm0 =	vlt.s32 v2, $0xF423F;
	v5 =	vadd.s32 v5, v7  }
0x227: {  	v2 =	vnsel vm0, $0xF423F, v2;
	v5 =	vor.u32 v6, v5;
	v6, _, _ =	vpop (xrf0)  }
0x228: {  	v2 =	vshll.u32 v2, $0x1;
	(v2sf) =	vpush v6, $0xF  }
0x229: {  	s5 =	simm.s32 $0xFA20;
	[tilespmem:v4+s14+$0x0] =	vst.idx.msk $0xffff, v2  }
0x22a: {  	v2 =	vld [tilespmem:s5+$0x0]  }
0x22b: {  	v7 =	vmul.u32 $0xFFFFFFCE, v3  }
0x22c: {  	v4 =	vmov s26  }
0x22d: {  	s31 =	simm.s32 $0x40;
	s7 =	simm.s32 $0x60;
	s26 =	simm.s32 $0x50;
	vm0 =	veq.s32 v4, v0;
	v4 =	vadd.s32 v62, v7  }
.LBB2_13:
0x22e: {  	s8 =	smov.u32 s22  }
0x22f: {  	p0 =	sne.s32 s7, $0x180;
	vm1 =	vne.s32 v4, $0x0;
	vm2 =	vlt.s32 v2, $0xF423F;
	v6 =	vxor.u32 $0x80000000, v2  }
0x230: {  	vm0 =	vmand vm0, vm1;
	v2 =	vnsel vm2, $0xF423F, v2;
	(xrf0) =	vmax.scan.msk.u32 $0xffff, v6  }
0x231: {  	v6 =	vor.u32 s31, v0;
	v7 =	vsel vm0, $0xFFFFFFFF, v1;
	v2 =	vshll.u32 v2, $0x1  }
0x232: {  	s5 =	sadd.s32 $0x10, s5;
	v8 =	vmulhi.u32 $0x51EB851F, v6;
	v3 =	vadd.s32 v7, v3;
	[tilespmem:v5+s14+$0x0] =	vst.idx.msk $0xffff, v2  }
.Ltmp12:
0x233: {  	v5 =	vmul.u32 $0x38, v3;
	v2 =	vld [tilespmem:s5+$0x0];
	(pc) =	sbr.rel @p0 .LBB2_13-.Ltmp12, $4  }
0x234: {  	v7 =	vand.u32 $0x38, v4;
	v3 =	vshrl.u32 v8, $0x4;
	s11 =	spop (v2sf)  }
0x235: {  	v4 =	vand.u32 $0x7, v4;
	v8 =	vmul.u32 $0xFFFFFFCE, v3;
	v5 =	vadd.s32 v7, v5;
	s22 =	sxor.u32 $0x80000000, s11  }
0x236: {  	v7 =	vmov s31;
	s31 =	smov.u32 s26;
	s26 =	smov.u32 s7;
	v5 =	vor.u32 v4, v5;
	v9, _, _ =	vpop (xrf0);
	p1 =	sgt.s32 s8, s22  }
0x237: {  	s7 =	sadd.s32 $0x10, s7;
	vm0 =	veq.s32 v7, v0;
	v4 =	vadd.s32 v6, v8;
	(v2sf) =	vpush v9, $0xF;
	s22 =	smov.u32 @p1 s8  }
0x238: {  	_ = 	snop  }
0x239: {  	vm1 =	vne.s32 v4, $0x0;
	vm2 =	vlt.s32 v2, $0xF423F  }
0x23a: {  	vm0 =	vmand vm0, vm1;
	v6 =	vnsel vm2, $0xF423F, v2  }
0x23b: {  	v7 =	vor.u32 s31, v0;
	v8 =	vsel vm0, $0xFFFFFFFF, v1;
	v6 =	vshll.u32 v6, $0x1  }
0x23c: {  	s5 =	sadd.s32 $0x10, s5;
	v46 =	vmulhi.u32 $0x51EB851F, v7;
	v3 =	vadd.s32 v8, v3;
	[tilespmem:v5+s14+$0x0] =	vst.idx.msk $0xffff, v6  }
0x23d: {  	v5 =	vld [tilespmem:s5+$0x0];
	v3 =	vmul.u32 $0x38, v3  }
0x23e: {  	v48 =	vand.u32 $0x38, v4;
	v47 =	vshrl.u32 v46, $0x4  }
0x23f: {  	v50 =	vand.u32 $0x7, v4;
	v49 =	vmul.u32 $0xFFFFFFCE, v47;
	v3 =	vadd.s32 v48, v3  }
0x240: {  	v3 =	vor.u32 v50, v3  }
0x241: {  	v51 =	vmov s31;
	v7 =	vadd.s32 v7, v49  }
0x242: {  	vm9 =	veq.s32 v51, v0;
	vm10 =	vne.s32 v7, $0x0;
	vm11 =	vlt.s32 v5, $0xF423F  }
0x243: {  	vm0 =	vmand vm9, vm10;
	v52 =	vnsel vm11, $0xF423F, v5  }
0x244: {  	v53 =	vsel vm0, $0xFFFFFFFF, v1;
	v4 =	vshll.u32 v52, $0x1  }
0x245: {  	s5 =	sadd.s32 $0x10, s5;
	v6 =	vadd.s32 v53, v47;
	[tilespmem:v3+s14+$0x0] =	vst.idx.msk $0xffff, v4  }
0x246: {  	v54 =	vmul.u32 $0x38, v6;
	v3 =	vld [tilespmem:s5+$0x0]  }
0x247: {  	v2 =	vxor.u32 $0x80000000, v2;
	v55 =	vand.u32 $0x38, v7  }
0x248: {  	(xrf0) =	vmax.scan.msk.u32 $0xffff, v2;
	v7 =	vand.u32 $0x7, v7;
	v4 =	vadd.s32 v55, v54  }
0x249: {  	v2 =	vor.u32 v7, v4  }
0x24a: {  	v56 =	vxor.u32 $0x80000000, v5  }
0x24b: {  	v57 =	vor.u32 s26, v0;
	(xrf0) =	vmax.scan.msk.u32 $0xffff, v56;
	vm12 =	vlt.s32 v3, $0xF423F  }
0x24c: {  	v59 =	vmulhi.u32 $0x51EB851F, v57;
	v58 =	vnsel vm12, $0xF423F, v3  }
0x24d: {  	v6 =	vshll.u32 v58, $0x1  }
0x24e: {  	s5 =	sadd.s32 $0x10, s5;
	v4 =	vshrl.u32 v59, $0x4;
	[tilespmem:v2+s14+$0x0] =	vst.idx.msk $0xffff, v6;
	v2, _, _ =	vpop (xrf0)  }
0x24f: {  	v3 =	vxor.u32 $0x80000000, v3;
	v6 =	vld [tilespmem:s5+$0x0];
	(v2sf) =	vpush v2, $0xF;
	v2 =	vmul.u32 $0xFFFFFFCE, v4  }
0x250: {  	(xrf0) =	vmax.scan.msk.u32 $0xffff, v3  }
0x251: {  	v3 =	vmov s26;
	v60, _, _ =	vpop (xrf0);
	v2 =	vadd.s32 v57, v2  }
0x252: {  	vm13 =	veq.s32 v3, v0;
	(v2sf) =	vpush v60, $0xF;
	vm14 =	vne.s32 v2, $0x0  }
0x253: {  	vm0 =	vmand vm13, vm14  }
0x254: {  	v3 =	vxor.u32 $0x80000000, v6;
	v61 =	vsel vm0, $0xFFFFFFFF, v1  }
0x255: {  	(xrf0) =	vmax.scan.msk.u32 $0xffff, v3;
	v3 =	vadd.s32 v61, v4  }
0x256: {  	v62, _, _ =	vpop (xrf0);
	v3 =	vmul.u32 $0x38, v3  }
0x257: {  	v63 =	vand.u32 $0x38, v2;
	(v2sf) =	vpush v62, $0xF  }
0x258: {  	v2 =	vand.u32 $0x7, v2;
	v3 =	vadd.s32 v63, v3  }
0x259: {  	v2 =	vor.u32 v2, v3  }
0x25a: {  	s11 =	spop (v2sf)  }
0x25b: {  	s5 =	sxor.u32 $0x80000000, s11;
	vm15 =	vlt.s32 v6, $0xF423F;
	v3, _, _ =	vpop (xrf0)  }
0x25c: {  	s7 =	spop (v2sf);
	p0 =	sgt.s32 s22, s5;
	(v2sf) =	vpush v3, $0xF;
	v3 =	vnsel vm15, $0xF423F, v6  }
0x25d: {  	s7 =	sxor.u32 $0x80000000, s7;
	s5 =	smov.u32 @p0 s22;
	v3 =	vshll.u32 v3, $0x1  }
0x25e: {  	s31 =	simm.s32 $0x119A0;
	p0 =	sgt.s32 s5, s7;
	s8 =	spop (v2sf);
	[tilespmem:v2+s14+$0x0] =	vst.idx.msk $0xffff, v3  }
0x25f: {  	[tilespmem:s16], [sflag:$0x1] =	stream.indirect.gather [hbm4b:s4+s15], $0x40, s14, s15, $0xb8;
	[tilespmem:$0x1C8A0] =	vst v63  }
0x260: {  	s11 =	simm.s32 $0x10D20;
	s7 =	smov.u32 @p0 s5;
	s5 =	sxor.u32 $0x80000000, s8  }
0x261: {  	s22 =	simm.s32 $0xFD58;
	s8 =	spop (v2sf);
	p0 =	sgt.s32 s7, s5  }
0x262: {  	[tilespmem:s11], [sflag:$0x1] =	stream.indirect.gather [hbm4b:s4+s15], $0x40, s22, s15, $0xb8;
	[tilespmem:$0x1C8A0] =	vst v63  }
0x263: {  	s26 =	simm.s32 $0xFD90;
	s5 =	smov.u32 @p0 s7;
	s7 =	sxor.u32 $0x80000000, s8  }
0x264: {  	s11 =	simm.s32 $0xFDC8;
	s22 =	simm.s32 $0x12620;
	p0 =	sgt.s32 s5, s7  }
0x265: {  	[tilespmem:s31], [sflag:$0x1] =	stream.indirect.gather [hbm4b:s4+s15], $0x40, s26, s15, $0xb8;
	[tilespmem:$0x1C8A0] =	vst v63  }
0x266: {  	s26 =	simm.s32 $0xFE00;
	s31 =	simm.s32 $0x132A0;
	s8 =	spop (v2sf)  }
0x267: {  	[tilespmem:s22], [sflag:$0x1] =	stream.indirect.gather [hbm4b:s4+s15], $0x40, s11, s15, $0xb8;
	[tilespmem:$0x1C8A0] =	vst v63  }
0x268: {  	s7 =	smov.u32 @p0 s5;
	s5 =	sxor.u32 $0x80000000, s8;
	s11 =	simm.s32 $0xFE38  }
0x269: {  	[tilespmem:s31], [sflag:$0x1] =	stream.indirect.gather [hbm4b:s4+s15], $0x40, s26, s15, $0xb8;
	[tilespmem:$0x1C8A0] =	vst v63  }
0x26a: {  	s22 =	simm.s32 $0x13F20;
	p0 =	sgt.s32 s7, s5;
	s26 =	simm.s32 $0xFE70  }
0x26b: {  	[tilespmem:s22], [sflag:$0x1] =	stream.indirect.gather [hbm4b:s4+s15], $0x40, s11, s15, $0xb8;
	[tilespmem:$0x1C8A0] =	vst v63  }
0x26c: {  	s31 =	simm.s32 $0x14BA0;
	s5 =	smov.u32 @p0 s7;
	s8 =	spop (v2sf)  }
0x26d: {  	[tilespmem:s31], [sflag:$0x1] =	stream.indirect.gather [hbm4b:s4+s15], $0x40, s26, s15, $0xb8;
	[tilespmem:$0x1C8A0] =	vst v63  }
0x26e: {  	s26 =	simm.s32 $0xFEA8;
	s31 =	simm.s32 $0x15820;
	s22 =	sxor.u32 $0x80000000, s8  }
0x26f: {  	[tilespmem:s31], [sflag:$0x1] =	stream.indirect.gather [hbm4b:s4+s15], $0x40, s26, s15, $0xb8;
	[tilespmem:$0x1C8A0] =	vst v63  }
0x270: {  	p0 =	sgt.s32 s5, s22  }
0x271: {  	s22 =	smov.u32 @p0 s5  }
.LBB2_15:
0x272: {  	_ =	swait.ge [sflag:s30], $0xC80  }
0x273: {  	[sflag:s30] =	ssyncset.done $0x0  }
0x274: {  	[sflag:s30] =	ssyncadd.s32 $0xFFFFF380  }
0x275: {  	_ =	swait.ge [sflag:s30], $0xC80  }
0x276: {  	[sflag:s30] =	ssyncset.done $0x0  }
0x277: {  	[sflag:s30] =	ssyncadd.s32 $0xFFFFF380  }
0x278: {  	_ =	swait.ge [sflag:s30], $0xC80  }
0x279: {  	[sflag:s30] =	ssyncset.done $0x0  }
0x27a: {  	[sflag:s30] =	ssyncadd.s32 $0xFFFFF380  }
0x27b: {  	_ =	swait.ge [sflag:s30], $0xC80  }
0x27c: {  	[sflag:s30] =	ssyncset.done $0x0  }
0x27d: {  	[sflag:s30] =	ssyncadd.s32 $0xFFFFF380  }
0x27e: {  	_ =	swait.ge [sflag:s30], $0xC80  }
0x27f: {  	[sflag:s30] =	ssyncset.done $0x0  }
0x280: {  	[sflag:s30] =	ssyncadd.s32 $0xFFFFF380  }
0x281: {  	_ =	swait.ge [sflag:s30], $0xC80  }
0x282: {  	[sflag:s30] =	ssyncset.done $0x0  }
0x283: {  	[sflag:s30] =	ssyncadd.s32 $0xFFFFF380  }
0x284: {  	p0 =	slt.s32 s24, $0xF4240;
	_ =	swait.ge [sflag:s30], $0xC80  }
.Ltmp13:
0x285: {  	[sflag:s30] =	ssyncset.done $0x0;
	(pc) =	sbr.rel @p0 .LBB2_19-.Ltmp13, $4  }
.Ltmp14:
0x286: {  	[sflag:s30] =	ssyncadd.s32 $0xFFFFF380;
	(pc) =	sbr.rel @!p0 .LBB2_16-.Ltmp14, $4  }
0x287: {  	_ =	swait.ge [sflag:s30], $0xC80  }
0x288: {  	[sflag:s30] =	ssyncset.done $0x0  }
0x289: {  	s24 =	simm.s32 $0xFB90;
	[sflag:s30] =	ssyncadd.s32 $0xFFFFF380  }
0x28a: {  	_ = 	snop  }
.LBB2_18:
0x28b: {  	s29 =	sadd.s32 $0x10, s29  }
0x28c: {  	p0 =	sne.s32 s29, $0x190  }
.Ltmp15:
0x28d: {  	_ = 	snop;
	(pc) =	sbr.rel @!p0 .LBB2_19-.Ltmp15, $2  }
0x28e: {  	_ =	sdelay $0x2  }
0x28f: {  	s24 =	sadd.s32 $0x10, s24  }
.LBB2_16:
0x290: {  	v2 =	vld [tilespmem:s24+$0x0];
	_ =	sdelay $0x4  }
0x291: {  	v3 =	vxor.u32 $0x80000000, v2  }
0x292: {  	(xrf0) =	vmax.scan.msk.u32 $0xffff, v3;
	_ =	sdelay $0x5  }
0x293: {  	v3, _, _ =	vpop (xrf0)  }
0x294: {  	(v2sf) =	vpush v3, $0xF;
	_ =	sdelay $0xe  }
0x295: {  	s5 =	spop (v2sf)  }
0x296: {  	p0 =	slt.u32 s5, $0x800F4240  }
.Ltmp16:
0x297: {  	_ = 	snop;
	(pc) =	sbr.rel @p0 .LBB2_18-.Ltmp16, $1  }
0x298: {  	_ =	sdelay $0x3  }
0x299: {  	v3 =	vor.u32 s29, v0  }
0x29a: {  	v4 =	vmulhi.u32 $0x51EB851F, v3;
	_ =	sdelay $0x1  }
0x29b: {  	v4 =	vshrl.u32 v4, $0x4  }
0x29c: {  	v5 =	vmul.u32 $0xFFFFFFCE, v4  }
0x29d: {  	vm0 =	vgt.s32 v2, $0xF423F;
	v2 =	vadd.s32 $0xFFF0BDC0, v2  }
0x29e: {  	v48 =	vmov s29;
	vm1 =	vgt.s32 v2, $0x0;
	v3 =	vadd.s32 v3, v5  }
0x29f: {  	vm15 =	veq.s32 v48, v0;
	v2 =	vnsel vm1, $0x0, v2;
	vm2 =	vne.s32 v3, $0x0  }
0x2a0: {  	v2 =	vshll.u32 v2, $0x6;
	vm1 =	vmand vm15, vm2  }
0x2a1: {  	v49 =	vsel vm1, $0xFFFFFFFF, v1  }
0x2a2: {  	v4 =	vadd.s32 v49, v4  }
0x2a3: {  	v4 =	vmul.u32 $0xC80, v4  }
0x2a4: {  	v3 =	vshll.u32 v3, $0x6  }
0x2a5: {  	v50 =	vld.idx.msk [tilespmem:v2+s3+$0x0], vm0;
	v3 =	vadd.s32 v3, v4  }
0x2a6: {  	v51 =	vor.u32 $0x1, v2;
	_ =	sdelay $0x3  }
0x2a7: {  	[tilespmem:v3+s1+$0x0] =	vst.idx.msk vm0, v50  }
0x2a8: {  	v52 =	vor.u32 $0x1, v3;
	v4 =	vld.idx.msk [tilespmem:v51+s3+$0x0], vm0  }
0x2a9: {  	v6 =	vor.u32 $0x2, v2;
	_ =	sdelay $0x3  }
0x2aa: {  	[tilespmem:v52+s1+$0x0] =	vst.idx.msk vm0, v4  }
0x2ab: {  	v53 =	vor.u32 $0x2, v3;
	v4 =	vld.idx.msk [tilespmem:v6+s3+$0x0], vm0  }
0x2ac: {  	v54 =	vor.u32 $0x3, v2;
	_ =	sdelay $0x3  }
0x2ad: {  	[tilespmem:v53+s1+$0x0] =	vst.idx.msk vm0, v4  }
0x2ae: {  	v55 =	vor.u32 $0x3, v3;
	v4 =	vld.idx.msk [tilespmem:v54+s3+$0x0], vm0  }
0x2af: {  	v56 =	vor.u32 $0x4, v2;
	_ =	sdelay $0x3  }
0x2b0: {  	[tilespmem:v55+s1+$0x0] =	vst.idx.msk vm0, v4  }
0x2b1: {  	v57 =	vor.u32 $0x4, v3;
	v4 =	vld.idx.msk [tilespmem:v56+s3+$0x0], vm0  }
0x2b2: {  	v58 =	vor.u32 $0x5, v2;
	_ =	sdelay $0x3  }
0x2b3: {  	[tilespmem:v57+s1+$0x0] =	vst.idx.msk vm0, v4  }
0x2b4: {  	v59 =	vor.u32 $0x5, v3;
	v4 =	vld.idx.msk [tilespmem:v58+s3+$0x0], vm0  }
0x2b5: {  	v60 =	vor.u32 $0x6, v2;
	_ =	sdelay $0x3  }
0x2b6: {  	[tilespmem:v59+s1+$0x0] =	vst.idx.msk vm0, v4  }
0x2b7: {  	v61 =	vor.u32 $0x6, v3;
	v4 =	vld.idx.msk [tilespmem:v60+s3+$0x0], vm0  }
0x2b8: {  	v62 =	vor.u32 $0x7, v2;
	_ =	sdelay $0x3  }
0x2b9: {  	[tilespmem:v61+s1+$0x0] =	vst.idx.msk vm0, v4  }
0x2ba: {  	v63 =	vor.u32 $0x7, v3;
	v4 =	vld.idx.msk [tilespmem:v62+s3+$0x0], vm0  }
0x2bb: {  	v9 =	vor.u32 $0x8, v2;
	_ =	sdelay $0x3  }
0x2bc: {  	[tilespmem:v63+s1+$0x0] =	vst.idx.msk vm0, v4  }
0x2bd: {  	v10 =	vor.u32 $0x8, v3;
	v4 =	vld.idx.msk [tilespmem:v9+s3+$0x0], vm0  }
0x2be: {  	v11 =	vor.u32 $0x9, v2;
	_ =	sdelay $0x3  }
0x2bf: {  	[tilespmem:v10+s1+$0x0] =	vst.idx.msk vm0, v4  }
0x2c0: {  	v12 =	vor.u32 $0x9, v3;
	v4 =	vld.idx.msk [tilespmem:v11+s3+$0x0], vm0  }
0x2c1: {  	v13 =	vor.u32 $0xA, v2;
	_ =	sdelay $0x3  }
0x2c2: {  	[tilespmem:v12+s1+$0x0] =	vst.idx.msk vm0, v4  }
0x2c3: {  	v14 =	vor.u32 $0xA, v3;
	v4 =	vld.idx.msk [tilespmem:v13+s3+$0x0], vm0  }
0x2c4: {  	v15 =	vor.u32 $0xB, v2;
	_ =	sdelay $0x3  }
0x2c5: {  	[tilespmem:v14+s1+$0x0] =	vst.idx.msk vm0, v4  }
0x2c6: {  	v16 =	vor.u32 $0xB, v3;
	v4 =	vld.idx.msk [tilespmem:v15+s3+$0x0], vm0  }
0x2c7: {  	v17 =	vor.u32 $0xC, v2;
	_ =	sdelay $0x3  }
0x2c8: {  	[tilespmem:v16+s1+$0x0] =	vst.idx.msk vm0, v4  }
0x2c9: {  	v18 =	vor.u32 $0xC, v3;
	v4 =	vld.idx.msk [tilespmem:v17+s3+$0x0], vm0  }
0x2ca: {  	v19 =	vor.u32 $0xD, v2;
	_ =	sdelay $0x3  }
0x2cb: {  	[tilespmem:v18+s1+$0x0] =	vst.idx.msk vm0, v4  }
0x2cc: {  	v20 =	vor.u32 $0xD, v3;
	v4 =	vld.idx.msk [tilespmem:v19+s3+$0x0], vm0  }
0x2cd: {  	v21 =	vor.u32 $0xE, v2;
	_ =	sdelay $0x3  }
0x2ce: {  	[tilespmem:v20+s1+$0x0] =	vst.idx.msk vm0, v4  }
0x2cf: {  	v22 =	vor.u32 $0xE, v3;
	v4 =	vld.idx.msk [tilespmem:v21+s3+$0x0], vm0  }
0x2d0: {  	v23 =	vor.u32 $0xF, v2;
	_ =	sdelay $0x3  }
0x2d1: {  	[tilespmem:v22+s1+$0x0] =	vst.idx.msk vm0, v4  }
0x2d2: {  	v24 =	vor.u32 $0xF, v3;
	v4 =	vld.idx.msk [tilespmem:v23+s3+$0x0], vm0  }
0x2d3: {  	v25 =	vor.u32 $0x10, v2;
	_ =	sdelay $0x3  }
0x2d4: {  	[tilespmem:v24+s1+$0x0] =	vst.idx.msk vm0, v4  }
0x2d5: {  	v26 =	vor.u32 $0x10, v3;
	v4 =	vld.idx.msk [tilespmem:v25+s3+$0x0], vm0  }
0x2d6: {  	v27 =	vor.u32 $0x11, v2;
	_ =	sdelay $0x3  }
0x2d7: {  	[tilespmem:v26+s1+$0x0] =	vst.idx.msk vm0, v4  }
0x2d8: {  	v28 =	vor.u32 $0x11, v3;
	v4 =	vld.idx.msk [tilespmem:v27+s3+$0x0], vm0  }
0x2d9: {  	v29 =	vor.u32 $0x12, v2;
	_ =	sdelay $0x3  }
0x2da: {  	[tilespmem:v28+s1+$0x0] =	vst.idx.msk vm0, v4  }
0x2db: {  	v30 =	vor.u32 $0x12, v3;
	v4 =	vld.idx.msk [tilespmem:v29+s3+$0x0], vm0  }
0x2dc: {  	v31 =	vor.u32 $0x13, v2;
	_ =	sdelay $0x3  }
0x2dd: {  	[tilespmem:v30+s1+$0x0] =	vst.idx.msk vm0, v4  }
0x2de: {  	v32 =	vor.u32 $0x13, v3;
	v4 =	vld.idx.msk [tilespmem:v31+s3+$0x0], vm0  }
0x2df: {  	v33 =	vor.u32 $0x14, v2;
	_ =	sdelay $0x3  }
0x2e0: {  	[tilespmem:v32+s1+$0x0] =	vst.idx.msk vm0, v4  }
0x2e1: {  	v34 =	vor.u32 $0x14, v3;
	v4 =	vld.idx.msk [tilespmem:v33+s3+$0x0], vm0  }
0x2e2: {  	v35 =	vor.u32 $0x15, v2;
	_ =	sdelay $0x3  }
0x2e3: {  	[tilespmem:v34+s1+$0x0] =	vst.idx.msk vm0, v4  }
0x2e4: {  	v36 =	vor.u32 $0x15, v3;
	v4 =	vld.idx.msk [tilespmem:v35+s3+$0x0], vm0  }
0x2e5: {  	v37 =	vor.u32 $0x16, v2;
	_ =	sdelay $0x3  }
0x2e6: {  	[tilespmem:v36+s1+$0x0] =	vst.idx.msk vm0, v4  }
0x2e7: {  	v38 =	vor.u32 $0x16, v3;
	v4 =	vld.idx.msk [tilespmem:v37+s3+$0x0], vm0  }
0x2e8: {  	v39 =	vor.u32 $0x17, v2;
	_ =	sdelay $0x3  }
0x2e9: {  	[tilespmem:v38+s1+$0x0] =	vst.idx.msk vm0, v4  }
0x2ea: {  	v40 =	vor.u32 $0x17, v3;
	v4 =	vld.idx.msk [tilespmem:v39+s3+$0x0], vm0  }
0x2eb: {  	v41 =	vor.u32 $0x18, v2;
	_ =	sdelay $0x3  }
0x2ec: {  	[tilespmem:v40+s1+$0x0] =	vst.idx.msk vm0, v4  }
0x2ed: {  	v42 =	vor.u32 $0x18, v3;
	v4 =	vld.idx.msk [tilespmem:v41+s3+$0x0], vm0  }
0x2ee: {  	v43 =	vor.u32 $0x19, v2;
	_ =	sdelay $0x3  }
0x2ef: {  	[tilespmem:v42+s1+$0x0] =	vst.idx.msk vm0, v4  }
0x2f0: {  	v44 =	vor.u32 $0x19, v3;
	v4 =	vld.idx.msk [tilespmem:v43+s3+$0x0], vm0  }
0x2f1: {  	v45 =	vor.u32 $0x1A, v2;
	_ =	sdelay $0x3  }
0x2f2: {  	[tilespmem:v44+s1+$0x0] =	vst.idx.msk vm0, v4  }
0x2f3: {  	v46 =	vor.u32 $0x1A, v3;
	v4 =	vld.idx.msk [tilespmem:v45+s3+$0x0], vm0  }
0x2f4: {  	v47 =	vor.u32 $0x1B, v2;
	_ =	sdelay $0x3  }
0x2f5: {  	[tilespmem:v46+s1+$0x0] =	vst.idx.msk vm0, v4  }
0x2f6: {  	v48 =	vor.u32 $0x1B, v3;
	v4 =	vld.idx.msk [tilespmem:v47+s3+$0x0], vm0  }
0x2f7: {  	v49 =	vor.u32 $0x1C, v2;
	_ =	sdelay $0x3  }
0x2f8: {  	[tilespmem:v48+s1+$0x0] =	vst.idx.msk vm0, v4  }
0x2f9: {  	v50 =	vor.u32 $0x1C, v3;
	v4 =	vld.idx.msk [tilespmem:v49+s3+$0x0], vm0  }
0x2fa: {  	v51 =	vor.u32 $0x1D, v2;
	_ =	sdelay $0x3  }
0x2fb: {  	[tilespmem:v50+s1+$0x0] =	vst.idx.msk vm0, v4  }
0x2fc: {  	v52 =	vor.u32 $0x1D, v3;
	v4 =	vld.idx.msk [tilespmem:v51+s3+$0x0], vm0  }
0x2fd: {  	v53 =	vor.u32 $0x1E, v2;
	_ =	sdelay $0x3  }
0x2fe: {  	[tilespmem:v52+s1+$0x0] =	vst.idx.msk vm0, v4  }
0x2ff: {  	v54 =	vor.u32 $0x1E, v3;
	v4 =	vld.idx.msk [tilespmem:v53+s3+$0x0], vm0  }
0x300: {  	v55 =	vor.u32 $0x1F, v2;
	_ =	sdelay $0x3  }
0x301: {  	[tilespmem:v54+s1+$0x0] =	vst.idx.msk vm0, v4  }
0x302: {  	v56 =	vor.u32 $0x1F, v3;
	v4 =	vld.idx.msk [tilespmem:v55+s3+$0x0], vm0  }
0x303: {  	v57 =	vor.u32 $0x20, v2;
	_ =	sdelay $0x3  }
0x304: {  	[tilespmem:v56+s1+$0x0] =	vst.idx.msk vm0, v4  }
0x305: {  	v58 =	vor.u32 $0x20, v3;
	v4 =	vld.idx.msk [tilespmem:v57+s3+$0x0], vm0  }
0x306: {  	v59 =	vor.u32 $0x21, v2;
	_ =	sdelay $0x3  }
0x307: {  	[tilespmem:v58+s1+$0x0] =	vst.idx.msk vm0, v4  }
0x308: {  	v60 =	vor.u32 $0x21, v3;
	v4 =	vld.idx.msk [tilespmem:v59+s3+$0x0], vm0  }
0x309: {  	v61 =	vor.u32 $0x22, v2;
	_ =	sdelay $0x3  }
0x30a: {  	[tilespmem:v60+s1+$0x0] =	vst.idx.msk vm0, v4  }
0x30b: {  	v62 =	vor.u32 $0x22, v3;
	v4 =	vld.idx.msk [tilespmem:v61+s3+$0x0], vm0  }
0x30c: {  	v63 =	vor.u32 $0x23, v2;
	_ =	sdelay $0x3  }
0x30d: {  	[tilespmem:v62+s1+$0x0] =	vst.idx.msk vm0, v4  }
0x30e: {  	v9 =	vor.u32 $0x23, v3;
	v4 =	vld.idx.msk [tilespmem:v63+s3+$0x0], vm0  }
0x30f: {  	v10 =	vor.u32 $0x24, v2;
	_ =	sdelay $0x3  }
0x310: {  	[tilespmem:v9+s1+$0x0] =	vst.idx.msk vm0, v4  }
0x311: {  	v11 =	vor.u32 $0x24, v3;
	v4 =	vld.idx.msk [tilespmem:v10+s3+$0x0], vm0  }
0x312: {  	v12 =	vor.u32 $0x25, v2;
	_ =	sdelay $0x3  }
0x313: {  	[tilespmem:v11+s1+$0x0] =	vst.idx.msk vm0, v4  }
0x314: {  	v13 =	vor.u32 $0x25, v3;
	v4 =	vld.idx.msk [tilespmem:v12+s3+$0x0], vm0  }
0x315: {  	v14 =	vor.u32 $0x26, v2;
	_ =	sdelay $0x3  }
0x316: {  	[tilespmem:v13+s1+$0x0] =	vst.idx.msk vm0, v4  }
0x317: {  	v15 =	vor.u32 $0x26, v3;
	v4 =	vld.idx.msk [tilespmem:v14+s3+$0x0], vm0  }
0x318: {  	v16 =	vor.u32 $0x27, v2;
	_ =	sdelay $0x3  }
0x319: {  	[tilespmem:v15+s1+$0x0] =	vst.idx.msk vm0, v4  }
0x31a: {  	v17 =	vor.u32 $0x27, v3;
	v4 =	vld.idx.msk [tilespmem:v16+s3+$0x0], vm0  }
0x31b: {  	v18 =	vor.u32 $0x28, v2;
	_ =	sdelay $0x3  }
0x31c: {  	[tilespmem:v17+s1+$0x0] =	vst.idx.msk vm0, v4  }
0x31d: {  	v19 =	vor.u32 $0x28, v3;
	v4 =	vld.idx.msk [tilespmem:v18+s3+$0x0], vm0  }
0x31e: {  	v20 =	vor.u32 $0x29, v2;
	_ =	sdelay $0x3  }
0x31f: {  	[tilespmem:v19+s1+$0x0] =	vst.idx.msk vm0, v4  }
0x320: {  	v21 =	vor.u32 $0x29, v3;
	v4 =	vld.idx.msk [tilespmem:v20+s3+$0x0], vm0  }
0x321: {  	v22 =	vor.u32 $0x2A, v2;
	_ =	sdelay $0x3  }
0x322: {  	[tilespmem:v21+s1+$0x0] =	vst.idx.msk vm0, v4  }
0x323: {  	v23 =	vor.u32 $0x2A, v3;
	v4 =	vld.idx.msk [tilespmem:v22+s3+$0x0], vm0  }
0x324: {  	v24 =	vor.u32 $0x2B, v2;
	_ =	sdelay $0x3  }
0x325: {  	[tilespmem:v23+s1+$0x0] =	vst.idx.msk vm0, v4  }
0x326: {  	v25 =	vor.u32 $0x2B, v3;
	v4 =	vld.idx.msk [tilespmem:v24+s3+$0x0], vm0  }
0x327: {  	v26 =	vor.u32 $0x2C, v2;
	_ =	sdelay $0x3  }
0x328: {  	[tilespmem:v25+s1+$0x0] =	vst.idx.msk vm0, v4  }
0x329: {  	v27 =	vor.u32 $0x2C, v3;
	v4 =	vld.idx.msk [tilespmem:v26+s3+$0x0], vm0  }
0x32a: {  	v28 =	vor.u32 $0x2D, v2;
	_ =	sdelay $0x3  }
0x32b: {  	[tilespmem:v27+s1+$0x0] =	vst.idx.msk vm0, v4  }
0x32c: {  	v29 =	vor.u32 $0x2D, v3;
	v4 =	vld.idx.msk [tilespmem:v28+s3+$0x0], vm0  }
0x32d: {  	v30 =	vor.u32 $0x2E, v2;
	_ =	sdelay $0x3  }
0x32e: {  	[tilespmem:v29+s1+$0x0] =	vst.idx.msk vm0, v4  }
0x32f: {  	v31 =	vor.u32 $0x2E, v3;
	v4 =	vld.idx.msk [tilespmem:v30+s3+$0x0], vm0  }
0x330: {  	v32 =	vor.u32 $0x2F, v2;
	_ =	sdelay $0x3  }
0x331: {  	[tilespmem:v31+s1+$0x0] =	vst.idx.msk vm0, v4  }
0x332: {  	v33 =	vor.u32 $0x2F, v3;
	v4 =	vld.idx.msk [tilespmem:v32+s3+$0x0], vm0  }
0x333: {  	v34 =	vor.u32 $0x30, v2;
	_ =	sdelay $0x3  }
0x334: {  	[tilespmem:v33+s1+$0x0] =	vst.idx.msk vm0, v4  }
0x335: {  	v35 =	vor.u32 $0x30, v3;
	v4 =	vld.idx.msk [tilespmem:v34+s3+$0x0], vm0  }
0x336: {  	v36 =	vor.u32 $0x31, v2;
	_ =	sdelay $0x3  }
0x337: {  	[tilespmem:v35+s1+$0x0] =	vst.idx.msk vm0, v4  }
0x338: {  	v37 =	vor.u32 $0x31, v3;
	v4 =	vld.idx.msk [tilespmem:v36+s3+$0x0], vm0  }
0x339: {  	v38 =	vor.u32 $0x32, v2;
	_ =	sdelay $0x3  }
0x33a: {  	[tilespmem:v37+s1+$0x0] =	vst.idx.msk vm0, v4  }
0x33b: {  	v39 =	vor.u32 $0x32, v3;
	v4 =	vld.idx.msk [tilespmem:v38+s3+$0x0], vm0  }
0x33c: {  	v40 =	vor.u32 $0x33, v2;
	_ =	sdelay $0x3  }
0x33d: {  	[tilespmem:v39+s1+$0x0] =	vst.idx.msk vm0, v4  }
0x33e: {  	v41 =	vor.u32 $0x33, v3;
	v4 =	vld.idx.msk [tilespmem:v40+s3+$0x0], vm0  }
0x33f: {  	v42 =	vor.u32 $0x34, v2;
	_ =	sdelay $0x3  }
0x340: {  	[tilespmem:v41+s1+$0x0] =	vst.idx.msk vm0, v4  }
0x341: {  	v43 =	vor.u32 $0x34, v3;
	v4 =	vld.idx.msk [tilespmem:v42+s3+$0x0], vm0  }
0x342: {  	v44 =	vor.u32 $0x35, v2;
	_ =	sdelay $0x3  }
0x343: {  	[tilespmem:v43+s1+$0x0] =	vst.idx.msk vm0, v4  }
0x344: {  	v45 =	vor.u32 $0x35, v3;
	v4 =	vld.idx.msk [tilespmem:v44+s3+$0x0], vm0  }
0x345: {  	v46 =	vor.u32 $0x36, v2;
	_ =	sdelay $0x3  }
0x346: {  	[tilespmem:v45+s1+$0x0] =	vst.idx.msk vm0, v4  }
0x347: {  	v47 =	vor.u32 $0x36, v3;
	v4 =	vld.idx.msk [tilespmem:v46+s3+$0x0], vm0  }
0x348: {  	v48 =	vor.u32 $0x37, v2;
	_ =	sdelay $0x3  }
0x349: {  	[tilespmem:v47+s1+$0x0] =	vst.idx.msk vm0, v4  }
0x34a: {  	v49 =	vor.u32 $0x37, v3;
	v4 =	vld.idx.msk [tilespmem:v48+s3+$0x0], vm0  }
0x34b: {  	v50 =	vor.u32 $0x38, v2;
	_ =	sdelay $0x3  }
0x34c: {  	[tilespmem:v49+s1+$0x0] =	vst.idx.msk vm0, v4  }
0x34d: {  	v51 =	vor.u32 $0x38, v3;
	v4 =	vld.idx.msk [tilespmem:v50+s3+$0x0], vm0  }
0x34e: {  	v52 =	vor.u32 $0x39, v2;
	_ =	sdelay $0x3  }
0x34f: {  	[tilespmem:v51+s1+$0x0] =	vst.idx.msk vm0, v4  }
0x350: {  	v53 =	vor.u32 $0x39, v3;
	v4 =	vld.idx.msk [tilespmem:v52+s3+$0x0], vm0  }
0x351: {  	v54 =	vor.u32 $0x3A, v2;
	_ =	sdelay $0x3  }
0x352: {  	[tilespmem:v53+s1+$0x0] =	vst.idx.msk vm0, v4  }
0x353: {  	v55 =	vor.u32 $0x3A, v3;
	v4 =	vld.idx.msk [tilespmem:v54+s3+$0x0], vm0  }
0x354: {  	v56 =	vor.u32 $0x3B, v2;
	_ =	sdelay $0x3  }
0x355: {  	[tilespmem:v55+s1+$0x0] =	vst.idx.msk vm0, v4  }
0x356: {  	v57 =	vor.u32 $0x3B, v3;
	v4 =	vld.idx.msk [tilespmem:v56+s3+$0x0], vm0  }
0x357: {  	v58 =	vor.u32 $0x3C, v2;
	_ =	sdelay $0x3  }
0x358: {  	[tilespmem:v57+s1+$0x0] =	vst.idx.msk vm0, v4  }
0x359: {  	v59 =	vor.u32 $0x3C, v3;
	v4 =	vld.idx.msk [tilespmem:v58+s3+$0x0], vm0  }
0x35a: {  	v60 =	vor.u32 $0x3D, v2;
	_ =	sdelay $0x3  }
0x35b: {  	[tilespmem:v59+s1+$0x0] =	vst.idx.msk vm0, v4  }
0x35c: {  	v61 =	vor.u32 $0x3D, v3;
	v4 =	vld.idx.msk [tilespmem:v60+s3+$0x0], vm0  }
0x35d: {  	v62 =	vor.u32 $0x3E, v2;
	_ =	sdelay $0x3  }
0x35e: {  	[tilespmem:v61+s1+$0x0] =	vst.idx.msk vm0, v4  }
0x35f: {  	v63 =	vor.u32 $0x3E, v3;
	v4 =	vld.idx.msk [tilespmem:v62+s3+$0x0], vm0  }
0x360: {  	v2 =	vor.u32 $0x3F, v2;
	_ =	sdelay $0x3  }
0x361: {  	[tilespmem:v63+s1+$0x0] =	vst.idx.msk vm0, v4  }
0x362: {  	v3 =	vor.u32 $0x3F, v3;
	v2 =	vld.idx.msk [tilespmem:v2+s3+$0x0], vm0  }
.Ltmp17:
0x363: {  	_ = 	snop;
	(pc) =	sbr.rel .LBB2_18-.Ltmp17, $2  }
0x364: {  	_ =	sdelay $0x2  }
0x365: {  	[tilespmem:v3+s1+$0x0] =	vst.idx.msk vm0, v2  }
.LBB2_21:
0x366: {  	_ =	sfence.sel $0x180000  }
0x367: {  	[bflag:$0x0] =	sbarrier.arrive $0xFFFF  }
0x368: {  	_ =	strace $0x9000004A  }
0x369: {  	s0 =	stileid.u32;
	[bflag:$0x2] =	sbarrier.arrive $0xFFFF  }
0x36a: {  	p0 =	sne.s32 s0, $0x0;
	s0 =	rddreg [dreg:$0x2]  }
0x36b: {  	s0 =	sadd.s32 @!p0 $0x100000, s0  }
0x36c: {  	[sflag:s0] =	ssyncadd.tile.s32 @!p0 $0x1;
	_ =	shalt  }
.Lfunc_end2:
_tile_overlayer_lowered:
.L_overlay_start_2:
0x36d: {  	(tag) =	ssettag $0x2  }
0x36e: {  	s0 =	rddreg [dreg:$0x0];
	s2 =	stileid.u32  }
0x36f: {  	s1 =	rddreg [dreg:$0x1];
	p0 =	sne.s32 s2, $0x0  }
0x370: {  	s3 =	rddreg [dreg:$0x2];
	[bflag:$0x3] =	sbarrier.arrive $0xFFFF;
	s2 =	simm.s32 @!p0 $0x1C06  }
0x371: {  	[timem:s3], [sflag:s2] =	dma.local @!p0 [hbm:s0], s1  }
0x372: {  	s0 =	simm.s32 @!p0 $0x6  }
0x373: {  	_ =	swait.ge @!p0 [sflag:s0], s1  }
0x374: {  	s1 =	ssub.s32 @!p0 $0x0, s1;
	[sflag:s0] =	ssyncset.done @!p0 $0x0  }
0x375: {  	[sflag:s0] =	ssyncadd.s32 @!p0 s1  }
0x376: {  	[bflag:$0x3] =	sbarrier.arrive $0xFFFF  }
0x377: {  	_ =	shalt  }

// kernel: sparse-core-data-format-call.1.cloned.1.call-start
scs
called_computation.1_lowered:
.L_overlay_start_0:
0x0: {  	s2 =	sld [smem:$0x3FD9]  }
0x1: {  	s3 =	sld [smem:$0x3FFE];
	_ =	sdelay $0x1  }
0x2: {  	s1 =	srdreg.scid  }
0x3: {  	s0 =	sand.u32 $0x1, s1  }
0x4: {  	s18 =	sshll.u32 s0, $0xA;
	s2 =	sadd.s32 s3, s2  }
0x5: {  	s2 =	sadd.s32 s2, s18  }
0x6: {  	[smem:$0x3FC5] =	sst s2  }
0x7: {  	_ = 	snop  }
0x8: {  	s2 =	sld [smem:$0x3FC9];
	(tm) =	ssettm $0x1  }
0x9: {  	s19 =	sld [smem:$0x3FFB];
	_ =	sdelay $0x3  }
0xa: {  	_ =	strace s19  }
0xb: {  	s3 =	sld [smem:$0x3FFC];
	_ =	sdelay $0x3  }
0xc: {  	_ =	strace s3  }
0xd: {  	s3 =	sld [smem:$0x3FFD];
	_ =	sdelay $0x3  }
0xe: {  	_ =	strace s3  }
0xf: {  	_ =	strace $0x8FFFFFFF  }
0x10: {  	s20 =	sld [smem:$0x3FDB];
	_ =	sdelay $0x1  }
0x11: {  	s4 =	simm.s32 $_scs_section_size  }
0x12: {  	s5 =	simm.s32 $_size__tile_overlayer_lowered;
	s6 =	simm.s32 $_tile_overlayer_lowered  }
0x13: {  	s23 =	simm.s32 $0x1BFF;
	s22 =	sshll.u32 s6, $0x1;
	s3 =	sadd.s32 s4, s20  }
0x14: {  	s7 =	simm.s32 $0x0;
	s21 =	sshll.u32 s5, $0x1;
	s5 =	sadd.s32 s22, s3  }
0x15: {  	[timem:s7], [sflag:s23] =	dma.local [hbm:s5], s21  }
0x16: {  	_ =	swait.ge [sflag:s23], s21  }
0x17: {  	s4 =	ssub.s32 $0x0, s21;
	[sflag:s23] =	ssyncset.done $0x0  }
0x18: {  	[sflag:s23] =	ssyncadd.s32 s4;
	_ =	sdelay $0x1  }
0x19: {  	s24 =	simm.s32 $0x1B8B  }
0x1a: {  	_ =	swait.ge [sflag:s24], $0x1  }
0x1b: {  	[sflag:s24] =	ssyncset.done $0x0  }
0x1c: {  	s26 =	simm.s32 $0x1B8E;
	s25 =	sld [smem:$0x3FFE];
	[sflag:s24] =	ssyncadd.s32 $0xFFFFFFFF  }
0x1d: {  	s27 =	simm.s32 $execute0_lowered;
	[smem:$0x3FD2] =	sst s26  }
0x1e: {  	s5 =	sshll.u32 s27, $0x1;
	_ =	strace $0x80000046;
	[dreg:$0x1] =	wrdreg $0xFFFFFFFF  }
0x1f: {  	s28 =	simm.s32 $_size_execute0_lowered;
	s3 =	sadd.s32 s3, s5;
	[dreg:$0x0] =	wrdreg $0x0  }
0x20: {  	s5 =	sshll.u32 s28, $0x1;
	[dreg:$0x2] =	wrdreg s3  }
0x21: {  	[dreg:$0x3] =	wrdreg s5  }
0x22: {  	[dreg:$0x4] =	wrdreg $0xC0  }
0x23: {  	_ =	task [dreg:s7], $0x5FFFF  }
0x24: {  	[dreg:$0x1] =	wrdreg $0xFFFFFFFF  }
0x25: {  	[dreg:$0x0] =	wrdreg $0x60  }
0x26: {  	[dreg:$0x2] =	wrdreg s2  }
0x27: {  	[dreg:$0x3] =	wrdreg s25  }
0x28: {  	[dreg:$0x4] =	wrdreg $0x9  }
0x29: {  	_ =	task.clear_ibuf [dreg:s7], $0x5FFFF;
	_ =	strace $0x90000046  }
0x2a: {  	s29 =	simm.s32 $0x9;
	_ =	strace $0x80000048  }
0x2b: {  	_ =	swait.ge [sflag:s29], $0x1  }
0x2c: {  	[sflag:s29] =	ssyncadd.s32 $0xFFFFFFFF  }
0x2d: {  	_ =	strace $0x90000048  }
0x2e: {  	_ =	sfence  }
0x2f: {  	s30 =	sld [smem:$0x0];
	_ =	sdelay $0x2  }
0x30: {  	s31 =	sshll.u32 s1, $0xD;
	s1 =	sshrl.u32 s1, $0x2  }
0x31: {  	s3 =	sand.u32 $0x4000, s31;
	s1 =	sadd.s32 s1, s30  }
0x32: {  	s0 =	sor.u32 s3, s0;
	s1 =	sshll.u32 s1, $0x11  }
0x33: {  	s0 =	sor.u32 s1, s0  }
0x34: {  	s0 =	sadd.s32 $0x8F2B, s0  }
0x35: {  	[sflag:s0] =	ssyncadd.remote.s32 $0x1  }
0x36: {  	_ =	sfence.sel $0xFFFF  }
0x37: {  	[dreg:$0x0] =	wrdreg $0xFFFFFFFF;
	(pc) =	sbr.abs _section_cstart, $3  }
0x38: {  	[dreg:$0x1] =	wrdreg $0xFFFFFFFF  }
0x39: {  	_ =	task.clear_ibuf [dreg:s7], $0x2FFFF;
	_ =	strace $0x9FFFFFFF  }
0x3a: {  	(tm) =	ssettm $0x7FFFFFFF  }
0x3b: {  	_ =	shalt  }
tec
execute0_lowered:
.L_overlay_start_1:
0x0: {  	(tag) =	ssettag $0x1  }
0x1: {  	s0 =	srdreg.scid;
	s2 =	rddreg [dreg:$0x0]  }
0x2: {  	s5 =	rddreg [dreg:$0x1];
	s1 =	stileid.u32  }
0x3: {  	s4 =	simm.s32 $0x1;
	s6 =	simm.s32 $0x2;
	s15 =	simm.s32 $0x0  }
0x4: {  	p0 =	por $0x0, $0x0;
	s8 =	simm.s32 $0x80;
	s0 =	sshll.u32 s0, $0x4  }
0x5: {  	s14 =	simm.s32 $0x0;
	s9 =	simm.s32 $0x0;
	s3 =	sand.u32 $0x10, s0  }
.Ltmp0:
0x6: {  	s10 =	simm.s32 $0x0;
	s3 =	sor.u32 s1, s3;
	(pc) =	sbr.rel .LBB1_1-.Ltmp0, $4  }
0x7: {  	s0 =	rddreg [dreg:$0x2];
	_ =	strace $0x80000047;
	s3 =	sshll.u32 s3, $0x7  }
0x8: {  	s12 =	simm.s32 $0x0;
	[sflag:s4] =	ssyncpa.u1 $0x0;
	s7 =	ssub.s32 $0xF4200, s3  }
0x9: {  	s13 =	simm.s32 $0x0;
	[sflag:s6] =	ssyncpa.u1 $0x0;
	s6 =	sshrl.u32 s7, $0xC  }
0xa: {  	s5 =	sadd.s32 $0x1000, s5;
	s11 =	smov.u32 s3;
	s7 =	sadd.s32 $0x2, s6  }
.LBB1_5:
0xb: {  	p1 =	slt.u32 s13, $0x2  }
0xc: {  	s17 =	smov.u32 s15;
	p2 =	sgt.s32 @!p1 s15, $0xF41C0;
	s16 =	sshra.s32 @!p1 s15, $0x1F  }
0xd: {  	p3 =	sgt.s32 @!p1 s14, $0x40;
	s18 =	sshra.s32 @!p1 s14, $0x1F;
	p2 =	por !p2, p1  }
0xe: {  	s15 =	sand.u32 @!p1 s16, s15;
	p3 =	por !p3, p1;
	s16 =	smov.u32 s14  }
0xf: {  	s14 =	sand.u32 @!p1 s18, s14;
	s17 =	simm.s32 @p2 $0xF41C0;
	s16 =	simm.s32 @p3 $0x40  }
0x10: {  	s15 =	ssub.s32 @!p1 s17, s15;
	s14 =	ssub.s32 @!p1 s16, s14  }
0x11: {  	s18 =	smov.u32 s12;
	s16 =	sadd.s32 @!p1 $0xFFF0BE40, s15;
	s17 =	sadd.s32 @!p1 $0xFFFFFFC0, s14  }
0x12: {  	s15 =	ssub.s32 @!p1 $0xF4240, s15;
	p2 =	sgt.s32 @!p1 s16, $0x7F;
	p3 =	sgt.s32 @!p1 s17, $0x3F  }
0x13: {  	s14 =	ssub.s32 @!p1 $0x80, s14;
	p2 =	por !p2, p1;
	p3 =	por !p3, p1  }
0x14: {  	s16 =	sadd.s32 $0x1000, s11;
	s15 =	simm.s32 @!p2 $0x0;
	s14 =	simm.s32 @!p3 $0x0  }
0x15: {  	p2 =	sgt.s32 s16, $0xF423F;
	s14 =	smul.u32 @!p1 s14, s15;
	s15 =	sadd.s32 $0x40, s12  }
0x16: {  	s18 =	smov.u32 @p2 s15  }
0x17: {  	s16 =	smov.u32 @p2 s3;
	p2 =	sgt.s32 s18, $0x3F  }
0x18: {  	s18 =	simm.s32 @p2 $0x0;
	p2 =	sne.s32 s13, s7  }
.Ltmp1:
0x19: {  	p0 =	por !p0, !p0;
	s17 =	simm.s32 @!p1 $0x2;
	(pc) =	sbr.rel @!p2 .LBB1_6-.Ltmp1, $4  }
0x1a: {  	s15 =	smov.u32 s9;
	s9 =	smov.u32 s11;
	s14 =	sand.u32 @!p1 $0x3FFFFFFF, s14  }
0x1b: {  	s11 =	smov.u32 s16;
	_ =	swait.ge @!p1 [sflag:s17], s14;
	s19 =	ssub.s32 @!p1 $0x0, s14  }
0x1c: {  	s14 =	smov.u32 s10;
	s13 =	sadd.s32 $0x1, s13;
	[sflag:s17] =	ssyncset.done @!p1 $0x0  }
0x1d: {  	s10 =	smov.u32 s12;
	s12 =	smov.u32 s18;
	[sflag:s17] =	ssyncadd.s32 @!p1 s19  }
.LBB1_1:
0x1e: {  	p1 =	sgt.u32 s13, s6  }
0x1f: {  	s16 =	sshrl.u32 @!p1 s12, $0x3  }
0x20: {  	s17 =	sshll.u32 @!p1 s11, $0x3;
	s16 =	smul.u32 @!p1 $0x7A1400, s16  }
0x21: {  	s18 =	sshll.u32 @!p1 s12, $0x7;
	s17 =	sand.u32 @!p1 $0xFFFFFC00, s17  }
0x22: {  	s16 =	sadd.s32 @!p1 s16, s17;
	s17 =	sand.u32 @!p1 $0x380, s18  }
0x23: {  	s18 =	sand.u32 @!p1 $0x7F, s11;
	s16 =	sor.u32 @!p1 s17, s16  }
0x24: {  	s17 =	sor.u32 @!p1 s18, s16  }
0x25: {  	s18 =	smulhi.u32 @!p1 $0x218D6287, s17;
	_ =	sdelay $0x1  }
0x26: {  	s16 =	smulhi.u32 @!p1 $0x218D6287, s16;
	s18 =	sshrl.u32 @!p1 s18, $0x11  }
0x27: {  	s18 =	smul.u32 @!p1 $0xF4280, s18  }
0x28: {  	s19 =	sxor.u32 @!p1 $0xFFFFFFFF, s13;
	s16 =	sshrl.u32 @!p1 s16, $0x11  }
0x29: {  	s19 =	sshll.u32 @!p1 s19, $0xD;
	s16 =	sand.u32 @!p1 $0x3F, s16;
	s17 =	ssub.s32 @!p1 s17, s18  }
0x2a: {  	s16 =	smul.u32 @!p1 $0x1E850, s16;
	s18 =	sshrl.u32 @!p1 s17, $0x3;
	s17 =	sand.u32 @!p1 $0x7, s17  }
0x2b: {  	s19 =	sand.u32 @!p1 $0x2000, s19;
	s18 =	sadd.s32 @!p1 s2, s18;
	s17 =	sshll.u32 @!p1 s17, $0x12  }
0x2c: {  	s16 =	sadd.s32 @!p1 s16, s18;
	s17 =	sor.u32 @!p1 $0x400, s17;
	s18 =	simm.s32 @!p1 $0x7A1400  }
0x2d: {  	[tilespmem:s19], [sflag:$0x1] =	stream.strided.gather @!p1 [hbm4b:s16+s17], $0x2000, s18, s17, $0x38;
	[tilespmem:$0x8100] =	vst v63  }
0x2e: {  	p1 =	seq.s32 s13, $0x0  }
0x2f: {  	p2 =	sge.u32 @!p1 s13, s7  }
0x30: {  	p1 =	por p1, p2  }
.Ltmp2:
0x31: {  	_ = 	snop;
	(pc) =	sbr.rel @p1 .LBB1_5-.Ltmp2, $1  }
0x32: {  	_ =	sdelay $0x3  }
0x33: {  	s16 =	simm.s32 $0x1  }
0x34: {  	_ =	swait.ge [sflag:s4], $0x2000;
	s16 =	simm.s32 @!p0 $0x0  }
0x35: {  	[sflag:s4] =	ssyncset.done $0x0;
	s17 =	sshll.u32 s16, $0xD  }
0x36: {  	[sflag:s4] =	ssyncadd.s32 $0xFFFFE000;
	s17 =	sor.u32 $0x40, s17  }
0x37: {  	s16 =	smul.u32 $0x8200, s16;
	v0 =	vld [tilespmem:s17+$0x30]  }
0x38: {  	v1 =	vld [tilespmem:s17+$0xFFFFFFD0]  }
0x39: {  	s16 =	sshrl.u32 s16, $0x2;
	v5 =	vld [tilespmem:s17+$0xFFFFFFE0]  }
0x3a: {  	v6 =	vld [tilespmem:s17+$0xFFFFFFF0];
	s19 =	sor.u32 $0x4000, s16  }
0x3b: {  	s31 =	sand.u32 $0x1, s13;
	v4 =	vld [tilespmem:s17+$0x0];
	s18 =	sadd.s32 $0x0, s19  }
0x3c: {  	v3 =	vld [tilespmem:s17+$0x10];
	s16 =	smul.u32 $0x8200, s31;
	[tilespmem:s18+$0x1C70 ss:$0x41] =	vst.msk $0xffff, v0  }
0x3d: {  	v2 =	vld [tilespmem:s17+$0x20];
	[tilespmem:s18+$0x410 ss:$0x41] =	vst.msk $0xffff, v1  }
0x3e: {  	s16 =	sshrl.u32 s16, $0x2;
	v1 =	vld [tilespmem:s17+$0xFFFFFFC0];
	[tilespmem:s18+$0x820 ss:$0x41] =	vst.msk $0xffff, v5;
	s17 =	sadd.s32 $0x80, s17  }
0x3f: {  	s20 =	simm.s32 $0x4;
	s21 =	simm.s32 $0x8;
	s16 =	sor.u32 $0x4000, s16;
	[tilespmem:s18+$0xC30 ss:$0x41] =	vst.msk $0xffff, v6;
	v0 =	vld [tilespmem:s17+$0x30]  }
.LBB1_3:
0x40: {  	p1 =	sne.s32 s21, $0xFC;
	v5 =	vld [tilespmem:s17+$0xFFFFFFD0];
	[tilespmem:s18+$0x1040 ss:$0x41] =	vst.msk $0xffff, v4  }
0x41: {  	v6 =	vld [tilespmem:s17+$0xFFFFFFE0];
	[tilespmem:s18+$0x1450 ss:$0x41] =	vst.msk $0xffff, v3  }
0x42: {  	s22 =	sshra.s32 s20, $0x2;
	s20 =	smov.u32 s21;
	v7 =	vld [tilespmem:s17+$0xFFFFFFF0];
	[tilespmem:s18+$0x1860 ss:$0x41] =	vst.msk $0xffff, v2  }
.Ltmp3:
0x43: {  	v4 =	vld [tilespmem:s17+$0x0];
	[tilespmem:s18+$0x0 ss:$0x41] =	vst.msk $0xffff, v1;
	s18 =	sadd.s32 s22, s19;
	(pc) =	sbr.rel @p1 .LBB1_3-.Ltmp3, $4  }
0x44: {  	v3 =	vld [tilespmem:s17+$0x10];
	[tilespmem:s18+$0x1C70 ss:$0x41] =	vst.msk $0xffff, v0  }
0x45: {  	[tilespmem:s18+$0x410 ss:$0x41] =	vst.msk $0xffff, v5;
	v2 =	vld [tilespmem:s17+$0x20]  }
0x46: {  	v1 =	vld [tilespmem:s17+$0xFFFFFFC0];
	[tilespmem:s18+$0x820 ss:$0x41] =	vst.msk $0xffff, v6;
	s17 =	sadd.s32 $0x80, s17  }
0x47: {  	s21 =	sadd.s32 $0x4, s21;
	v0 =	vld [tilespmem:s17+$0x30];
	[tilespmem:s18+$0xC30 ss:$0x41] =	vst.msk $0xffff, v7  }
0x48: {  	s21 =	sshll.u32 s9, $0x7;
	s22 =	sshll.u32 s10, $0x3;
	s20 =	sshra.s32 s20, $0x2  }
0x49: {  	p1 =	sgt.s32 s9, $0xF41C0;
	s30 =	sshra.s32 s9, $0x1F;
	s25 =	sshra.s32 s10, $0x1F  }
0x4a: {  	v5 =	vld [tilespmem:s17+$0xFFFFFFD0];
	s28 =	sshrl.u32 s10, $0x3;
	s23 =	sand.u32 $0xFFFFFC00, s21;
	s22 =	sand.u32 $0xFFFFFC00, s22  }
0x4b: {  	[tilespmem:s18+$0x1040 ss:$0x41] =	vst.msk $0xffff, v4;
	v58 =	vld [tilespmem:s17+$0xFFFFFFE0];
	s21 =	sand.u32 $0x380, s21;
	s19 =	sadd.s32 s20, s19;
	s22 =	sadd.s32 s22, s23  }
0x4c: {  	v59 =	vld [tilespmem:s17+$0xFFFFFFF0];
	[tilespmem:s18+$0x1450 ss:$0x41] =	vst.msk $0xffff, v3;
	s29 =	sor.u32 s21, s22;
	s21 =	smov.u32 s9;
	s22 =	sand.u32 s30, s9  }
0x4d: {  	v60 =	vld [tilespmem:s17+$0x0];
	[tilespmem:s18+$0x1860 ss:$0x41] =	vst.msk $0xffff, v2;
	s30 =	sand.u32 $0x7, s10;
	s20 =	sshrl.u32 s29, $0x7;
	s21 =	simm.s32 @!p1 $0xF41C0  }
0x4e: {  	v61 =	vld [tilespmem:s17+$0x10];
	[tilespmem:s18+$0x0 ss:$0x41] =	vst.msk $0xffff, v1;
	p1 =	sgt.s32 s10, $0x40;
	s24 =	ssub.s32 s21, s22;
	s21 =	smov.u32 s10  }
0x4f: {  	v62 =	vld [tilespmem:s17+$0x20];
	[tilespmem:s19+$0x1C70 ss:$0x41] =	vst.msk $0xffff, v0;
	s31 =	smulhi.u32 $0x218DEF5, s20;
	s22 =	sand.u32 s25, s10;
	s21 =	simm.s32 @!p1 $0x40  }
0x50: {  	v63 =	vld [tilespmem:s17+$0xFFFFFFC0];
	[tilespmem:s19+$0x410 ss:$0x41] =	vst.msk $0xffff, v5;
	s26 =	sadd.s32 $0xFFF0BE40, s24;
	s17 =	ssub.s32 $0xF4240, s24;
	s21 =	ssub.s32 s21, s22  }
0x51: {  	[tilespmem:s19+$0x820 ss:$0x41] =	vst.msk $0xffff, v58;
	s23 =	sshrl.u32 s31, $0xD;
	p1 =	sgt.s32 s26, $0x7F;
	s27 =	sadd.s32 $0xFFFFFFC0, s21  }
0x52: {  	[tilespmem:s19+$0xC30 ss:$0x41] =	vst.msk $0xffff, v59;
	s23 =	smul.u32 $0xF4240, s23;
	s18 =	ssub.s32 $0x80, s21;
	p2 =	sgt.s32 s27, $0x3F  }
.Ltmp4:
0x53: {  	[tilespmem:s19+$0x1040 ss:$0x41] =	vst.msk $0xffff, v60;
	s17 =	simm.s32 @p1 $0x0;
	s18 =	simm.s32 @p2 $0x0;
	(pc) =	sbr.rel .LBB1_5-.Ltmp4, $4  }
0x54: {  	s29 =	sand.u32 $0xF, s28;
	[tilespmem:s19+$0x1450 ss:$0x41] =	vst.msk $0xffff, v61;
	s20 =	ssub.s32 s20, s23;
	s17 =	smul.u32 s18, s17  }
0x55: {  	[tilespmem:s19+$0x1860 ss:$0x41] =	vst.msk $0xffff, v62;
	s21 =	sshll.u32 s30, $0x12;
	s20 =	sshll.u32 s20, $0x4;
	s18 =	sadd.s32 s5, s29  }
0x56: {  	[tilespmem:s19+$0x0 ss:$0x41] =	vst.msk $0xffff, v63;
	s31 =	sor.u32 $0x40, s21;
	s18 =	sadd.s32 s20, s18;
	s17 =	sand.u32 $0x3FFFFFFF, s17  }
0x57: {  	[hbm4b:s18+s31] =	stream.strided.scatter [tilespmem:s16], [sflag:$0x2], s17, s8, s31, $0x18;
	[tilespmem:$0x8100] =	vst v63  }
.LBB1_6:
0x58: {  	_ =	sfence.sel $0x180000  }
0x59: {  	s2 =	simm.s32 $0x1;
	[bflag:$0x0] =	sbarrier.arrive $0xFFFF  }
0x5a: {  	s31 =	simm.s32 $0x2;
	[sflag:s2] =	ssyncpa.u1 $0x1  }
0x5b: {  	[sflag:s31] =	ssyncpa.u1 $0x1  }
0x5c: {  	p0 =	sne.s32 s1, $0x0;
	_ =	strace $0x90000047  }
0x5d: {  	s0 =	sadd.s32 @!p0 $0x100000, s0;
	[bflag:$0x2] =	sbarrier.arrive $0xFFFF  }
0x5e: {  	[sflag:s0] =	ssyncadd.tile.s32 @!p0 $0x1;
	_ =	shalt  }
.Lfunc_end1:
_tile_overlayer_lowered:
.L_overlay_start_2:
0x5f: {  	(tag) =	ssettag $0x2  }
0x60: {  	s0 =	rddreg [dreg:$0x0];
	s2 =	stileid.u32  }
0x61: {  	s1 =	rddreg [dreg:$0x1];
	p0 =	sne.s32 s2, $0x0  }
0x62: {  	s3 =	rddreg [dreg:$0x2];
	[bflag:$0x3] =	sbarrier.arrive $0xFFFF;
	s2 =	simm.s32 @!p0 $0x1C01  }
0x63: {  	[timem:s3], [sflag:s2] =	dma.local @!p0 [hbm:s0], s1  }
0x64: {  	s0 =	simm.s32 @!p0 $0x1  }
0x65: {  	_ =	swait.ge @!p0 [sflag:s0], s1  }
0x66: {  	s1 =	ssub.s32 @!p0 $0x0, s1;
	[sflag:s0] =	ssyncset.done @!p0 $0x0  }
0x67: {  	[sflag:s0] =	ssyncadd.s32 @!p0 s1  }
0x68: {  	[bflag:$0x3] =	sbarrier.arrive $0xFFFF  }
0x69: {  	_ =	shalt  }

// kernel: sparse-core-data-format-call.cloned.1.call-start
scs
called_computation_lowered:
.L_overlay_start_0:
0x0: {  	s2 =	sld [smem:$0x3FD9]  }
0x1: {  	s3 =	sld [smem:$0x3FFE];
	_ =	sdelay $0x1  }
0x2: {  	s1 =	srdreg.scid  }
0x3: {  	s0 =	sand.u32 $0x1, s1  }
0x4: {  	s18 =	sshll.u32 s0, $0xA;
	s2 =	sadd.s32 s3, s2  }
0x5: {  	s2 =	sadd.s32 s2, s18  }
0x6: {  	[smem:$0x3FC5] =	sst s2  }
0x7: {  	_ = 	snop  }
0x8: {  	s2 =	sld [smem:$0x3FD0];
	(tm) =	ssettm $0x1  }
0x9: {  	s19 =	sld [smem:$0x3FFB];
	_ =	sdelay $0x3  }
0xa: {  	_ =	strace s19  }
0xb: {  	s3 =	sld [smem:$0x3FFC];
	_ =	sdelay $0x3  }
0xc: {  	_ =	strace s3  }
0xd: {  	s3 =	sld [smem:$0x3FFD];
	_ =	sdelay $0x3  }
0xe: {  	_ =	strace s3  }
0xf: {  	_ =	strace $0x8FFFFFFF  }
0x10: {  	s20 =	sld [smem:$0x3FDB];
	_ =	sdelay $0x1  }
0x11: {  	s4 =	simm.s32 $_scs_section_size  }
0x12: {  	s5 =	simm.s32 $_size__tile_overlayer_lowered;
	s6 =	simm.s32 $_tile_overlayer_lowered  }
0x13: {  	s23 =	simm.s32 $0x1BFF;
	s22 =	sshll.u32 s6, $0x1;
	s3 =	sadd.s32 s4, s20  }
0x14: {  	s7 =	simm.s32 $0x0;
	s21 =	sshll.u32 s5, $0x1;
	s5 =	sadd.s32 s22, s3  }
0x15: {  	[timem:s7], [sflag:s23] =	dma.local [hbm:s5], s21  }
0x16: {  	_ =	swait.ge [sflag:s23], s21  }
0x17: {  	s4 =	ssub.s32 $0x0, s21;
	[sflag:s23] =	ssyncset.done $0x0  }
0x18: {  	[sflag:s23] =	ssyncadd.s32 s4;
	_ =	sdelay $0x1  }
0x19: {  	s24 =	simm.s32 $0x1B8B  }
0x1a: {  	_ =	swait.ge [sflag:s24], $0x1  }
0x1b: {  	[sflag:s24] =	ssyncset.done $0x0  }
0x1c: {  	s26 =	simm.s32 $0x1B8E;
	s25 =	sld [smem:$0x3FFE];
	[sflag:s24] =	ssyncadd.s32 $0xFFFFFFFF  }
0x1d: {  	s27 =	simm.s32 $execute0_lowered;
	[smem:$0x3FD2] =	sst s26  }
0x1e: {  	s5 =	sshll.u32 s27, $0x1;
	_ =	strace $0x8000004C;
	[dreg:$0x1] =	wrdreg $0xFFFFFFFF  }
0x1f: {  	s28 =	simm.s32 $_size_execute0_lowered;
	s3 =	sadd.s32 s3, s5;
	[dreg:$0x0] =	wrdreg $0x0  }
0x20: {  	s5 =	sshll.u32 s28, $0x1;
	[dreg:$0x2] =	wrdreg s3  }
0x21: {  	[dreg:$0x3] =	wrdreg s5  }
0x22: {  	[dreg:$0x4] =	wrdreg $0xC0  }
0x23: {  	_ =	task [dreg:s7], $0x5FFFF  }
0x24: {  	[dreg:$0x1] =	wrdreg $0xFFFFFFFF  }
0x25: {  	[dreg:$0x0] =	wrdreg $0x60  }
0x26: {  	[dreg:$0x2] =	wrdreg s25  }
0x27: {  	[dreg:$0x3] =	wrdreg s2  }
0x28: {  	[dreg:$0x4] =	wrdreg $0x9  }
0x29: {  	_ =	task.clear_ibuf [dreg:s7], $0x5FFFF;
	_ =	strace $0x9000004C  }
0x2a: {  	s29 =	simm.s32 $0x9;
	_ =	strace $0x8000004E  }
0x2b: {  	_ =	swait.ge [sflag:s29], $0x1  }
0x2c: {  	[sflag:s29] =	ssyncadd.s32 $0xFFFFFFFF  }
0x2d: {  	_ =	strace $0x9000004E  }
0x2e: {  	_ =	sfence  }
0x2f: {  	s30 =	sld [smem:$0x0];
	_ =	sdelay $0x2  }
0x30: {  	s31 =	sshll.u32 s1, $0xD;
	s1 =	sshrl.u32 s1, $0x2  }
0x31: {  	s3 =	sand.u32 $0x4000, s31;
	s1 =	sadd.s32 s1, s30  }
0x32: {  	s0 =	sor.u32 s3, s0;
	s1 =	sshll.u32 s1, $0x11  }
0x33: {  	s0 =	sor.u32 s1, s0  }
0x34: {  	s0 =	sadd.s32 $0x8F2B, s0  }
0x35: {  	[sflag:s0] =	ssyncadd.remote.s32 $0x1  }
0x36: {  	_ =	sfence.sel $0xFFFF  }
0x37: {  	[dreg:$0x0] =	wrdreg $0xFFFFFFFF;
	(pc) =	sbr.abs _section_cstart, $3  }
0x38: {  	[dreg:$0x1] =	wrdreg $0xFFFFFFFF  }
0x39: {  	_ =	task.clear_ibuf [dreg:s7], $0x2FFFF;
	_ =	strace $0x9FFFFFFF  }
0x3a: {  	(tm) =	ssettm $0x7FFFFFFF  }
0x3b: {  	_ =	shalt  }
tec
execute0_lowered:
.L_overlay_start_1:
0x0: {  	(tag) =	ssettag $0x1  }
0x1: {  	s0 =	srdreg.scid  }
0x2: {  	s1 =	sshll.u32 s0, $0x4  }
0x3: {  	s0 =	stileid.u32;
	s1 =	sand.u32 $0x10, s1  }
0x4: {  	s1 =	sor.u32 s0, s1  }
0x5: {  	s6 =	rddreg [dreg:$0x0];
	s4 =	simm.s32 $0x1;
	s2 =	sshll.u32 s1, $0x7  }
0x6: {  	s7 =	simm.s32 $0x2;
	s12 =	simm.s32 $0x0;
	s1 =	ssub.s32 $0x4000, s2  }
0x7: {  	s8 =	simm.s32 $0x20000;
	s13 =	simm.s32 $0x0;
	s3 =	sand.u32 $0xF80, s1  }
0x8: {  	s9 =	simm.s32 $0x0;
	s5 =	sshrl.u32 s1, $0xC;
	p0 =	sne.s32 s3, $0x0  }
.Ltmp0:
0x9: {  	s1 =	rddreg [dreg:$0x2];
	s4 =	simm.s32 @!p0 $0x0;
	(pc) =	sbr.rel .LBB1_1-.Ltmp0, $4  }
0xa: {  	s11 =	simm.s32 $0x0;
	s3 =	rddreg [dreg:$0x1];
	s5 =	sadd.s32 s4, s5  }
0xb: {  	_ =	strace $0x8000004D;
	s4 =	simm.s32 $0x1;
	s5 =	smul.u32 $0x32, s5  }
0xc: {  	s6 =	sadd.s32 $0x1000, s6;
	s10 =	smov.u32 s2;
	[sflag:s4] =	ssyncpa.u1 $0x0  }
0xd: {  	p0 =	por $0x0, $0x0;
	[sflag:s7] =	ssyncpa.u1 $0x0;
	s7 =	sor.u32 $0x1, s5  }
.LBB1_4:
0xe: {  	s16 =	sshll.u32 s13, $0x3;
	s17 =	sand.u32 $0x78, s13  }
0xf: {  	s30 =	sand.u32 $0x1F800, s13;
	s12 =	sshll.u32 s12, $0x11;
	s16 =	sand.u32 $0x3C00, s16  }
0x10: {  	[tilespmem:s15+$0x810 ss:$0x81] =	vst.msk $0xffff, v2;
	s31 =	sand.u32 $0x7, s13;
	s16 =	sor.u32 s17, s16;
	s17 =	sadd.s32 s3, s30  }
0x11: {  	[tilespmem:s15+$0x1020 ss:$0x81] =	vst.msk $0xffff, v0;
	s13 =	sshll.u32 s31, $0x12;
	s12 =	sadd.s32 s12, s17;
	s16 =	sshrl.u32 s16, $0x3  }
0x12: {  	[tilespmem:s15+$0x0 ss:$0x81] =	vst.msk $0xffff, v1;
	s13 =	sor.u32 $0x400, s13;
	s12 =	sadd.s32 s16, s12  }
0x13: {  	[hbm4b:s12+s13] =	stream.strided.scatter [tilespmem:s14], [sflag:$0x2], $0x2000, s8, s13, $0x20;
	[tilespmem:$0x8080] =	vst v63  }
.LBB1_5:
0x14: {  	s14 =	sadd.s32 $0x1, s9  }
0x15: {  	s12 =	sadd.s32 $0x1000, s10;
	s16 =	smov.u32 s10;
	p2 =	sgt.s32 s14, $0x31  }
0x16: {  	s16 =	smov.u32 @p2 s12  }
0x17: {  	s14 =	simm.s32 @p2 $0x0;
	p2 =	sgt.s32 s16, $0x3FFF  }
0x18: {  	s16 =	smov.u32 @p2 s2;
	p2 =	sne.s32 s11, s7  }
.Ltmp1:
0x19: {  	p1 =	slt.u32 s11, $0x2;
	(pc) =	sbr.rel @!p2 .LBB1_6-.Ltmp1, $4  }
0x1a: {  	s15 =	simm.s32 @!p1 $0x2  }
0x1b: {  	s13 =	smov.u32 s10;
	p0 =	por !p0, !p0;
	_ =	swait.ge @!p1 [sflag:s15], $0x2000  }
0x1c: {  	s12 =	smov.u32 s9;
	[sflag:s15] =	ssyncset.done @!p1 $0x0;
	s9 =	smov.u32 s14  }
0x1d: {  	s11 =	sadd.s32 $0x1, s11;
	[sflag:s15] =	ssyncadd.s32 @!p1 $0xFFFFE000;
	s10 =	smov.u32 s16  }
.LBB1_1:
0x1e: {  	p1 =	sge.u32 s11, s5  }
0x1f: {  	s14 =	sand.u32 @!p1 $0x1FFFFFF, s9  }
0x20: {  	s15 =	smulhi.u32 @!p1 $0x4924925, s14;
	_ =	sdelay $0x1  }
0x21: {  	s15 =	smul.u32 @!p1 $0x38, s15  }
0x22: {  	s16 =	sxor.u32 @!p1 $0xFFFFFFFF, s11;
	s17 =	smul.u32 @!p1 $0x380, s10  }
0x23: {  	s31 =	sadd.s32 $0xFFFFFFFF, s11;
	s16 =	sshll.u32 @!p1 s16, $0xD;
	s14 =	ssub.s32 @!p1 s14, s15  }
0x24: {  	s15 =	sand.u32 @!p1 $0x2000, s16;
	s16 =	sadd.s32 @!p1 s6, s17;
	s14 =	sshll.u32 @!p1 s14, $0x4  }
0x25: {  	s17 =	simm.s32 @!p1 $0x1C00;
	s14 =	sadd.s32 @!p1 s14, s16;
	s16 =	simm.s32 @!p1 $0x40  }
0x26: {  	[tilespmem:s15], [sflag:$0x1] =	stream.strided.gather @!p1 [hbm4b:s14+s16], $0x2000, s17, s16, $0x38;
	[tilespmem:$0x8080] =	vst v63  }
0x27: {  	p1 =	sge.u32 s31, s5  }
.Ltmp2:
0x28: {  	_ = 	snop;
	(pc) =	sbr.rel @p1 .LBB1_5-.Ltmp2, $1  }
0x29: {  	_ =	sdelay $0x3  }
0x2a: {  	s14 =	simm.s32 $0x1  }
0x2b: {  	_ =	swait.ge [sflag:s4], $0x2000;
	s14 =	simm.s32 @!p0 $0x0  }
0x2c: {  	[sflag:s4] =	ssyncset.done $0x0;
	s15 =	sshll.u32 s14, $0xD  }
0x2d: {  	[sflag:s4] =	ssyncadd.s32 $0xFFFFE000;
	s18 =	sor.u32 $0x20, s15  }
0x2e: {  	s14 =	smul.u32 $0x8100, s14;
	v3 =	vld [tilespmem:s18+$0x10]  }
0x2f: {  	s30 =	sand.u32 $0x1, s11;
	v2 =	vld [tilespmem:s18+$0xFFFFFFF0]  }
0x30: {  	s15 =	smul.u32 $0x8100, s30;
	s14 =	sshrl.u32 s14, $0x2;
	v0 =	vld [tilespmem:s18+$0x0]  }
0x31: {  	v1 =	vld [tilespmem:s18+$0xFFFFFFE0];
	s16 =	sor.u32 $0x4000, s14  }
0x32: {  	s31 =	sshrl.u32 s15, $0x2;
	s15 =	sadd.s32 $0x0, s16  }
0x33: {  	s17 =	simm.s32 $0x4;
	s18 =	sadd.s32 $0x40, s18;
	s14 =	sor.u32 $0x4000, s31;
	[tilespmem:s15+$0x1830 ss:$0x81] =	vst.msk $0xffff, v3  }
.LBB1_3:
0x34: {  	v3 =	vld [tilespmem:s18+$0x10];
	p1 =	sne.s32 s17, $0x1FC;
	[tilespmem:s15+$0x810 ss:$0x81] =	vst.msk $0xffff, v2;
	s19 =	smov.u32 s17;
	s17 =	sadd.s32 $0x4, s17  }
.Ltmp3:
0x35: {  	v2 =	vld [tilespmem:s18+$0xFFFFFFF0];
	[tilespmem:s15+$0x1020 ss:$0x81] =	vst.msk $0xffff, v0;
	(pc) =	sbr.rel @p1 .LBB1_3-.Ltmp3, $4  }
0x36: {  	v0 =	vld [tilespmem:s18+$0x0];
	[tilespmem:s15+$0x0 ss:$0x81] =	vst.msk $0xffff, v1  }
0x37: {  	s15 =	sshra.s32 s19, $0x2;
	v1 =	vld [tilespmem:s18+$0xFFFFFFE0]  }
0x38: {  	s15 =	sadd.s32 s15, s16  }
0x39: {  	s18 =	sadd.s32 $0x40, s18;
	[tilespmem:s15+$0x1830 ss:$0x81] =	vst.msk $0xffff, v3  }
.Ltmp4:
0x3a: {  	_ = 	snop;
	(pc) =	sbr.rel .LBB1_4-.Ltmp4, $1  }
0x3b: {  	_ =	sdelay $0x3  }
.LBB1_6:
0x3c: {  	_ =	sfence.sel $0x180000  }
0x3d: {  	s2 =	simm.s32 $0x1;
	[bflag:$0x0] =	sbarrier.arrive $0xFFFF  }
0x3e: {  	s31 =	simm.s32 $0x2;
	[sflag:s2] =	ssyncpa.u1 $0x1  }
0x3f: {  	[sflag:s31] =	ssyncpa.u1 $0x1  }
0x40: {  	p0 =	sne.s32 s0, $0x0;
	_ =	strace $0x9000004D  }
0x41: {  	s0 =	sadd.s32 @!p0 $0x100000, s1;
	[bflag:$0x2] =	sbarrier.arrive $0xFFFF  }
0x42: {  	[sflag:s0] =	ssyncadd.tile.s32 @!p0 $0x1;
	_ =	shalt  }
.Lfunc_end1:
_tile_overlayer_lowered:
.L_overlay_start_2:
0x43: {  	(tag) =	ssettag $0x2  }
0x44: {  	s0 =	rddreg [dreg:$0x0];
	s2 =	stileid.u32  }
0x45: {  	s1 =	rddreg [dreg:$0x1];
	p0 =	sne.s32 s2, $0x0  }
0x46: {  	s3 =	rddreg [dreg:$0x2];
	[bflag:$0x3] =	sbarrier.arrive $0xFFFF;
	s2 =	simm.s32 @!p0 $0x1C01  }
0x47: {  	[timem:s3], [sflag:s2] =	dma.local @!p0 [hbm:s0], s1  }
0x48: {  	s0 =	simm.s32 @!p0 $0x1  }
0x49: {  	_ =	swait.ge @!p0 [sflag:s0], s1  }
0x4a: {  	s1 =	ssub.s32 @!p0 $0x0, s1;
	[sflag:s0] =	ssyncset.done @!p0 $0x0  }
0x4b: {  	[sflag:s0] =	ssyncadd.s32 @!p0 s1  }
0x4c: {  	[bflag:$0x3] =	sbarrier.arrive $0xFFFF  }
0x4d: {  	_ =	shalt  }

</sc_bundles>
